<compile_context>
chip_gen: v7x
topology: tpu7x:2x2x1
jax: 0.10.2.dev20260603
libtpu: 0.0.44.dev20260713+nightly
codegen_flags: <defaults>
</compile_context>

<pallas_src>
import dataclasses
import functools

import jax
import jax.numpy as jnp
from jax import lax
from jax.experimental import pallas as pl
from jax.experimental.pallas import tpu as pltpu
from jax.experimental.pallas import tpu_sc as plsc

N = 10000
E = 160000
D = 256

NC = 2
NS = 16
W = 40
EPT = E // NS
NWIN = EPT // W
NPAIR = NWIN // 2
ROWW = 136
NSTRIDE = 624
NSPAN = 640


def _proj_body(x_ref, w_ref, b_ref, q_ref, k_ref, v_ref, xr_ref):
    y = jnp.dot(x_ref[...], w_ref[...], preferred_element_type=jnp.float32)
    y = y + b_ref[...]
    q_ref[0] = y[:, 0:128]
    q_ref[1] = y[:, 128:256]
    k_ref[0] = y[:, 256:384]
    k_ref[1] = y[:, 384:512]
    v_ref[0] = y[:, 512:640]
    v_ref[1] = y[:, 640:768]
    xr_ref[...] = y[:, 768:1024]


def _project(x, wall, ball):
    bn = 1000
    grid = (N // bn,)
    out_shapes = (
        jax.ShapeDtypeStruct((2, N, 128), jnp.float32),
        jax.ShapeDtypeStruct((2, N, 128), jnp.float32),
        jax.ShapeDtypeStruct((2, N, 128), jnp.float32),
        jax.ShapeDtypeStruct((N, 256), jnp.float32),
    )
    pair_spec = pl.BlockSpec((2, bn, 128), lambda i: (0, i, 0))
    return pl.pallas_call(
        _proj_body,
        grid=grid,
        in_specs=[
            pl.BlockSpec((bn, D), lambda i: (i, 0)),
            pl.BlockSpec((D, 1024), lambda i: (0, 0)),
            pl.BlockSpec((1, 1024), lambda i: (0, 0)),
        ],
        out_specs=(pair_spec, pair_spec, pair_spec,
                   pl.BlockSpec((bn, 256), lambda i: (i, 0))),
        out_shape=out_shapes,
    )(x, wall, ball)


def _sc_edge_kernel(qcat, kcat, vcat, src, dst):
    mesh = plsc.VectorSubcoreMesh(core_axis_name="c", subcore_axis_name="s")
    cp = pltpu.CompilerParams()
    if "needs_layout_passes" in pltpu.CompilerParams.__dataclass_fields__:
        cp = dataclasses.replace(cp, needs_layout_passes=False)
    if "use_tc_tiling_on_sc" in pltpu.CompilerParams.__dataclass_fields__:
        cp = dataclasses.replace(cp, use_tc_tiling_on_sc=False)

    idx_t = pltpu.VMEM((W,), jnp.int32)
    row_t = pltpu.VMEM((W, 128), jnp.float32)
    msg_t = pltpu.VMEM((W, ROWW), jnp.float32)
    bufset = [idx_t, idx_t, idx_t, idx_t, idx_t, row_t, row_t, row_t, msg_t]

    @functools.partial(
        pl.kernel,
        out_type=jax.ShapeDtypeStruct((2, N, ROWW), jnp.float32),
        mesh=mesh,
        compiler_params=cp,
        scratch_types=bufset + bufset + [
            pltpu.VMEM_SHARED((N, ROWW), jnp.float32),
        ] + [pltpu.SemaphoreType.DMA] * 10,
    )
    def k(q_hbm, k_hbm, v_hbm, src_hbm, dst_hbm, out_hbm,
          srciA, dstiA, srcaA, dstaA, sdxA, qdA, ksA, vsA, msgA,
          srciB, dstiB, srcaB, dstaB, sdxB, qdB, ksB, vsB, msgB,
          acc, s_ia, s_ib, s_gaq, s_gak, s_gav, s_gbq, s_gbk, s_gbv,
          s_sa, s_sb):
        cid = lax.axis_index("c")
        sid = lax.axis_index("s")
        zero = jnp.zeros((16,), jnp.float32)
        lanes = lax.iota(jnp.int32, 16)
        m8 = jnp.where(lanes == 8, 1.0, 0.0).astype(jnp.float32)
        m9 = jnp.where(lanes == 9, 1.0, 0.0).astype(jnp.float32)
        mlow = jnp.where(lanes < 8, 1.0, 0.0).astype(jnp.float32)
        shift8 = jnp.minimum(lanes + 8, 15)
        coff = cid * N
        edge_base = sid * EPT
        node_base = sid * NSTRIDE

        def adjust(srci, dsti, srca, dsta):
            @pl.loop(0, W - 16, step=16)
            def _(j):
                srca[pl.ds(j, 16)] = srci[pl.ds(j, 16)] + coff
                dsta[pl.ds(j, 16)] = dsti[pl.ds(j, 16)] + coff

            srca[pl.ds(W - 16, 16)] = srci[pl.ds(W - 16, 16)] + coff
            dsta[pl.ds(W - 16, 16)] = dsti[pl.ds(W - 16, 16)] + coff

        def snapshot_dst(dsti, sdx):
            @pl.loop(0, W - 16, step=16)
            def _(j):
                sdx[pl.ds(j, 16)] = dsti[pl.ds(j, 16)]

            sdx[pl.ds(W - 16, 16)] = dsti[pl.ds(W - 16, 16)]

        def load_idx(w, srci, dsti, sem):
            eb = edge_base + w * W
            pltpu.sync_copy(src_hbm.at[pl.ds(eb, W)], srci)
            pltpu.sync_copy(dst_hbm.at[pl.ds(eb, W)], dsti)

        def wait_idx(srci, dsti, sem):
            pass

        def start_gathers(srca, dsta, qd, ks, vs, sq, sk, sv):
            pltpu.async_copy(q_hbm.at[dsta], qd, sq)
            pltpu.async_copy(k_hbm.at[srca], ks, sk)
            pltpu.async_copy(v_hbm.at[srca], vs, sv)

        def wait_gathers(srca, dsta, qd, ks, vs, sq, sk, sv):
            pltpu.make_async_copy(q_hbm.at[dsta], qd, sq).wait()
            pltpu.make_async_copy(k_hbm.at[srca], ks, sk).wait()
            pltpu.make_async_copy(v_hbm.at[srca], vs, sv).wait()

        def compute(qd, ks, vs, msg):
            @pl.loop(0, W, step=4)
            def _(eb4):
                for o in range(4):
                    e = eb4 + o
                    p0 = qd[e, pl.ds(0, 16)] * ks[e, pl.ds(0, 16)]
                    p0 = p0 + qd[e, pl.ds(16, 16)] * ks[e, pl.ds(16, 16)]
                    p0 = p0 + qd[e, pl.ds(32, 16)] * ks[e, pl.ds(32, 16)]
                    p0 = p0 + qd[e, pl.ds(48, 16)] * ks[e, pl.ds(48, 16)]
                    a0 = jnp.sum(p0)
                    p1 = qd[e, pl.ds(64, 16)] * ks[e, pl.ds(64, 16)]
                    p1 = p1 + qd[e, pl.ds(80, 16)] * ks[e, pl.ds(80, 16)]
                    p1 = p1 + qd[e, pl.ds(96, 16)] * ks[e, pl.ds(96, 16)]
                    p1 = p1 + qd[e, pl.ds(112, 16)] * ks[e, pl.ds(112, 16)]
                    a1 = jnp.sum(p1)
                    e0 = jnp.exp(jnp.full((16,), a0, jnp.float32))
                    e1 = jnp.exp(jnp.full((16,), a1, jnp.float32))
                    msg[e, pl.ds(0, 16)] = vs[e, pl.ds(0, 16)] * e0
                    msg[e, pl.ds(16, 16)] = vs[e, pl.ds(16, 16)] * e0
                    msg[e, pl.ds(32, 16)] = vs[e, pl.ds(32, 16)] * e0
                    msg[e, pl.ds(48, 16)] = vs[e, pl.ds(48, 16)] * e0
                    msg[e, pl.ds(64, 16)] = vs[e, pl.ds(64, 16)] * e1
                    msg[e, pl.ds(80, 16)] = vs[e, pl.ds(80, 16)] * e1
                    msg[e, pl.ds(96, 16)] = vs[e, pl.ds(96, 16)] * e1
                    v7 = vs[e, pl.ds(112, 16)]
                    msg[e, pl.ds(112, 16)] = v7 * e1
                    tl = lax.gather(
                        v7, shift8[:, None],
                        lax.GatherDimensionNumbers(
                            offset_dims=(), collapsed_slice_dims=(0,),
                            start_index_map=(0,)),
                        slice_sizes=(1,),
                        mode=lax.GatherScatterMode.PROMISE_IN_BOUNDS)
                    msg[e, pl.ds(120, 16)] = tl * (e1 * mlow) + e0 * m8 + e1 * m9

        def start_scatter(msg, sdx, sem):
            pltpu.sync_copy(msg, acc.at[sdx], add=True)

        def wait_scatter(msg, sdx, sem):
            pass

        @pl.loop(0, W)
        def _(e):
            @pl.loop(0, 128, step=16)
            def _(j):
                msgA[e, pl.ds(j, 16)] = zero

            msgA[e, pl.ds(120, 16)] = zero

        @pl.loop(0, NSPAN // W)
        def _(i):
            pltpu.sync_copy(msgA, acc.at[pl.ds(node_base + i * W, W)])

        plsc.subcore_barrier()

        pltpu.sync_copy(src_hbm.at[pl.ds(edge_base, W)], srciA)
        pltpu.sync_copy(dst_hbm.at[pl.ds(edge_base, W)], dstiA)
        adjust(srciA, dstiA, srcaA, dstaA)
        start_gathers(srcaA, dstaA, qdA, ksA, vsA, s_gaq, s_gak, s_gav)
        load_idx(1, srciB, dstiB, s_ib)

        @pl.loop(0, NPAIR)
        def _(i):
            w = 2 * i
            wnext_a = jnp.minimum(w + 2, NWIN - 2)
            wnext_b = jnp.minimum(w + 3, NWIN - 1)
            wait_idx(srciB, dstiB, s_ib)
            adjust(srciB, dstiB, srcaB, dstaB)
            start_gathers(srcaB, dstaB, qdB, ksB, vsB, s_gbq, s_gbk, s_gbv)
            wait_gathers(srcaA, dstaA, qdA, ksA, vsA, s_gaq, s_gak, s_gav)

            @pl.when(i > 0)
            def _():
                wait_scatter(msgA, sdxA, s_sa)

            snapshot_dst(dstiA, sdxA)
            load_idx(wnext_a, srciA, dstiA, s_ia)
            compute(qdA, ksA, vsA, msgA)
            start_scatter(msgA, sdxA, s_sa)
            wait_idx(srciA, dstiA, s_ia)
            adjust(srciA, dstiA, srcaA, dstaA)
            start_gathers(srcaA, dstaA, qdA, ksA, vsA, s_gaq, s_gak, s_gav)
            wait_gathers(srcaB, dstaB, qdB, ksB, vsB, s_gbq, s_gbk, s_gbv)

            @pl.when(i > 0)
            def _():
                wait_scatter(msgB, sdxB, s_sb)

            snapshot_dst(dstiB, sdxB)
            load_idx(wnext_b, srciB, dstiB, s_ib)
            compute(qdB, ksB, vsB, msgB)
            start_scatter(msgB, sdxB, s_sb)

        wait_scatter(msgA, sdxA, s_sa)
        wait_scatter(msgB, sdxB, s_sb)
        wait_gathers(srcaA, dstaA, qdA, ksA, vsA, s_gaq, s_gak, s_gav)
        wait_idx(srciB, dstiB, s_ib)

        plsc.subcore_barrier()
        pltpu.sync_copy(acc.at[pl.ds(node_base, NSPAN)],
                        out_hbm.at[cid, pl.ds(node_base, NSPAN)])

    return k(qcat, kcat, vcat, src, dst)


def _fin_body(acc_ref, xr_ref, wa_ref, wb_ref, o_ref):
    a0 = acc_ref[0]
    a1 = acc_ref[1]
    msg = jnp.concatenate([a0[:, 0:128], a1[:, 0:128]], axis=1)
    den4 = jnp.concatenate(
        [a0[:, 128:129], a0[:, 129:130], a1[:, 128:129], a1[:, 129:130]], axis=1)
    sel = (jax.lax.broadcasted_iota(jnp.int32, (4, 256), 1) // 64
           == jax.lax.broadcasted_iota(jnp.int32, (4, 256), 0)).astype(jnp.float32)
    den = jnp.dot(den4, sel, preferred_element_type=jnp.float32) + 1e-16
    out = msg / den
    xr = xr_ref[...]
    s = (jnp.dot(out, wa_ref[...], preferred_element_type=jnp.float32)
         + jnp.dot(xr, wb_ref[...], preferred_element_type=jnp.float32))
    g = jax.nn.sigmoid(s)
    o_ref[...] = g * xr + (1.0 - g) * out


def _finalize(acc, xr, wa, wb):
    bn = 1000
    return pl.pallas_call(
        _fin_body,
        grid=(N // bn,),
        in_specs=[
            pl.BlockSpec((2, bn, ROWW), lambda i: (0, i, 0)),
            pl.BlockSpec((bn, 256), lambda i: (i, 0)),
            pl.BlockSpec((256, 1), lambda i: (0, 0)),
            pl.BlockSpec((256, 1), lambda i: (0, 0)),
        ],
        out_specs=pl.BlockSpec((bn, 256), lambda i: (i, 0)),
        out_shape=jax.ShapeDtypeStruct((N, 256), jnp.float32),
    )(acc, xr, wa, wb)


def kernel(x, edge_index, Wq, bq, Wk, bk, Wv, bv, Wskip, bskip, Wbeta):
    wall = jnp.concatenate([Wq, Wk * 0.125, Wv, Wskip], axis=1)
    ball = jnp.concatenate([bq, bk * 0.125, bv, bskip]).reshape(1, 1024)
    qh, kh, vh, xr = _project(x, wall, ball)
    qcat = qh.reshape(2 * N, 128)
    kcat = kh.reshape(2 * N, 128)
    vcat = vh.reshape(2 * N, 128)
    src = edge_index[0]
    dst = edge_index[1]
    acc = _sc_edge_kernel(qcat, kcat, vcat, src, dst)
    wa = Wbeta[0:256] + Wbeta[512:768]
    wb = Wbeta[256:512] - Wbeta[512:768]
    return _finalize(acc, xr, wa, wb)

# --- scband reference (transcript-rebuilt; emitter-appended) ---
"""Pipeline reference for scband-uni-mp-80711025426647 (READ-ONLY COPY).

The authoritative reference and input builder live on the scoring server;
editing this copy changes nothing except your own understanding.
"""

import jax, jax.numpy as jnp
import numpy as np

N = 10000
E = 160000
D = 256
H = 4
C = 64


def setup_inputs(seed: int = 0) -> dict:
    key = jax.random.key(seed)
    ks = [jax.random.fold_in(key, i) for i in range(12)]
    x = jax.random.normal(ks[0], (N, D), dtype=jnp.float32)
    edge_index = jax.random.randint(ks[1], (2, E), 0, N, dtype=jnp.int32)
    s_in = 1.0 / np.sqrt(D)
    Wq = jax.random.normal(ks[2], (D, H * C), dtype=jnp.float32) * s_in
    bq = jnp.zeros((H * C,), dtype=jnp.float32)
    Wk = jax.random.normal(ks[3], (D, H * C), dtype=jnp.float32) * s_in
    bk = jnp.zeros((H * C,), dtype=jnp.float32)
    Wv = jax.random.normal(ks[4], (D, H * C), dtype=jnp.float32) * s_in
    bv = jnp.zeros((H * C,), dtype=jnp.float32)
    Wskip = jax.random.normal(ks[5], (D, H * C), dtype=jnp.float32) * s_in
    bskip = jnp.zeros((H * C,), dtype=jnp.float32)
    Wbeta = jax.random.normal(ks[6], (3 * H * C, 1), dtype=jnp.float32) * (1.0 / np.sqrt(3 * H * C))
    return {"x": x, "edge_index": edge_index, "Wq": Wq, "bq": bq, "Wk": Wk, "bk": bk,
            "Wv": Wv, "bv": bv, "Wskip": Wskip, "bskip": bskip, "Wbeta": Wbeta}


def reference(x, edge_index, Wq, bq, Wk, bk, Wv, bv, Wskip, bskip, Wbeta):
    # TransformerConv (UniMP), heads=4, out_channels=64, concat=True, beta=True, eval mode (no dropout)
    n = x.shape[0]
    q = (x @ Wq + bq).reshape(n, H, C)
    k = (x @ Wk + bk).reshape(n, H, C)
    v = (x @ Wv + bv).reshape(n, H, C)
    src = edge_index[0]
    dst = edge_index[1]
    # attention logits per edge, per head
    alpha = jnp.sum(q[dst] * k[src], axis=-1) / jnp.sqrt(jnp.float32(C))  # [E, H]
    # segment softmax over incoming edges of each dst node
    amax = jax.ops.segment_max(alpha, dst, num_segments=n)  # [n, H]
    amax = jax.lax.stop_gradient(amax)
    ex = jnp.exp(alpha - amax[dst])
    denom = jax.ops.segment_sum(ex, dst, num_segments=n)  # [n, H]
    attn = ex / (denom[dst] + 1e-16)  # [E, H]
    msg = v[src] * attn[..., None]  # [E, H, C]
    out = jax.ops.segment_sum(msg, dst, num_segments=n)  # [n, H, C]
    out = out.reshape(n, H * C)  # concat=True
    # beta gated skip connection
    x_r = x @ Wskip + bskip
    beta_gate = jax.nn.sigmoid(jnp.concatenate([out, x_r, out - x_r], axis=-1) @ Wbeta)  # [n, 1]
    out = beta_gate * x_r + (1.0 - beta_gate) * out
    return out

if __name__ == "__main__":
    import jax
    _d = setup_inputs()
    print(jax.jit(kernel)(*tuple(_d.values())))

</pallas_src>

<mosaic_0001>
#map = affine_map<(d0, d1) -> (0, 0)>
#map1 = affine_map<(d0, d1) -> (0)>
#map2 = affine_map<(d0, d1) -> (0, 0, 0)>
module attributes {stable_mosaic.version = 14 : i64} {
  func.func @k(%arg0: i32, %arg1: i32, %arg2: memref<20000x128xf32, #tpu.memory_space<hbm>>, %arg3: memref<20000x128xf32, #tpu.memory_space<hbm>>, %arg4: memref<20000x128xf32, #tpu.memory_space<hbm>>, %arg5: memref<160000xi32, #tpu.memory_space<hbm>>, %arg6: memref<160000xi32, #tpu.memory_space<hbm>>, %arg7: memref<2x10000x136xf32, #tpu.memory_space<hbm>>, %arg8: memref<40xi32, #tpu.memory_space<vmem>>, %arg9: memref<40xi32, #tpu.memory_space<vmem>>, %arg10: memref<40xi32, #tpu.memory_space<vmem>>, %arg11: memref<40xi32, #tpu.memory_space<vmem>>, %arg12: memref<40xi32, #tpu.memory_space<vmem>>, %arg13: memref<40x128xf32, #tpu.memory_space<vmem>>, %arg14: memref<40x128xf32, #tpu.memory_space<vmem>>, %arg15: memref<40x128xf32, #tpu.memory_space<vmem>>, %arg16: memref<40x136xf32, #tpu.memory_space<vmem>>, %arg17: memref<40xi32, #tpu.memory_space<vmem>>, %arg18: memref<40xi32, #tpu.memory_space<vmem>>, %arg19: memref<40xi32, #tpu.memory_space<vmem>>, %arg20: memref<40xi32, #tpu.memory_space<vmem>>, %arg21: memref<40xi32, #tpu.memory_space<vmem>>, %arg22: memref<40x128xf32, #tpu.memory_space<vmem>>, %arg23: memref<40x128xf32, #tpu.memory_space<vmem>>, %arg24: memref<40x128xf32, #tpu.memory_space<vmem>>, %arg25: memref<40x136xf32, #tpu.memory_space<vmem>>, %arg26: memref<10000x136xf32, #tpu.memory_space<vmem_shared>>, %arg27: memref<!tpu.dma_semaphore, #tpu.memory_space<semaphore_mem>>, %arg28: memref<!tpu.dma_semaphore, #tpu.memory_space<semaphore_mem>>, %arg29: memref<!tpu.dma_semaphore, #tpu.memory_space<semaphore_mem>>, %arg30: memref<!tpu.dma_semaphore, #tpu.memory_space<semaphore_mem>>, %arg31: memref<!tpu.dma_semaphore, #tpu.memory_space<semaphore_mem>>, %arg32: memref<!tpu.dma_semaphore, #tpu.memory_space<semaphore_mem>>, %arg33: memref<!tpu.dma_semaphore, #tpu.memory_space<semaphore_mem>>, %arg34: memref<!tpu.dma_semaphore, #tpu.memory_space<semaphore_mem>>, %arg35: memref<!tpu.dma_semaphore, #tpu.memory_space<semaphore_mem>>, %arg36: memref<!tpu.dma_semaphore, #tpu.memory_space<semaphore_mem>>) attributes {dimension_semantics = [#tpu.dimension_semantics<core_parallel>, #tpu.dimension_semantics<subcore_parallel>], iteration_bounds = array<i64: 2, 16>, scalar_prefetch = 0 : i64, scratch_operands = 29 : i64, tpu.core_type = #tpu.core_type<sc_vector_subcore>, window_params = [{transform_indices = #map}, {transform_indices = #map}, {transform_indices = #map}, {transform_indices = #map1}, {transform_indices = #map1}, {transform_indices = #map2}]} {
    %broadcast_in_dim3A = arith.constant 0.000000e+00 : f32
    %broadcast_in_dim3A_0 = vector.broadcast %broadcast_in_dim3A : f32 to vector<16xf32>
    %iota3A = tpu.iota {dimensions = array<i32: 0>} : vector<16xi32>
    %eq3A = arith.constant 8 : i32
    %eq3A_1 = vector.broadcast %eq3A : i32 to vector<16xi32>
    %eq3A_2 = arith.cmpi eq, %iota3A, %eq3A_1 : vector<16xi32>
    %jit3A = arith.constant 1.000000e+00 : f32
    %jit3A_3 = arith.constant 0.000000e+00 : f32
    %broadcast_in_dim3A_4 = vector.broadcast %jit3A : f32 to vector<16xf32>
    %broadcast_in_dim3A_5 = vector.broadcast %jit3A_3 : f32 to vector<16xf32>
    %select_n3A = arith.select %eq3A_2, %broadcast_in_dim3A_4, %broadcast_in_dim3A_5 : vector<16xi1>, vector<16xf32>
    %eq3A_6 = arith.constant 9 : i32
    %eq3A_7 = vector.broadcast %eq3A_6 : i32 to vector<16xi32>
    %eq3A_8 = arith.cmpi eq, %iota3A, %eq3A_7 : vector<16xi32>
    %jit3A_9 = arith.constant 1.000000e+00 : f32
    %jit3A_10 = arith.constant 0.000000e+00 : f32
    %broadcast_in_dim3A_11 = vector.broadcast %jit3A_9 : f32 to vector<16xf32>
    %broadcast_in_dim3A_12 = vector.broadcast %jit3A_10 : f32 to vector<16xf32>
    %select_n3A_13 = arith.select %eq3A_8, %broadcast_in_dim3A_11, %broadcast_in_dim3A_12 : vector<16xi1>, vector<16xf32>
    %lt3A = arith.constant 8 : i32
    %lt3A_14 = vector.broadcast %lt3A : i32 to vector<16xi32>
    %lt3A_15 = arith.cmpi slt, %iota3A, %lt3A_14 : vector<16xi32>
    %jit3A_16 = arith.constant 1.000000e+00 : f32
    %jit3A_17 = arith.constant 0.000000e+00 : f32
    %broadcast_in_dim3A_18 = vector.broadcast %jit3A_16 : f32 to vector<16xf32>
    %broadcast_in_dim3A_19 = vector.broadcast %jit3A_17 : f32 to vector<16xf32>
    %select_n3A_20 = arith.select %lt3A_15, %broadcast_in_dim3A_18, %broadcast_in_dim3A_19 : vector<16xi1>, vector<16xf32>
    %add3A = arith.constant 8 : i32
    %add3A_21 = vector.broadcast %add3A : i32 to vector<16xi32>
    %add3A_22 = arith.addi %iota3A, %add3A_21 : vector<16xi32>
    %min3A = arith.constant 15 : i32
    %min3A_23 = vector.broadcast %min3A : i32 to vector<16xi32>
    %min3A_24 = arith.minsi %add3A_22, %min3A_23 : vector<16xi32>
    %mul3A = arith.constant 10000 : i32
    %mul3A_25 = arith.muli %arg0, %mul3A : i32
    %mul3A_26 = arith.constant 10000 : i32
    %mul3A_27 = arith.muli %arg1, %mul3A_26 : i32
    %mul3A_28 = arith.constant 624 : i32
    %mul3A_29 = arith.muli %arg1, %mul3A_28 : i32
    %scan3A = arith.constant 0 : i32
    %scan3A_30 = arith.constant 40 : i32
    %scan3A_31 = arith.addi %scan3A, %scan3A_30 : i32
    %scan3A_32 = arith.constant 1 : i32
    scf.for %scan3A_78 = %scan3A to %scan3A_31 step %scan3A_32  : i32 {
      %mul3A_79 = arith.constant 1 : i32
      %mul3A_80 = arith.muli %scan3A_78, %mul3A_79 : i32
      %add3A_81 = arith.constant 0 : i32
      %add3A_82 = arith.addi %add3A_81, %mul3A_80 : i32
      %scan3A_83 = arith.constant 0 : i32
      %scan3A_84 = arith.constant 8 : i32
      %scan3A_85 = arith.addi %scan3A_83, %scan3A_84 : i32
      %scan3A_86 = arith.constant 1 : i32
      scf.for %scan3A_91 = %scan3A_83 to %scan3A_85 step %scan3A_86  : i32 {
        %mul3A_92 = arith.constant 16 : i32
        %mul3A_93 = arith.muli %scan3A_91, %mul3A_92 : i32
        %add3A_94 = arith.constant 0 : i32
        %add3A_95 = arith.addi %add3A_94, %mul3A_93 : i32
        %swap3A_96 = arith.index_cast %add3A_82 : i32 to index
        %swap3A_97 = arith.index_cast %add3A_95 : i32 to index
        %swap3A_98 = tpu.vector_load %arg16[%swap3A_96, %swap3A_97] {strides = array<i32>} : memref<40x136xf32, #tpu.memory_space<vmem>>, vector<16xf32>,
        tpu.vector_store %arg16[%swap3A_96, %swap3A_97], %broadcast_in_dim3A_0 {strides = array<i32>} : memref<40x136xf32, #tpu.memory_space<vmem>>, vector<16xf32>,
      }
      %scan3A_87 = arith.constant 8 : i32
      %swap3A_88 = arith.index_cast %add3A_82 : i32 to index
      %swap3A_89 = arith.constant 120 : index
      %swap3A_90 = tpu.vector_load %arg16[%swap3A_88, %swap3A_89] {strides = array<i32>} : memref<40x136xf32, #tpu.memory_space<vmem>>, vector<16xf32>,
      tpu.vector_store %arg16[%swap3A_88, %swap3A_89], %broadcast_in_dim3A_0 {strides = array<i32>} : memref<40x136xf32, #tpu.memory_space<vmem>>, vector<16xf32>,
    }
    %scan3A_33 = arith.constant 40 : i32
    %scan3A_34 = arith.constant 0 : i32
    %scan3A_35 = arith.constant 16 : i32
    %scan3A_36 = arith.addi %scan3A_34, %scan3A_35 : i32
    %scan3A_37 = arith.constant 1 : i32
    scf.for %scan3A_78 = %scan3A_34 to %scan3A_36 step %scan3A_37  : i32 {
      %mul3A_79 = arith.constant 1 : i32
      %mul3A_80 = arith.muli %scan3A_78, %mul3A_79 : i32
      %add3A_81 = arith.constant 0 : i32
      %add3A_82 = arith.addi %add3A_81, %mul3A_80 : i32
      %mul3A_83 = arith.constant 40 : i32
      %mul3A_84 = arith.muli %add3A_82, %mul3A_83 : i32
      %add3A_85 = arith.addi %mul3A_29, %mul3A_84 : i32
      "tpu.region"() ({
        %run_scoped3A = tpu.sem_alloc : memref<!tpu.dma_semaphore, #tpu.memory_space<semaphore_mem>>
        %dma_start3A_86 = arith.constant 0 : i32
        %dma_start3A_87 = tpu.memref_slice %arg26[%add3A_85, %dma_start3A_86] : memref<10000x136xf32, #tpu.memory_space<vmem_shared>> -> memref<40x136xf32, #tpu.memory_space<vmem_shared>>
        %dma_start3A_88 = arith.constant 0 : i32
        %dma_start3A_89 = tpu.memref_slice %arg26[%add3A_85, %dma_start3A_88] : memref<10000x136xf32, #tpu.memory_space<vmem_shared>> -> memref<40x136xf32, #tpu.memory_space<vmem_shared>>
        tpu.enqueue_dma source(%arg16 : memref<40x136xf32, #tpu.memory_space<vmem>>) target(%dma_start3A_89 : memref<40x136xf32, #tpu.memory_space<vmem_shared>>) target_semaphore(%run_scoped3A : memref<!tpu.dma_semaphore, #tpu.memory_space<semaphore_mem>>)
        %dma_wait3A_90 = arith.constant 0 : i32
        %dma_wait3A_91 = tpu.memref_slice %arg26[%add3A_85, %dma_wait3A_90] : memref<10000x136xf32, #tpu.memory_space<vmem_shared>> -> memref<40x136xf32, #tpu.memory_space<vmem_shared>>
        %dma_wait3A_92 = arith.constant 0 : i32
        %dma_wait3A_93 = tpu.memref_slice %arg26[%add3A_85, %dma_wait3A_92] : memref<10000x136xf32, #tpu.memory_space<vmem_shared>> -> memref<40x136xf32, #tpu.memory_space<vmem_shared>>
        tpu.wait_dma2 semaphore(%run_scoped3A : memref<!tpu.dma_semaphore, #tpu.memory_space<semaphore_mem>>) src(%arg16 : memref<40x136xf32, #tpu.memory_space<vmem>>) dst(%dma_wait3A_93 : memref<40x136xf32, #tpu.memory_space<vmem_shared>>)
        tpu.yield
      }) : () -> ()
    }
    %scan3A_38 = arith.constant 16 : i32
    %barrier3A = arith.constant 0 : index
    tpu.barrier barrier_id(%barrier3A)
    "tpu.region"() ({
      %run_scoped3A = tpu.sem_alloc : memref<!tpu.dma_semaphore, #tpu.memory_space<semaphore_mem>>
      %dma_start3A_78 = tpu.memref_slice %arg5[%mul3A_27] : memref<160000xi32, #tpu.memory_space<hbm>> -> memref<40xi32, #tpu.memory_space<hbm>>
      %dma_start3A_79 = tpu.memref_slice %arg5[%mul3A_27] : memref<160000xi32, #tpu.memory_space<hbm>> -> memref<40xi32, #tpu.memory_space<hbm>>
      tpu.enqueue_dma source(%dma_start3A_79 : memref<40xi32, #tpu.memory_space<hbm>>) target(%arg8 : memref<40xi32, #tpu.memory_space<vmem>>) target_semaphore(%run_scoped3A : memref<!tpu.dma_semaphore, #tpu.memory_space<semaphore_mem>>)
      %dma_wait3A_80 = tpu.memref_slice %arg5[%mul3A_27] : memref<160000xi32, #tpu.memory_space<hbm>> -> memref<40xi32, #tpu.memory_space<hbm>>
      %dma_wait3A_81 = tpu.memref_slice %arg5[%mul3A_27] : memref<160000xi32, #tpu.memory_space<hbm>> -> memref<40xi32, #tpu.memory_space<hbm>>
      tpu.wait_dma2 semaphore(%run_scoped3A : memref<!tpu.dma_semaphore, #tpu.memory_space<semaphore_mem>>) src(%dma_wait3A_81 : memref<40xi32, #tpu.memory_space<hbm>>) dst(%arg8 : memref<40xi32, #tpu.memory_space<vmem>>)
      tpu.yield
    }) : () -> ()
    "tpu.region"() ({
      %run_scoped3A = tpu.sem_alloc : memref<!tpu.dma_semaphore, #tpu.memory_space<semaphore_mem>>
      %dma_start3A_78 = tpu.memref_slice %arg6[%mul3A_27] : memref<160000xi32, #tpu.memory_space<hbm>> -> memref<40xi32, #tpu.memory_space<hbm>>
      %dma_start3A_79 = tpu.memref_slice %arg6[%mul3A_27] : memref<160000xi32, #tpu.memory_space<hbm>> -> memref<40xi32, #tpu.memory_space<hbm>>
      tpu.enqueue_dma source(%dma_start3A_79 : memref<40xi32, #tpu.memory_space<hbm>>) target(%arg9 : memref<40xi32, #tpu.memory_space<vmem>>) target_semaphore(%run_scoped3A : memref<!tpu.dma_semaphore, #tpu.memory_space<semaphore_mem>>)
      %dma_wait3A_80 = tpu.memref_slice %arg6[%mul3A_27] : memref<160000xi32, #tpu.memory_space<hbm>> -> memref<40xi32, #tpu.memory_space<hbm>>
      %dma_wait3A_81 = tpu.memref_slice %arg6[%mul3A_27] : memref<160000xi32, #tpu.memory_space<hbm>> -> memref<40xi32, #tpu.memory_space<hbm>>
      tpu.wait_dma2 semaphore(%run_scoped3A : memref<!tpu.dma_semaphore, #tpu.memory_space<semaphore_mem>>) src(%dma_wait3A_81 : memref<40xi32, #tpu.memory_space<hbm>>) dst(%arg9 : memref<40xi32, #tpu.memory_space<vmem>>)
      tpu.yield
    }) : () -> ()
    %scan3A_39 = arith.constant 0 : i32
    %scan3A_40 = arith.constant 2 : i32
    %scan3A_41 = arith.addi %scan3A_39, %scan3A_40 : i32
    %scan3A_42 = arith.constant 1 : i32
    scf.for %scan3A_78 = %scan3A_39 to %scan3A_41 step %scan3A_42  : i32 {
      %mul3A_79 = arith.constant 16 : i32
      %mul3A_80 = arith.muli %scan3A_78, %mul3A_79 : i32
      %add3A_81 = arith.constant 0 : i32
      %add3A_82 = arith.addi %add3A_81, %mul3A_80 : i32
      %get3A_83 = arith.index_cast %add3A_82 : i32 to index
      %get3A_84 = tpu.vector_load %arg8[%get3A_83] {strides = array<i32>} : memref<40xi32, #tpu.memory_space<vmem>>, vector<16xi32>,
      %add3A_85 = vector.broadcast %mul3A_25 : i32 to vector<16xi32>
      %add3A_86 = arith.addi %get3A_84, %add3A_85 : vector<16xi32>
      %swap3A_87 = arith.index_cast %add3A_82 : i32 to index
      %swap3A_88 = tpu.vector_load %arg10[%swap3A_87] {strides = array<i32>} : memref<40xi32, #tpu.memory_space<vmem>>, vector<16xi32>,
      tpu.vector_store %arg10[%swap3A_87], %add3A_86 {strides = array<i32>} : memref<40xi32, #tpu.memory_space<vmem>>, vector<16xi32>,
      %get3A_89 = arith.index_cast %add3A_82 : i32 to index
      %get3A_90 = tpu.vector_load %arg9[%get3A_89] {strides = array<i32>} : memref<40xi32, #tpu.memory_space<vmem>>, vector<16xi32>,
      %add3A_91 = vector.broadcast %mul3A_25 : i32 to vector<16xi32>
      %add3A_92 = arith.addi %get3A_90, %add3A_91 : vector<16xi32>
      %swap3A_93 = arith.index_cast %add3A_82 : i32 to index
      %swap3A_94 = tpu.vector_load %arg11[%swap3A_93] {strides = array<i32>} : memref<40xi32, #tpu.memory_space<vmem>>, vector<16xi32>,
      tpu.vector_store %arg11[%swap3A_93], %add3A_92 {strides = array<i32>} : memref<40xi32, #tpu.memory_space<vmem>>, vector<16xi32>,
    }
    %scan3A_43 = arith.constant 2 : i32
    %get3A = arith.constant 24 : index
    %get3A_44 = tpu.vector_load %arg8[%get3A] {strides = array<i32>} : memref<40xi32, #tpu.memory_space<vmem>>, vector<16xi32>,
    %add3A_45 = vector.broadcast %mul3A_25 : i32 to vector<16xi32>
    %add3A_46 = arith.addi %get3A_44, %add3A_45 : vector<16xi32>
    %swap3A = arith.constant 24 : index
    %swap3A_47 = tpu.vector_load %arg10[%swap3A] {strides = array<i32>} : memref<40xi32, #tpu.memory_space<vmem>>, vector<16xi32>,
    tpu.vector_store %arg10[%swap3A], %add3A_46 {strides = array<i32>} : memref<40xi32, #tpu.memory_space<vmem>>, vector<16xi32>,
    %get3A_48 = arith.constant 24 : index
    %get3A_49 = tpu.vector_load %arg9[%get3A_48] {strides = array<i32>} : memref<40xi32, #tpu.memory_space<vmem>>, vector<16xi32>,
    %add3A_50 = vector.broadcast %mul3A_25 : i32 to vector<16xi32>
    %add3A_51 = arith.addi %get3A_49, %add3A_50 : vector<16xi32>
    %swap3A_52 = arith.constant 24 : index
    %swap3A_53 = tpu.vector_load %arg11[%swap3A_52] {strides = array<i32>} : memref<40xi32, #tpu.memory_space<vmem>>, vector<16xi32>,
    tpu.vector_store %arg11[%swap3A_52], %add3A_51 {strides = array<i32>} : memref<40xi32, #tpu.memory_space<vmem>>, vector<16xi32>,
    %dma_start3A = arith.constant 0 : i32
    %dma_start3A_54 = arith.constant 0 : i32
    %dma_start3A_55 = tpu.memref_slice %arg2[%dma_start3A, %dma_start3A_54] : memref<20000x128xf32, #tpu.memory_space<hbm>> -> memref<20000x128xf32, #tpu.memory_space<hbm>>
    tpu.enqueue_indirect_dma source(%dma_start3A_55 : memref<20000x128xf32, #tpu.memory_space<hbm>>) target(%arg13 : memref<40x128xf32, #tpu.memory_space<vmem>>) offsets(%arg11 : memref<40xi32, #tpu.memory_space<vmem>>) semaphore(%arg29 : memref<!tpu.dma_semaphore, #tpu.memory_space<semaphore_mem>>)
    %dma_start3A_56 = arith.constant 0 : i32
    %dma_start3A_57 = arith.constant 0 : i32
    %dma_start3A_58 = tpu.memref_slice %arg3[%dma_start3A_56, %dma_start3A_57] : memref<20000x128xf32, #tpu.memory_space<hbm>> -> memref<20000x128xf32, #tpu.memory_space<hbm>>
    tpu.enqueue_indirect_dma source(%dma_start3A_58 : memref<20000x128xf32, #tpu.memory_space<hbm>>) target(%arg14 : memref<40x128xf32, #tpu.memory_space<vmem>>) offsets(%arg10 : memref<40xi32, #tpu.memory_space<vmem>>) semaphore(%arg30 : memref<!tpu.dma_semaphore, #tpu.memory_space<semaphore_mem>>)
    %dma_start3A_59 = arith.constant 0 : i32
    %dma_start3A_60 = arith.constant 0 : i32
    %dma_start3A_61 = tpu.memref_slice %arg4[%dma_start3A_59, %dma_start3A_60] : memref<20000x128xf32, #tpu.memory_space<hbm>> -> memref<20000x128xf32, #tpu.memory_space<hbm>>
    tpu.enqueue_indirect_dma source(%dma_start3A_61 : memref<20000x128xf32, #tpu.memory_space<hbm>>) target(%arg15 : memref<40x128xf32, #tpu.memory_space<vmem>>) offsets(%arg10 : memref<40xi32, #tpu.memory_space<vmem>>) semaphore(%arg31 : memref<!tpu.dma_semaphore, #tpu.memory_space<semaphore_mem>>)
    %add3A_62 = arith.constant 40 : i32
    %add3A_63 = arith.addi %mul3A_27, %add3A_62 : i32
    "tpu.region"() ({
      %run_scoped3A = tpu.sem_alloc : memref<!tpu.dma_semaphore, #tpu.memory_space<semaphore_mem>>
      %dma_start3A_78 = tpu.memref_slice %arg5[%add3A_63] : memref<160000xi32, #tpu.memory_space<hbm>> -> memref<40xi32, #tpu.memory_space<hbm>>
      %dma_start3A_79 = tpu.memref_slice %arg5[%add3A_63] : memref<160000xi32, #tpu.memory_space<hbm>> -> memref<40xi32, #tpu.memory_space<hbm>>
      tpu.enqueue_dma source(%dma_start3A_79 : memref<40xi32, #tpu.memory_space<hbm>>) target(%arg17 : memref<40xi32, #tpu.memory_space<vmem>>) target_semaphore(%run_scoped3A : memref<!tpu.dma_semaphore, #tpu.memory_space<semaphore_mem>>)
      %dma_wait3A_80 = tpu.memref_slice %arg5[%add3A_63] : memref<160000xi32, #tpu.memory_space<hbm>> -> memref<40xi32, #tpu.memory_space<hbm>>
      %dma_wait3A_81 = tpu.memref_slice %arg5[%add3A_63] : memref<160000xi32, #tpu.memory_space<hbm>> -> memref<40xi32, #tpu.memory_space<hbm>>
      tpu.wait_dma2 semaphore(%run_scoped3A : memref<!tpu.dma_semaphore, #tpu.memory_space<semaphore_mem>>) src(%dma_wait3A_81 : memref<40xi32, #tpu.memory_space<hbm>>) dst(%arg17 : memref<40xi32, #tpu.memory_space<vmem>>)
      tpu.yield
    }) : () -> ()
    "tpu.region"() ({
      %run_scoped3A = tpu.sem_alloc : memref<!tpu.dma_semaphore, #tpu.memory_space<semaphore_mem>>
      %dma_start3A_78 = tpu.memref_slice %arg6[%add3A_63] : memref<160000xi32, #tpu.memory_space<hbm>> -> memref<40xi32, #tpu.memory_space<hbm>>
      %dma_start3A_79 = tpu.memref_slice %arg6[%add3A_63] : memref<160000xi32, #tpu.memory_space<hbm>> -> memref<40xi32, #tpu.memory_space<hbm>>
      tpu.enqueue_dma source(%dma_start3A_79 : memref<40xi32, #tpu.memory_space<hbm>>) target(%arg18 : memref<40xi32, #tpu.memory_space<vmem>>) target_semaphore(%run_scoped3A : memref<!tpu.dma_semaphore, #tpu.memory_space<semaphore_mem>>)
      %dma_wait3A_80 = tpu.memref_slice %arg6[%add3A_63] : memref<160000xi32, #tpu.memory_space<hbm>> -> memref<40xi32, #tpu.memory_space<hbm>>
      %dma_wait3A_81 = tpu.memref_slice %arg6[%add3A_63] : memref<160000xi32, #tpu.memory_space<hbm>> -> memref<40xi32, #tpu.memory_space<hbm>>
      tpu.wait_dma2 semaphore(%run_scoped3A : memref<!tpu.dma_semaphore, #tpu.memory_space<semaphore_mem>>) src(%dma_wait3A_81 : memref<40xi32, #tpu.memory_space<hbm>>) dst(%arg18 : memref<40xi32, #tpu.memory_space<vmem>>)
      tpu.yield
    }) : () -> ()
    %scan3A_64 = arith.constant 0 : i32
    %scan3A_65 = arith.constant 125 : i32
    %scan3A_66 = arith.addi %scan3A_64, %scan3A_65 : i32
    %scan3A_67 = arith.constant 1 : i32
    scf.for %scan3A_78 = %scan3A_64 to %scan3A_66 step %scan3A_67  : i32 {
      %mul3A_79 = arith.constant 1 : i32
      %mul3A_80 = arith.muli %scan3A_78, %mul3A_79 : i32
      %add3A_81 = arith.constant 0 : i32
      %add3A_82 = arith.addi %add3A_81, %mul3A_80 : i32
      %mul3A_83 = arith.constant 2 : i32
      %mul3A_84 = arith.muli %mul3A_83, %add3A_82 : i32
      %add3A_85 = arith.constant 2 : i32
      %add3A_86 = arith.addi %mul3A_84, %add3A_85 : i32
      %min3A_87 = arith.constant 248 : i32
      %min3A_88 = arith.minsi %add3A_86, %min3A_87 : i32
      %add3A_89 = arith.constant 3 : i32
      %add3A_90 = arith.addi %mul3A_84, %add3A_89 : i32
      %min3A_91 = arith.constant 249 : i32
      %min3A_92 = arith.minsi %add3A_90, %min3A_91 : i32
      %scan3A_93 = arith.constant 0 : i32
      %scan3A_94 = arith.constant 2 : i32
      %scan3A_95 = arith.addi %scan3A_93, %scan3A_94 : i32
      %scan3A_96 = arith.constant 1 : i32
      scf.for %scan3A_204 = %scan3A_93 to %scan3A_95 step %scan3A_96  : i32 {
        %mul3A_205 = arith.constant 16 : i32
        %mul3A_206 = arith.muli %scan3A_204, %mul3A_205 : i32
        %add3A_207 = arith.constant 0 : i32
        %add3A_208 = arith.addi %add3A_207, %mul3A_206 : i32
        %get3A_209 = arith.index_cast %add3A_208 : i32 to index
        %get3A_210 = tpu.vector_load %arg17[%get3A_209] {strides = array<i32>} : memref<40xi32, #tpu.memory_space<vmem>>, vector<16xi32>,
        %add3A_211 = vector.broadcast %mul3A_25 : i32 to vector<16xi32>
        %add3A_212 = arith.addi %get3A_210, %add3A_211 : vector<16xi32>
        %swap3A_213 = arith.index_cast %add3A_208 : i32 to index
        %swap3A_214 = tpu.vector_load %arg19[%swap3A_213] {strides = array<i32>} : memref<40xi32, #tpu.memory_space<vmem>>, vector<16xi32>,
        tpu.vector_store %arg19[%swap3A_213], %add3A_212 {strides = array<i32>} : memref<40xi32, #tpu.memory_space<vmem>>, vector<16xi32>,
        %get3A_215 = arith.index_cast %add3A_208 : i32 to index
        %get3A_216 = tpu.vector_load %arg18[%get3A_215] {strides = array<i32>} : memref<40xi32, #tpu.memory_space<vmem>>, vector<16xi32>,
        %add3A_217 = vector.broadcast %mul3A_25 : i32 to vector<16xi32>
        %add3A_218 = arith.addi %get3A_216, %add3A_217 : vector<16xi32>
        %swap3A_219 = arith.index_cast %add3A_208 : i32 to index
        %swap3A_220 = tpu.vector_load %arg20[%swap3A_219] {strides = array<i32>} : memref<40xi32, #tpu.memory_space<vmem>>, vector<16xi32>,
        tpu.vector_store %arg20[%swap3A_219], %add3A_218 {strides = array<i32>} : memref<40xi32, #tpu.memory_space<vmem>>, vector<16xi32>,
      }
      %scan3A_97 = arith.constant 2 : i32
      %get3A_98 = arith.constant 24 : index
      %get3A_99 = tpu.vector_load %arg17[%get3A_98] {strides = array<i32>} : memref<40xi32, #tpu.memory_space<vmem>>, vector<16xi32>,
      %add3A_100 = vector.broadcast %mul3A_25 : i32 to vector<16xi32>
      %add3A_101 = arith.addi %get3A_99, %add3A_100 : vector<16xi32>
      %swap3A_102 = arith.constant 24 : index
      %swap3A_103 = tpu.vector_load %arg19[%swap3A_102] {strides = array<i32>} : memref<40xi32, #tpu.memory_space<vmem>>, vector<16xi32>,
      tpu.vector_store %arg19[%swap3A_102], %add3A_101 {strides = array<i32>} : memref<40xi32, #tpu.memory_space<vmem>>, vector<16xi32>,
      %get3A_104 = arith.constant 24 : index
      %get3A_105 = tpu.vector_load %arg18[%get3A_104] {strides = array<i32>} : memref<40xi32, #tpu.memory_space<vmem>>, vector<16xi32>,
      %add3A_106 = vector.broadcast %mul3A_25 : i32 to vector<16xi32>
      %add3A_107 = arith.addi %get3A_105, %add3A_106 : vector<16xi32>
      %swap3A_108 = arith.constant 24 : index
      %swap3A_109 = tpu.vector_load %arg20[%swap3A_108] {strides = array<i32>} : memref<40xi32, #tpu.memory_space<vmem>>, vector<16xi32>,
      tpu.vector_store %arg20[%swap3A_108], %add3A_107 {strides = array<i32>} : memref<40xi32, #tpu.memory_space<vmem>>, vector<16xi32>,
      %dma_start3A_110 = arith.constant 0 : i32
      %dma_start3A_111 = arith.constant 0 : i32
      %dma_start3A_112 = tpu.memref_slice %arg2[%dma_start3A_110, %dma_start3A_111] : memref<20000x128xf32, #tpu.memory_space<hbm>> -> memref<20000x128xf32, #tpu.memory_space<hbm>>
      tpu.enqueue_indirect_dma source(%dma_start3A_112 : memref<20000x128xf32, #tpu.memory_space<hbm>>) target(%arg22 : memref<40x128xf32, #tpu.memory_space<vmem>>) offsets(%arg20 : memref<40xi32, #tpu.memory_space<vmem>>) semaphore(%arg32 : memref<!tpu.dma_semaphore, #tpu.memory_space<semaphore_mem>>)
      %dma_start3A_113 = arith.constant 0 : i32
      %dma_start3A_114 = arith.constant 0 : i32
      %dma_start3A_115 = tpu.memref_slice %arg3[%dma_start3A_113, %dma_start3A_114] : memref<20000x128xf32, #tpu.memory_space<hbm>> -> memref<20000x128xf32, #tpu.memory_space<hbm>>
      tpu.enqueue_indirect_dma source(%dma_start3A_115 : memref<20000x128xf32, #tpu.memory_space<hbm>>) target(%arg23 : memref<40x128xf32, #tpu.memory_space<vmem>>) offsets(%arg19 : memref<40xi32, #tpu.memory_space<vmem>>) semaphore(%arg33 : memref<!tpu.dma_semaphore, #tpu.memory_space<semaphore_mem>>)
      %dma_start3A_116 = arith.constant 0 : i32
      %dma_start3A_117 = arith.constant 0 : i32
      %dma_start3A_118 = tpu.memref_slice %arg4[%dma_start3A_116, %dma_start3A_117] : memref<20000x128xf32, #tpu.memory_space<hbm>> -> memref<20000x128xf32, #tpu.memory_space<hbm>>
      tpu.enqueue_indirect_dma source(%dma_start3A_118 : memref<20000x128xf32, #tpu.memory_space<hbm>>) target(%arg24 : memref<40x128xf32, #tpu.memory_space<vmem>>) offsets(%arg19 : memref<40xi32, #tpu.memory_space<vmem>>) semaphore(%arg34 : memref<!tpu.dma_semaphore, #tpu.memory_space<semaphore_mem>>)
      %dma_wait3A_119 = arith.constant 0 : i32
      %dma_wait3A_120 = arith.constant 0 : i32
      %dma_wait3A_121 = tpu.memref_slice %arg2[%dma_wait3A_119, %dma_wait3A_120] : memref<20000x128xf32, #tpu.memory_space<hbm>> -> memref<20000x128xf32, #tpu.memory_space<hbm>>
      tpu.wait_indirect_dma semaphore(%arg29 : memref<!tpu.dma_semaphore, #tpu.memory_space<semaphore_mem>>) src(%dma_wait3A_121 : memref<20000x128xf32, #tpu.memory_space<hbm>>) dst(%arg13 : memref<40x128xf32, #tpu.memory_space<vmem>>)
      %dma_wait3A_122 = arith.constant 0 : i32
      %dma_wait3A_123 = arith.constant 0 : i32
      %dma_wait3A_124 = tpu.memref_slice %arg3[%dma_wait3A_122, %dma_wait3A_123] : memref<20000x128xf32, #tpu.memory_space<hbm>> -> memref<20000x128xf32, #tpu.memory_space<hbm>>
      tpu.wait_indirect_dma semaphore(%arg30 : memref<!tpu.dma_semaphore, #tpu.memory_space<semaphore_mem>>) src(%dma_wait3A_124 : memref<20000x128xf32, #tpu.memory_space<hbm>>) dst(%arg14 : memref<40x128xf32, #tpu.memory_space<vmem>>)
      %dma_wait3A_125 = arith.constant 0 : i32
      %dma_wait3A_126 = arith.constant 0 : i32
      %dma_wait3A_127 = tpu.memref_slice %arg4[%dma_wait3A_125, %dma_wait3A_126] : memref<20000x128xf32, #tpu.memory_space<hbm>> -> memref<20000x128xf32, #tpu.memory_space<hbm>>
      tpu.wait_indirect_dma semaphore(%arg31 : memref<!tpu.dma_semaphore, #tpu.memory_space<semaphore_mem>>) src(%dma_wait3A_127 : memref<20000x128xf32, #tpu.memory_space<hbm>>) dst(%arg15 : memref<40x128xf32, #tpu.memory_space<vmem>>)
      %gt3A = arith.constant 0 : i32
      %gt3A_128 = arith.cmpi sgt, %add3A_82, %gt3A : i32
      %convert_element_type3A = arith.extui %gt3A_128 : i1 to i32
      %cond3A = arith.constant 0 : i32
      %cond3A_129 = arith.cmpi ne, %convert_element_type3A, %cond3A : i32
      scf.if %cond3A_129 {
      } else {
      }
      %scan3A_130 = arith.constant 0 : i32
      %scan3A_131 = arith.constant 2 : i32
      %scan3A_132 = arith.addi %scan3A_130, %scan3A_131 : i32
      %scan3A_133 = arith.constant 1 : i32
      scf.for %scan3A_204 = %scan3A_130 to %scan3A_132 step %scan3A_133  : i32 {
        %mul3A_205 = arith.constant 16 : i32
        %mul3A_206 = arith.muli %scan3A_204, %mul3A_205 : i32
        %add3A_207 = arith.constant 0 : i32
        %add3A_208 = arith.addi %add3A_207, %mul3A_206 : i32
        %get3A_209 = arith.index_cast %add3A_208 : i32 to index
        %get3A_210 = tpu.vector_load %arg9[%get3A_209] {strides = array<i32>} : memref<40xi32, #tpu.memory_space<vmem>>, vector<16xi32>,
        %swap3A_211 = arith.index_cast %add3A_208 : i32 to index
        %swap3A_212 = tpu.vector_load %arg12[%swap3A_211] {strides = array<i32>} : memref<40xi32, #tpu.memory_space<vmem>>, vector<16xi32>,
        tpu.vector_store %arg12[%swap3A_211], %get3A_210 {strides = array<i32>} : memref<40xi32, #tpu.memory_space<vmem>>, vector<16xi32>,
      }
      %scan3A_134 = arith.constant 2 : i32
      %get3A_135 = arith.constant 24 : index
      %get3A_136 = tpu.vector_load %arg9[%get3A_135] {strides = array<i32>} : memref<40xi32, #tpu.memory_space<vmem>>, vector<16xi32>,
      %swap3A_137 = arith.constant 24 : index
      %swap3A_138 = tpu.vector_load %arg12[%swap3A_137] {strides = array<i32>} : memref<40xi32, #tpu.memory_space<vmem>>, vector<16xi32>,
      tpu.vector_store %arg12[%swap3A_137], %get3A_136 {strides = array<i32>} : memref<40xi32, #tpu.memory_space<vmem>>, vector<16xi32>,
      %mul3A_139 = arith.constant 40 : i32
      %mul3A_140 = arith.muli %min3A_88, %mul3A_139 : i32
      %add3A_141 = arith.addi %mul3A_27, %mul3A_140 : i32
      "tpu.region"() ({
        %run_scoped3A = tpu.sem_alloc : memref<!tpu.dma_semaphore, #tpu.memory_space<semaphore_mem>>
        %dma_start3A_204 = tpu.memref_slice %arg5[%add3A_141] : memref<160000xi32, #tpu.memory_space<hbm>> -> memref<40xi32, #tpu.memory_space<hbm>>
        %dma_start3A_205 = tpu.memref_slice %arg5[%add3A_141] : memref<160000xi32, #tpu.memory_space<hbm>> -> memref<40xi32, #tpu.memory_space<hbm>>
        tpu.enqueue_dma source(%dma_start3A_205 : memref<40xi32, #tpu.memory_space<hbm>>) target(%arg8 : memref<40xi32, #tpu.memory_space<vmem>>) target_semaphore(%run_scoped3A : memref<!tpu.dma_semaphore, #tpu.memory_space<semaphore_mem>>)
        %dma_wait3A_206 = tpu.memref_slice %arg5[%add3A_141] : memref<160000xi32, #tpu.memory_space<hbm>> -> memref<40xi32, #tpu.memory_space<hbm>>
        %dma_wait3A_207 = tpu.memref_slice %arg5[%add3A_141] : memref<160000xi32, #tpu.memory_space<hbm>> -> memref<40xi32, #tpu.memory_space<hbm>>
        tpu.wait_dma2 semaphore(%run_scoped3A : memref<!tpu.dma_semaphore, #tpu.memory_space<semaphore_mem>>) src(%dma_wait3A_207 : memref<40xi32, #tpu.memory_space<hbm>>) dst(%arg8 : memref<40xi32, #tpu.memory_space<vmem>>)
        tpu.yield
      }) : () -> ()
      "tpu.region"() ({
        %run_scoped3A = tpu.sem_alloc : memref<!tpu.dma_semaphore, #tpu.memory_space<semaphore_mem>>
        %dma_start3A_204 = tpu.memref_slice %arg6[%add3A_141] : memref<160000xi32, #tpu.memory_space<hbm>> -> memref<40xi32, #tpu.memory_space<hbm>>
        %dma_start3A_205 = tpu.memref_slice %arg6[%add3A_141] : memref<160000xi32, #tpu.memory_space<hbm>> -> memref<40xi32, #tpu.memory_space<hbm>>
        tpu.enqueue_dma source(%dma_start3A_205 : memref<40xi32, #tpu.memory_space<hbm>>) target(%arg9 : memref<40xi32, #tpu.memory_space<vmem>>) target_semaphore(%run_scoped3A : memref<!tpu.dma_semaphore, #tpu.memory_space<semaphore_mem>>)
        %dma_wait3A_206 = tpu.memref_slice %arg6[%add3A_141] : memref<160000xi32, #tpu.memory_space<hbm>> -> memref<40xi32, #tpu.memory_space<hbm>>
        %dma_wait3A_207 = tpu.memref_slice %arg6[%add3A_141] : memref<160000xi32, #tpu.memory_space<hbm>> -> memref<40xi32, #tpu.memory_space<hbm>>
        tpu.wait_dma2 semaphore(%run_scoped3A : memref<!tpu.dma_semaphore, #tpu.memory_space<semaphore_mem>>) src(%dma_wait3A_207 : memref<40xi32, #tpu.memory_space<hbm>>) dst(%arg9 : memref<40xi32, #tpu.memory_space<vmem>>)
        tpu.yield
      }) : () -> ()
      %scan3A_142 = arith.constant 0 : i32
      %scan3A_143 = arith.constant 10 : i32
      %scan3A_144 = arith.addi %scan3A_142, %scan3A_143 : i32
      %scan3A_145 = arith.constant 1 : i32
      scf.for %scan3A_204 = %scan3A_142 to %scan3A_144 step %scan3A_145  : i32 {
        %mul3A_205 = arith.constant 4 : i32
        %mul3A_206 = arith.muli %scan3A_204, %mul3A_205 : i32
        %add3A_207 = arith.constant 0 : i32
        %add3A_208 = arith.addi %add3A_207, %mul3A_206 : i32
        %add3A_209 = arith.constant 0 : i32
        %add3A_210 = arith.addi %add3A_208, %add3A_209 : i32
        %get3A_211 = arith.index_cast %add3A_210 : i32 to index
        %get3A_212 = arith.constant 0 : index
        %get3A_213 = tpu.vector_load %arg13[%get3A_211, %get3A_212] {strides = array<i32>} : memref<40x128xf32, #tpu.memory_space<vmem>>, vector<16xf32>,
        %get3A_214 = arith.index_cast %add3A_210 : i32 to index
        %get3A_215 = arith.constant 0 : index
        %get3A_216 = tpu.vector_load %arg14[%get3A_214, %get3A_215] {strides = array<i32>} : memref<40x128xf32, #tpu.memory_space<vmem>>, vector<16xf32>,
        %mul3A_217 = arith.mulf %get3A_213, %get3A_216 : vector<16xf32>
        %get3A_218 = arith.index_cast %add3A_210 : i32 to index
        %get3A_219 = arith.constant 16 : index
        %get3A_220 = tpu.vector_load %arg13[%get3A_218, %get3A_219] {strides = array<i32>} : memref<40x128xf32, #tpu.memory_space<vmem>>, vector<16xf32>,
        %get3A_221 = arith.index_cast %add3A_210 : i32 to index
        %get3A_222 = arith.constant 16 : index
        %get3A_223 = tpu.vector_load %arg14[%get3A_221, %get3A_222] {strides = array<i32>} : memref<40x128xf32, #tpu.memory_space<vmem>>, vector<16xf32>,
        %mul3A_224 = arith.mulf %get3A_220, %get3A_223 : vector<16xf32>
        %add3A_225 = arith.addf %mul3A_217, %mul3A_224 : vector<16xf32>
        %get3A_226 = arith.index_cast %add3A_210 : i32 to index
        %get3A_227 = arith.constant 32 : index
        %get3A_228 = tpu.vector_load %arg13[%get3A_226, %get3A_227] {strides = array<i32>} : memref<40x128xf32, #tpu.memory_space<vmem>>, vector<16xf32>,
        %get3A_229 = arith.index_cast %add3A_210 : i32 to index
        %get3A_230 = arith.constant 32 : index
        %get3A_231 = tpu.vector_load %arg14[%get3A_229, %get3A_230] {strides = array<i32>} : memref<40x128xf32, #tpu.memory_space<vmem>>, vector<16xf32>,
        %mul3A_232 = arith.mulf %get3A_228, %get3A_231 : vector<16xf32>
        %add3A_233 = arith.addf %add3A_225, %mul3A_232 : vector<16xf32>
        %get3A_234 = arith.index_cast %add3A_210 : i32 to index
        %get3A_235 = arith.constant 48 : index
        %get3A_236 = tpu.vector_load %arg13[%get3A_234, %get3A_235] {strides = array<i32>} : memref<40x128xf32, #tpu.memory_space<vmem>>, vector<16xf32>,
        %get3A_237 = arith.index_cast %add3A_210 : i32 to index
        %get3A_238 = arith.constant 48 : index
        %get3A_239 = tpu.vector_load %arg14[%get3A_237, %get3A_238] {strides = array<i32>} : memref<40x128xf32, #tpu.memory_space<vmem>>, vector<16xf32>,
        %mul3A_240 = arith.mulf %get3A_236, %get3A_239 : vector<16xf32>
        %add3A_241 = arith.addf %add3A_233, %mul3A_240 : vector<16xf32>
        %reduce_sum3A = arith.constant true
        %reduce_sum3A_242 = vector.broadcast %reduce_sum3A : i1 to vector<16xi1>
        %reduce_sum3A_243 = tpu.scan <sum>, %add3A_241 masked %reduce_sum3A_242 : vector<16xf32>, vector<16xi1> -> vector<16xf32>
        %reduce_sum3A_244 = vector.extract %reduce_sum3A_243[15] : f32 from vector<16xf32>
        %get3A_245 = arith.index_cast %add3A_210 : i32 to index
        %get3A_246 = arith.constant 64 : index
        %get3A_247 = tpu.vector_load %arg13[%get3A_245, %get3A_246] {strides = array<i32>} : memref<40x128xf32, #tpu.memory_space<vmem>>, vector<16xf32>,
        %get3A_248 = arith.index_cast %add3A_210 : i32 to index
        %get3A_249 = arith.constant 64 : index
        %get3A_250 = tpu.vector_load %arg14[%get3A_248, %get3A_249] {strides = array<i32>} : memref<40x128xf32, #tpu.memory_space<vmem>>, vector<16xf32>,
        %mul3A_251 = arith.mulf %get3A_247, %get3A_250 : vector<16xf32>
        %get3A_252 = arith.index_cast %add3A_210 : i32 to index
        %get3A_253 = arith.constant 80 : index
        %get3A_254 = tpu.vector_load %arg13[%get3A_252, %get3A_253] {strides = array<i32>} : memref<40x128xf32, #tpu.memory_space<vmem>>, vector<16xf32>,
        %get3A_255 = arith.index_cast %add3A_210 : i32 to index
        %get3A_256 = arith.constant 80 : index
        %get3A_257 = tpu.vector_load %arg14[%get3A_255, %get3A_256] {strides = array<i32>} : memref<40x128xf32, #tpu.memory_space<vmem>>, vector<16xf32>,
        %mul3A_258 = arith.mulf %get3A_254, %get3A_257 : vector<16xf32>
        %add3A_259 = arith.addf %mul3A_251, %mul3A_258 : vector<16xf32>
        %get3A_260 = arith.index_cast %add3A_210 : i32 to index
        %get3A_261 = arith.constant 96 : index
        %get3A_262 = tpu.vector_load %arg13[%get3A_260, %get3A_261] {strides = array<i32>} : memref<40x128xf32, #tpu.memory_space<vmem>>, vector<16xf32>,
        %get3A_263 = arith.index_cast %add3A_210 : i32 to index
        %get3A_264 = arith.constant 96 : index
        %get3A_265 = tpu.vector_load %arg14[%get3A_263, %get3A_264] {strides = array<i32>} : memref<40x128xf32, #tpu.memory_space<vmem>>, vector<16xf32>,
        %mul3A_266 = arith.mulf %get3A_262, %get3A_265 : vector<16xf32>
        %add3A_267 = arith.addf %add3A_259, %mul3A_266 : vector<16xf32>
        %get3A_268 = arith.index_cast %add3A_210 : i32 to index
        %get3A_269 = arith.constant 112 : index
        %get3A_270 = tpu.vector_load %arg13[%get3A_268, %get3A_269] {strides = array<i32>} : memref<40x128xf32, #tpu.memory_space<vmem>>, vector<16xf32>,
        %get3A_271 = arith.index_cast %add3A_210 : i32 to index
        %get3A_272 = arith.constant 112 : index
        %get3A_273 = tpu.vector_load %arg14[%get3A_271, %get3A_272] {strides = array<i32>} : memref<40x128xf32, #tpu.memory_space<vmem>>, vector<16xf32>,
        %mul3A_274 = arith.mulf %get3A_270, %get3A_273 : vector<16xf32>
        %add3A_275 = arith.addf %add3A_267, %mul3A_274 : vector<16xf32>
        %reduce_sum3A_276 = arith.constant true
        %reduce_sum3A_277 = vector.broadcast %reduce_sum3A_276 : i1 to vector<16xi1>
        %reduce_sum3A_278 = tpu.scan <sum>, %add3A_275 masked %reduce_sum3A_277 : vector<16xf32>, vector<16xi1> -> vector<16xf32>
        %reduce_sum3A_279 = vector.extract %reduce_sum3A_278[15] : f32 from vector<16xf32>
        %broadcast_in_dim3A_280 = vector.broadcast %reduce_sum3A_244 : f32 to vector<16xf32>
        %exp3A = math.exp %broadcast_in_dim3A_280 : vector<16xf32>
        %broadcast_in_dim3A_281 = vector.broadcast %reduce_sum3A_279 : f32 to vector<16xf32>
        %exp3A_282 = math.exp %broadcast_in_dim3A_281 : vector<16xf32>
        %get3A_283 = arith.index_cast %add3A_210 : i32 to index
        %get3A_284 = arith.constant 0 : index
        %get3A_285 = tpu.vector_load %arg15[%get3A_283, %get3A_284] {strides = array<i32>} : memref<40x128xf32, #tpu.memory_space<vmem>>, vector<16xf32>,
        %mul3A_286 = arith.mulf %get3A_285, %exp3A : vector<16xf32>
        %swap3A_287 = arith.index_cast %add3A_210 : i32 to index
        %swap3A_288 = arith.constant 0 : index
        %swap3A_289 = tpu.vector_load %arg16[%swap3A_287, %swap3A_288] {strides = array<i32>} : memref<40x136xf32, #tpu.memory_space<vmem>>, vector<16xf32>,
        tpu.vector_store %arg16[%swap3A_287, %swap3A_288], %mul3A_286 {strides = array<i32>} : memref<40x136xf32, #tpu.memory_space<vmem>>, vector<16xf32>,
        %get3A_290 = arith.index_cast %add3A_210 : i32 to index
        %get3A_291 = arith.constant 16 : index
        %get3A_292 = tpu.vector_load %arg15[%get3A_290, %get3A_291] {strides = array<i32>} : memref<40x128xf32, #tpu.memory_space<vmem>>, vector<16xf32>,
        %mul3A_293 = arith.mulf %get3A_292, %exp3A : vector<16xf32>
        %swap3A_294 = arith.index_cast %add3A_210 : i32 to index
        %swap3A_295 = arith.constant 16 : index
        %swap3A_296 = tpu.vector_load %arg16[%swap3A_294, %swap3A_295] {strides = array<i32>} : memref<40x136xf32, #tpu.memory_space<vmem>>, vector<16xf32>,
        tpu.vector_store %arg16[%swap3A_294, %swap3A_295], %mul3A_293 {strides = array<i32>} : memref<40x136xf32, #tpu.memory_space<vmem>>, vector<16xf32>,
        %get3A_297 = arith.index_cast %add3A_210 : i32 to index
        %get3A_298 = arith.constant 32 : index
        %get3A_299 = tpu.vector_load %arg15[%get3A_297, %get3A_298] {strides = array<i32>} : memref<40x128xf32, #tpu.memory_space<vmem>>, vector<16xf32>,
        %mul3A_300 = arith.mulf %get3A_299, %exp3A : vector<16xf32>
        %swap3A_301 = arith.index_cast %add3A_210 : i32 to index
        %swap3A_302 = arith.constant 32 : index
        %swap3A_303 = tpu.vector_load %arg16[%swap3A_301, %swap3A_302] {strides = array<i32>} : memref<40x136xf32, #tpu.memory_space<vmem>>, vector<16xf32>,
        tpu.vector_store %arg16[%swap3A_301, %swap3A_302], %mul3A_300 {strides = array<i32>} : memref<40x136xf32, #tpu.memory_space<vmem>>, vector<16xf32>,
        %get3A_304 = arith.index_cast %add3A_210 : i32 to index
        %get3A_305 = arith.constant 48 : index
        %get3A_306 = tpu.vector_load %arg15[%get3A_304, %get3A_305] {strides = array<i32>} : memref<40x128xf32, #tpu.memory_space<vmem>>, vector<16xf32>,
        %mul3A_307 = arith.mulf %get3A_306, %exp3A : vector<16xf32>
        %swap3A_308 = arith.index_cast %add3A_210 : i32 to index
        %swap3A_309 = arith.constant 48 : index
        %swap3A_310 = tpu.vector_load %arg16[%swap3A_308, %swap3A_309] {strides = array<i32>} : memref<40x136xf32, #tpu.memory_space<vmem>>, vector<16xf32>,
        tpu.vector_store %arg16[%swap3A_308, %swap3A_309], %mul3A_307 {strides = array<i32>} : memref<40x136xf32, #tpu.memory_space<vmem>>, vector<16xf32>,
        %get3A_311 = arith.index_cast %add3A_210 : i32 to index
        %get3A_312 = arith.constant 64 : index
        %get3A_313 = tpu.vector_load %arg15[%get3A_311, %get3A_312] {strides = array<i32>} : memref<40x128xf32, #tpu.memory_space<vmem>>, vector<16xf32>,
        %mul3A_314 = arith.mulf %get3A_313, %exp3A_282 : vector<16xf32>
        %swap3A_315 = arith.index_cast %add3A_210 : i32 to index
        %swap3A_316 = arith.constant 64 : index
        %swap3A_317 = tpu.vector_load %arg16[%swap3A_315, %swap3A_316] {strides = array<i32>} : memref<40x136xf32, #tpu.memory_space<vmem>>, vector<16xf32>,
        tpu.vector_store %arg16[%swap3A_315, %swap3A_316], %mul3A_314 {strides = array<i32>} : memref<40x136xf32, #tpu.memory_space<vmem>>, vector<16xf32>,
        %get3A_318 = arith.index_cast %add3A_210 : i32 to index
        %get3A_319 = arith.constant 80 : index
        %get3A_320 = tpu.vector_load %arg15[%get3A_318, %get3A_319] {strides = array<i32>} : memref<40x128xf32, #tpu.memory_space<vmem>>, vector<16xf32>,
        %mul3A_321 = arith.mulf %get3A_320, %exp3A_282 : vector<16xf32>
        %swap3A_322 = arith.index_cast %add3A_210 : i32 to index
        %swap3A_323 = arith.constant 80 : index
        %swap3A_324 = tpu.vector_load %arg16[%swap3A_322, %swap3A_323] {strides = array<i32>} : memref<40x136xf32, #tpu.memory_space<vmem>>, vector<16xf32>,
        tpu.vector_store %arg16[%swap3A_322, %swap3A_323], %mul3A_321 {strides = array<i32>} : memref<40x136xf32, #tpu.memory_space<vmem>>, vector<16xf32>,
        %get3A_325 = arith.index_cast %add3A_210 : i32 to index
        %get3A_326 = arith.constant 96 : index
        %get3A_327 = tpu.vector_load %arg15[%get3A_325, %get3A_326] {strides = array<i32>} : memref<40x128xf32, #tpu.memory_space<vmem>>, vector<16xf32>,
        %mul3A_328 = arith.mulf %get3A_327, %exp3A_282 : vector<16xf32>
        %swap3A_329 = arith.index_cast %add3A_210 : i32 to index
        %swap3A_330 = arith.constant 96 : index
        %swap3A_331 = tpu.vector_load %arg16[%swap3A_329, %swap3A_330] {strides = array<i32>} : memref<40x136xf32, #tpu.memory_space<vmem>>, vector<16xf32>,
        tpu.vector_store %arg16[%swap3A_329, %swap3A_330], %mul3A_328 {strides = array<i32>} : memref<40x136xf32, #tpu.memory_space<vmem>>, vector<16xf32>,
        %get3A_332 = arith.index_cast %add3A_210 : i32 to index
        %get3A_333 = arith.constant 112 : index
        %get3A_334 = tpu.vector_load %arg15[%get3A_332, %get3A_333] {strides = array<i32>} : memref<40x128xf32, #tpu.memory_space<vmem>>, vector<16xf32>,
        %mul3A_335 = arith.mulf %get3A_334, %exp3A_282 : vector<16xf32>
        %swap3A_336 = arith.index_cast %add3A_210 : i32 to index
        %swap3A_337 = arith.constant 112 : index
        %swap3A_338 = tpu.vector_load %arg16[%swap3A_336, %swap3A_337] {strides = array<i32>} : memref<40x136xf32, #tpu.memory_space<vmem>>, vector<16xf32>,
        tpu.vector_store %arg16[%swap3A_336, %swap3A_337], %mul3A_335 {strides = array<i32>} : memref<40x136xf32, #tpu.memory_space<vmem>>, vector<16xf32>,
        %broadcast_in_dim3A_339 = vector.shape_cast %min3A_24 : vector<16xi32> to vector<16x1xi32>
        %gather3A = vector.shape_cast %broadcast_in_dim3A_339 : vector<16x1xi32> to vector<16xi32>
        %gather3A_340 = tpu.dynamic_gather %get3A_334[%gather3A] in [0] : vector<16xf32>, vector<16xi32> -> vector<16xf32>
        %mul3A_341 = arith.mulf %exp3A_282, %select_n3A_20 : vector<16xf32>
        %mul3A_342 = arith.mulf %gather3A_340, %mul3A_341 : vector<16xf32>
        %mul3A_343 = arith.mulf %exp3A, %select_n3A : vector<16xf32>
        %add3A_344 = arith.addf %mul3A_342, %mul3A_343 : vector<16xf32>
        %mul3A_345 = arith.mulf %exp3A_282, %select_n3A_13 : vector<16xf32>
        %add3A_346 = arith.addf %add3A_344, %mul3A_345 : vector<16xf32>
        %swap3A_347 = arith.index_cast %add3A_210 : i32 to index
        %swap3A_348 = arith.constant 120 : index
        %swap3A_349 = tpu.vector_load %arg16[%swap3A_347, %swap3A_348] {strides = array<i32>} : memref<40x136xf32, #tpu.memory_space<vmem>>, vector<16xf32>,
        tpu.vector_store %arg16[%swap3A_347, %swap3A_348], %add3A_346 {strides = array<i32>} : memref<40x136xf32, #tpu.memory_space<vmem>>, vector<16xf32>,
        %add3A_350 = arith.constant 1 : i32
        %add3A_351 = arith.addi %add3A_208, %add3A_350 : i32
        %get3A_352 = arith.index_cast %add3A_351 : i32 to index
        %get3A_353 = arith.constant 0 : index
        %get3A_354 = tpu.vector_load %arg13[%get3A_352, %get3A_353] {strides = array<i32>} : memref<40x128xf32, #tpu.memory_space<vmem>>, vector<16xf32>,
        %get3A_355 = arith.index_cast %add3A_351 : i32 to index
        %get3A_356 = arith.constant 0 : index
        %get3A_357 = tpu.vector_load %arg14[%get3A_355, %get3A_356] {strides = array<i32>} : memref<40x128xf32, #tpu.memory_space<vmem>>, vector<16xf32>,
        %mul3A_358 = arith.mulf %get3A_354, %get3A_357 : vector<16xf32>
        %get3A_359 = arith.index_cast %add3A_351 : i32 to index
        %get3A_360 = arith.constant 16 : index
        %get3A_361 = tpu.vector_load %arg13[%get3A_359, %get3A_360] {strides = array<i32>} : memref<40x128xf32, #tpu.memory_space<vmem>>, vector<16xf32>,
        %get3A_362 = arith.index_cast %add3A_351 : i32 to index
        %get3A_363 = arith.constant 16 : index
        %get3A_364 = tpu.vector_load %arg14[%get3A_362, %get3A_363] {strides = array<i32>} : memref<40x128xf32, #tpu.memory_space<vmem>>, vector<16xf32>,
        %mul3A_365 = arith.mulf %get3A_361, %get3A_364 : vector<16xf32>
        %add3A_366 = arith.addf %mul3A_358, %mul3A_365 : vector<16xf32>
        %get3A_367 = arith.index_cast %add3A_351 : i32 to index
        %get3A_368 = arith.constant 32 : index
        %get3A_369 = tpu.vector_load %arg13[%get3A_367, %get3A_368] {strides = array<i32>} : memref<40x128xf32, #tpu.memory_space<vmem>>, vector<16xf32>,
        %get3A_370 = arith.index_cast %add3A_351 : i32 to index
        %get3A_371 = arith.constant 32 : index
        %get3A_372 = tpu.vector_load %arg14[%get3A_370, %get3A_371] {strides = array<i32>} : memref<40x128xf32, #tpu.memory_space<vmem>>, vector<16xf32>,
        %mul3A_373 = arith.mulf %get3A_369, %get3A_372 : vector<16xf32>
        %add3A_374 = arith.addf %add3A_366, %mul3A_373 : vector<16xf32>
        %get3A_375 = arith.index_cast %add3A_351 : i32 to index
        %get3A_376 = arith.constant 48 : index
        %get3A_377 = tpu.vector_load %arg13[%get3A_375, %get3A_376] {strides = array<i32>} : memref<40x128xf32, #tpu.memory_space<vmem>>, vector<16xf32>,
        %get3A_378 = arith.index_cast %add3A_351 : i32 to index
        %get3A_379 = arith.constant 48 : index
        %get3A_380 = tpu.vector_load %arg14[%get3A_378, %get3A_379] {strides = array<i32>} : memref<40x128xf32, #tpu.memory_space<vmem>>, vector<16xf32>,
        %mul3A_381 = arith.mulf %get3A_377, %get3A_380 : vector<16xf32>
        %add3A_382 = arith.addf %add3A_374, %mul3A_381 : vector<16xf32>
        %reduce_sum3A_383 = arith.constant true
        %reduce_sum3A_384 = vector.broadcast %reduce_sum3A_383 : i1 to vector<16xi1>
        %reduce_sum3A_385 = tpu.scan <sum>, %add3A_382 masked %reduce_sum3A_384 : vector<16xf32>, vector<16xi1> -> vector<16xf32>
        %reduce_sum3A_386 = vector.extract %reduce_sum3A_385[15] : f32 from vector<16xf32>
        %get3A_387 = arith.index_cast %add3A_351 : i32 to index
        %get3A_388 = arith.constant 64 : index
        %get3A_389 = tpu.vector_load %arg13[%get3A_387, %get3A_388] {strides = array<i32>} : memref<40x128xf32, #tpu.memory_space<vmem>>, vector<16xf32>,
        %get3A_390 = arith.index_cast %add3A_351 : i32 to index
        %get3A_391 = arith.constant 64 : index
        %get3A_392 = tpu.vector_load %arg14[%get3A_390, %get3A_391] {strides = array<i32>} : memref<40x128xf32, #tpu.memory_space<vmem>>, vector<16xf32>,
        %mul3A_393 = arith.mulf %get3A_389, %get3A_392 : vector<16xf32>
        %get3A_394 = arith.index_cast %add3A_351 : i32 to index
        %get3A_395 = arith.constant 80 : index
        %get3A_396 = tpu.vector_load %arg13[%get3A_394, %get3A_395] {strides = array<i32>} : memref<40x128xf32, #tpu.memory_space<vmem>>, vector<16xf32>,
        %get3A_397 = arith.index_cast %add3A_351 : i32 to index
        %get3A_398 = arith.constant 80 : index
        %get3A_399 = tpu.vector_load %arg14[%get3A_397, %get3A_398] {strides = array<i32>} : memref<40x128xf32, #tpu.memory_space<vmem>>, vector<16xf32>,
        %mul3A_400 = arith.mulf %get3A_396, %get3A_399 : vector<16xf32>
        %add3A_401 = arith.addf %mul3A_393, %mul3A_400 : vector<16xf32>
        %get3A_402 = arith.index_cast %add3A_351 : i32 to index
        %get3A_403 = arith.constant 96 : index
        %get3A_404 = tpu.vector_load %arg13[%get3A_402, %get3A_403] {strides = array<i32>} : memref<40x128xf32, #tpu.memory_space<vmem>>, vector<16xf32>,
        %get3A_405 = arith.index_cast %add3A_351 : i32 to index
        %get3A_406 = arith.constant 96 : index
        %get3A_407 = tpu.vector_load %arg14[%get3A_405, %get3A_406] {strides = array<i32>} : memref<40x128xf32, #tpu.memory_space<vmem>>, vector<16xf32>,
        %mul3A_408 = arith.mulf %get3A_404, %get3A_407 : vector<16xf32>
        %add3A_409 = arith.addf %add3A_401, %mul3A_408 : vector<16xf32>
        %get3A_410 = arith.index_cast %add3A_351 : i32 to index
        %get3A_411 = arith.constant 112 : index
        %get3A_412 = tpu.vector_load %arg13[%get3A_410, %get3A_411] {strides = array<i32>} : memref<40x128xf32, #tpu.memory_space<vmem>>, vector<16xf32>,
        %get3A_413 = arith.index_cast %add3A_351 : i32 to index
        %get3A_414 = arith.constant 112 : index
        %get3A_415 = tpu.vector_load %arg14[%get3A_413, %get3A_414] {strides = array<i32>} : memref<40x128xf32, #tpu.memory_space<vmem>>, vector<16xf32>,
        %mul3A_416 = arith.mulf %get3A_412, %get3A_415 : vector<16xf32>
        %add3A_417 = arith.addf %add3A_409, %mul3A_416 : vector<16xf32>
        %reduce_sum3A_418 = arith.constant true
        %reduce_sum3A_419 = vector.broadcast %reduce_sum3A_418 : i1 to vector<16xi1>
        %reduce_sum3A_420 = tpu.scan <sum>, %add3A_417 masked %reduce_sum3A_419 : vector<16xf32>, vector<16xi1> -> vector<16xf32>
        %reduce_sum3A_421 = vector.extract %reduce_sum3A_420[15] : f32 from vector<16xf32>
        %broadcast_in_dim3A_422 = vector.broadcast %reduce_sum3A_386 : f32 to vector<16xf32>
        %exp3A_423 = math.exp %broadcast_in_dim3A_422 : vector<16xf32>
        %broadcast_in_dim3A_424 = vector.broadcast %reduce_sum3A_421 : f32 to vector<16xf32>
        %exp3A_425 = math.exp %broadcast_in_dim3A_424 : vector<16xf32>
        %get3A_426 = arith.index_cast %add3A_351 : i32 to index
        %get3A_427 = arith.constant 0 : index
        %get3A_428 = tpu.vector_load %arg15[%get3A_426, %get3A_427] {strides = array<i32>} : memref<40x128xf32, #tpu.memory_space<vmem>>, vector<16xf32>,
        %mul3A_429 = arith.mulf %get3A_428, %exp3A_423 : vector<16xf32>
        %swap3A_430 = arith.index_cast %add3A_351 : i32 to index
        %swap3A_431 = arith.constant 0 : index
        %swap3A_432 = tpu.vector_load %arg16[%swap3A_430, %swap3A_431] {strides = array<i32>} : memref<40x136xf32, #tpu.memory_space<vmem>>, vector<16xf32>,
        tpu.vector_store %arg16[%swap3A_430, %swap3A_431], %mul3A_429 {strides = array<i32>} : memref<40x136xf32, #tpu.memory_space<vmem>>, vector<16xf32>,
        %get3A_433 = arith.index_cast %add3A_351 : i32 to index
        %get3A_434 = arith.constant 16 : index
        %get3A_435 = tpu.vector_load %arg15[%get3A_433, %get3A_434] {strides = array<i32>} : memref<40x128xf32, #tpu.memory_space<vmem>>, vector<16xf32>,
        %mul3A_436 = arith.mulf %get3A_435, %exp3A_423 : vector<16xf32>
        %swap3A_437 = arith.index_cast %add3A_351 : i32 to index
        %swap3A_438 = arith.constant 16 : index
        %swap3A_439 = tpu.vector_load %arg16[%swap3A_437, %swap3A_438] {strides = array<i32>} : memref<40x136xf32, #tpu.memory_space<vmem>>, vector<16xf32>,
        tpu.vector_store %arg16[%swap3A_437, %swap3A_438], %mul3A_436 {strides = array<i32>} : memref<40x136xf32, #tpu.memory_space<vmem>>, vector<16xf32>,
        %get3A_440 = arith.index_cast %add3A_351 : i32 to index
        %get3A_441 = arith.constant 32 : index
        %get3A_442 = tpu.vector_load %arg15[%get3A_440, %get3A_441] {strides = array<i32>} : memref<40x128xf32, #tpu.memory_space<vmem>>, vector<16xf32>,
        %mul3A_443 = arith.mulf %get3A_442, %exp3A_423 : vector<16xf32>
        %swap3A_444 = arith.index_cast %add3A_351 : i32 to index
        %swap3A_445 = arith.constant 32 : index
        %swap3A_446 = tpu.vector_load %arg16[%swap3A_444, %swap3A_445] {strides = array<i32>} : memref<40x136xf32, #tpu.memory_space<vmem>>, vector<16xf32>,
        tpu.vector_store %arg16[%swap3A_444, %swap3A_445], %mul3A_443 {strides = array<i32>} : memref<40x136xf32, #tpu.memory_space<vmem>>, vector<16xf32>,
        %get3A_447 = arith.index_cast %add3A_351 : i32 to index
        %get3A_448 = arith.constant 48 : index
        %get3A_449 = tpu.vector_load %arg15[%get3A_447, %get3A_448] {strides = array<i32>} : memref<40x128xf32, #tpu.memory_space<vmem>>, vector<16xf32>,
        %mul3A_450 = arith.mulf %get3A_449, %exp3A_423 : vector<16xf32>
        %swap3A_451 = arith.index_cast %add3A_351 : i32 to index
        %swap3A_452 = arith.constant 48 : index
        %swap3A_453 = tpu.vector_load %arg16[%swap3A_451, %swap3A_452] {strides = array<i32>} : memref<40x136xf32, #tpu.memory_space<vmem>>, vector<16xf32>,
        tpu.vector_store %arg16[%swap3A_451, %swap3A_452], %mul3A_450 {strides = array<i32>} : memref<40x136xf32, #tpu.memory_space<vmem>>, vector<16xf32>,
        %get3A_454 = arith.index_cast %add3A_351 : i32 to index
        %get3A_455 = arith.constant 64 : index
        %get3A_456 = tpu.vector_load %arg15[%get3A_454, %get3A_455] {strides = array<i32>} : memref<40x128xf32, #tpu.memory_space<vmem>>, vector<16xf32>,
        %mul3A_457 = arith.mulf %get3A_456, %exp3A_425 : vector<16xf32>
        %swap3A_458 = arith.index_cast %add3A_351 : i32 to index
        %swap3A_459 = arith.constant 64 : index
        %swap3A_460 = tpu.vector_load %arg16[%swap3A_458, %swap3A_459] {strides = array<i32>} : memref<40x136xf32, #tpu.memory_space<vmem>>, vector<16xf32>,
        tpu.vector_store %arg16[%swap3A_458, %swap3A_459], %mul3A_457 {strides = array<i32>} : memref<40x136xf32, #tpu.memory_space<vmem>>, vector<16xf32>,
        %get3A_461 = arith.index_cast %add3A_351 : i32 to index
        %get3A_462 = arith.constant 80 : index
        %get3A_463 = tpu.vector_load %arg15[%get3A_461, %get3A_462] {strides = array<i32>} : memref<40x128xf32, #tpu.memory_space<vmem>>, vector<16xf32>,
        %mul3A_464 = arith.mulf %get3A_463, %exp3A_425 : vector<16xf32>
        %swap3A_465 = arith.index_cast %add3A_351 : i32 to index
        %swap3A_466 = arith.constant 80 : index
        %swap3A_467 = tpu.vector_load %arg16[%swap3A_465, %swap3A_466] {strides = array<i32>} : memref<40x136xf32, #tpu.memory_space<vmem>>, vector<16xf32>,
        tpu.vector_store %arg16[%swap3A_465, %swap3A_466], %mul3A_464 {strides = array<i32>} : memref<40x136xf32, #tpu.memory_space<vmem>>, vector<16xf32>,
        %get3A_468 = arith.index_cast %add3A_351 : i32 to index
        %get3A_469 = arith.constant 96 : index
        %get3A_470 = tpu.vector_load %arg15[%get3A_468, %get3A_469] {strides = array<i32>} : memref<40x128xf32, #tpu.memory_space<vmem>>, vector<16xf32>,
        %mul3A_471 = arith.mulf %get3A_470, %exp3A_425 : vector<16xf32>
        %swap3A_472 = arith.index_cast %add3A_351 : i32 to index
        %swap3A_473 = arith.constant 96 : index
        %swap3A_474 = tpu.vector_load %arg16[%swap3A_472, %swap3A_473] {strides = array<i32>} : memref<40x136xf32, #tpu.memory_space<vmem>>, vector<16xf32>,
        tpu.vector_store %arg16[%swap3A_472, %swap3A_473], %mul3A_471 {strides = array<i32>} : memref<40x136xf32, #tpu.memory_space<vmem>>, vector<16xf32>,
        %get3A_475 = arith.index_cast %add3A_351 : i32 to index
        %get3A_476 = arith.constant 112 : index
        %get3A_477 = tpu.vector_load %arg15[%get3A_475, %get3A_476] {strides = array<i32>} : memref<40x128xf32, #tpu.memory_space<vmem>>, vector<16xf32>,
        %mul3A_478 = arith.mulf %get3A_477, %exp3A_425 : vector<16xf32>
        %swap3A_479 = arith.index_cast %add3A_351 : i32 to index
        %swap3A_480 = arith.constant 112 : index
        %swap3A_481 = tpu.vector_load %arg16[%swap3A_479, %swap3A_480] {strides = array<i32>} : memref<40x136xf32, #tpu.memory_space<vmem>>, vector<16xf32>,
        tpu.vector_store %arg16[%swap3A_479, %swap3A_480], %mul3A_478 {strides = array<i32>} : memref<40x136xf32, #tpu.memory_space<vmem>>, vector<16xf32>,
        %broadcast_in_dim3A_482 = vector.shape_cast %min3A_24 : vector<16xi32> to vector<16x1xi32>
        %gather3A_483 = vector.shape_cast %broadcast_in_dim3A_482 : vector<16x1xi32> to vector<16xi32>
        %gather3A_484 = tpu.dynamic_gather %get3A_477[%gather3A_483] in [0] : vector<16xf32>, vector<16xi32> -> vector<16xf32>
        %mul3A_485 = arith.mulf %exp3A_425, %select_n3A_20 : vector<16xf32>
        %mul3A_486 = arith.mulf %gather3A_484, %mul3A_485 : vector<16xf32>
        %mul3A_487 = arith.mulf %exp3A_423, %select_n3A : vector<16xf32>
        %add3A_488 = arith.addf %mul3A_486, %mul3A_487 : vector<16xf32>
        %mul3A_489 = arith.mulf %exp3A_425, %select_n3A_13 : vector<16xf32>
        %add3A_490 = arith.addf %add3A_488, %mul3A_489 : vector<16xf32>
        %swap3A_491 = arith.index_cast %add3A_351 : i32 to index
        %swap3A_492 = arith.constant 120 : index
        %swap3A_493 = tpu.vector_load %arg16[%swap3A_491, %swap3A_492] {strides = array<i32>} : memref<40x136xf32, #tpu.memory_space<vmem>>, vector<16xf32>,
        tpu.vector_store %arg16[%swap3A_491, %swap3A_492], %add3A_490 {strides = array<i32>} : memref<40x136xf32, #tpu.memory_space<vmem>>, vector<16xf32>,
        %add3A_494 = arith.constant 2 : i32
        %add3A_495 = arith.addi %add3A_208, %add3A_494 : i32
        %get3A_496 = arith.index_cast %add3A_495 : i32 to index
        %get3A_497 = arith.constant 0 : index
        %get3A_498 = tpu.vector_load %arg13[%get3A_496, %get3A_497] {strides = array<i32>} : memref<40x128xf32, #tpu.memory_space<vmem>>, vector<16xf32>,
        %get3A_499 = arith.index_cast %add3A_495 : i32 to index
        %get3A_500 = arith.constant 0 : index
        %get3A_501 = tpu.vector_load %arg14[%get3A_499, %get3A_500] {strides = array<i32>} : memref<40x128xf32, #tpu.memory_space<vmem>>, vector<16xf32>,
        %mul3A_502 = arith.mulf %get3A_498, %get3A_501 : vector<16xf32>
        %get3A_503 = arith.index_cast %add3A_495 : i32 to index
        %get3A_504 = arith.constant 16 : index
        %get3A_505 = tpu.vector_load %arg13[%get3A_503, %get3A_504] {strides = array<i32>} : memref<40x128xf32, #tpu.memory_space<vmem>>, vector<16xf32>,
        %get3A_506 = arith.index_cast %add3A_495 : i32 to index
        %get3A_507 = arith.constant 16 : index
        %get3A_508 = tpu.vector_load %arg14[%get3A_506, %get3A_507] {strides = array<i32>} : memref<40x128xf32, #tpu.memory_space<vmem>>, vector<16xf32>,
        %mul3A_509 = arith.mulf %get3A_505, %get3A_508 : vector<16xf32>
        %add3A_510 = arith.addf %mul3A_502, %mul3A_509 : vector<16xf32>
        %get3A_511 = arith.index_cast %add3A_495 : i32 to index
        %get3A_512 = arith.constant 32 : index
        %get3A_513 = tpu.vector_load %arg13[%get3A_511, %get3A_512] {strides = array<i32>} : memref<40x128xf32, #tpu.memory_space<vmem>>, vector<16xf32>,
        %get3A_514 = arith.index_cast %add3A_495 : i32 to index
        %get3A_515 = arith.constant 32 : index
        %get3A_516 = tpu.vector_load %arg14[%get3A_514, %get3A_515] {strides = array<i32>} : memref<40x128xf32, #tpu.memory_space<vmem>>, vector<16xf32>,
        %mul3A_517 = arith.mulf %get3A_513, %get3A_516 : vector<16xf32>
        %add3A_518 = arith.addf %add3A_510, %mul3A_517 : vector<16xf32>
        %get3A_519 = arith.index_cast %add3A_495 : i32 to index
        %get3A_520 = arith.constant 48 : index
        %get3A_521 = tpu.vector_load %arg13[%get3A_519, %get3A_520] {strides = array<i32>} : memref<40x128xf32, #tpu.memory_space<vmem>>, vector<16xf32>,
        %get3A_522 = arith.index_cast %add3A_495 : i32 to index
        %get3A_523 = arith.constant 48 : index
        %get3A_524 = tpu.vector_load %arg14[%get3A_522, %get3A_523] {strides = array<i32>} : memref<40x128xf32, #tpu.memory_space<vmem>>, vector<16xf32>,
        %mul3A_525 = arith.mulf %get3A_521, %get3A_524 : vector<16xf32>
        %add3A_526 = arith.addf %add3A_518, %mul3A_525 : vector<16xf32>
        %reduce_sum3A_527 = arith.constant true
        %reduce_sum3A_528 = vector.broadcast %reduce_sum3A_527 : i1 to vector<16xi1>
        %reduce_sum3A_529 = tpu.scan <sum>, %add3A_526 masked %reduce_sum3A_528 : vector<16xf32>, vector<16xi1> -> vector<16xf32>
        %reduce_sum3A_530 = vector.extract %reduce_sum3A_529[15] : f32 from vector<16xf32>
        %get3A_531 = arith.index_cast %add3A_495 : i32 to index
        %get3A_532 = arith.constant 64 : index
        %get3A_533 = tpu.vector_load %arg13[%get3A_531, %get3A_532] {strides = array<i32>} : memref<40x128xf32, #tpu.memory_space<vmem>>, vector<16xf32>,
        %get3A_534 = arith.index_cast %add3A_495 : i32 to index
        %get3A_535 = arith.constant 64 : index
        %get3A_536 = tpu.vector_load %arg14[%get3A_534, %get3A_535] {strides = array<i32>} : memref<40x128xf32, #tpu.memory_space<vmem>>, vector<16xf32>,
        %mul3A_537 = arith.mulf %get3A_533, %get3A_536 : vector<16xf32>
        %get3A_538 = arith.index_cast %add3A_495 : i32 to index
        %get3A_539 = arith.constant 80 : index
        %get3A_540 = tpu.vector_load %arg13[%get3A_538, %get3A_539] {strides = array<i32>} : memref<40x128xf32, #tpu.memory_space<vmem>>, vector<16xf32>,
        %get3A_541 = arith.index_cast %add3A_495 : i32 to index
        %get3A_542 = arith.constant 80 : index
        %get3A_543 = tpu.vector_load %arg14[%get3A_541, %get3A_542] {strides = array<i32>} : memref<40x128xf32, #tpu.memory_space<vmem>>, vector<16xf32>,
        %mul3A_544 = arith.mulf %get3A_540, %get3A_543 : vector<16xf32>
        %add3A_545 = arith.addf %mul3A_537, %mul3A_544 : vector<16xf32>
        %get3A_546 = arith.index_cast %add3A_495 : i32 to index
        %get3A_547 = arith.constant 96 : index
        %get3A_548 = tpu.vector_load %arg13[%get3A_546, %get3A_547] {strides = array<i32>} : memref<40x128xf32, #tpu.memory_space<vmem>>, vector<16xf32>,
        %get3A_549 = arith.index_cast %add3A_495 : i32 to index
        %get3A_550 = arith.constant 96 : index
        %get3A_551 = tpu.vector_load %arg14[%get3A_549, %get3A_550] {strides = array<i32>} : memref<40x128xf32, #tpu.memory_space<vmem>>, vector<16xf32>,
        %mul3A_552 = arith.mulf %get3A_548, %get3A_551 : vector<16xf32>
        %add3A_553 = arith.addf %add3A_545, %mul3A_552 : vector<16xf32>
        %get3A_554 = arith.index_cast %add3A_495 : i32 to index
        %get3A_555 = arith.constant 112 : index
        %get3A_556 = tpu.vector_load %arg13[%get3A_554, %get3A_555] {strides = array<i32>} : memref<40x128xf32, #tpu.memory_space<vmem>>, vector<16xf32>,
        %get3A_557 = arith.index_cast %add3A_495 : i32 to index
        %get3A_558 = arith.constant 112 : index
        %get3A_559 = tpu.vector_load %arg14[%get3A_557, %get3A_558] {strides = array<i32>} : memref<40x128xf32, #tpu.memory_space<vmem>>, vector<16xf32>,
        %mul3A_560 = arith.mulf %get3A_556, %get3A_559 : vector<16xf32>
        %add3A_561 = arith.addf %add3A_553, %mul3A_560 : vector<16xf32>
        %reduce_sum3A_562 = arith.constant true
        %reduce_sum3A_563 = vector.broadcast %reduce_sum3A_562 : i1 to vector<16xi1>
        %reduce_sum3A_564 = tpu.scan <sum>, %add3A_561 masked %reduce_sum3A_563 : vector<16xf32>, vector<16xi1> -> vector<16xf32>
        %reduce_sum3A_565 = vector.extract %reduce_sum3A_564[15] : f32 from vector<16xf32>
        %broadcast_in_dim3A_566 = vector.broadcast %reduce_sum3A_530 : f32 to vector<16xf32>
        %exp3A_567 = math.exp %broadcast_in_dim3A_566 : vector<16xf32>
        %broadcast_in_dim3A_568 = vector.broadcast %reduce_sum3A_565 : f32 to vector<16xf32>
        %exp3A_569 = math.exp %broadcast_in_dim3A_568 : vector<16xf32>
        %get3A_570 = arith.index_cast %add3A_495 : i32 to index
        %get3A_571 = arith.constant 0 : index
        %get3A_572 = tpu.vector_load %arg15[%get3A_570, %get3A_571] {strides = array<i32>} : memref<40x128xf32, #tpu.memory_space<vmem>>, vector<16xf32>,
        %mul3A_573 = arith.mulf %get3A_572, %exp3A_567 : vector<16xf32>
        %swap3A_574 = arith.index_cast %add3A_495 : i32 to index
        %swap3A_575 = arith.constant 0 : index
        %swap3A_576 = tpu.vector_load %arg16[%swap3A_574, %swap3A_575] {strides = array<i32>} : memref<40x136xf32, #tpu.memory_space<vmem>>, vector<16xf32>,
        tpu.vector_store %arg16[%swap3A_574, %swap3A_575], %mul3A_573 {strides = array<i32>} : memref<40x136xf32, #tpu.memory_space<vmem>>, vector<16xf32>,
        %get3A_577 = arith.index_cast %add3A_495 : i32 to index
        %get3A_578 = arith.constant 16 : index
        %get3A_579 = tpu.vector_load %arg15[%get3A_577, %get3A_578] {strides = array<i32>} : memref<40x128xf32, #tpu.memory_space<vmem>>, vector<16xf32>,
        %mul3A_580 = arith.mulf %get3A_579, %exp3A_567 : vector<16xf32>
        %swap3A_581 = arith.index_cast %add3A_495 : i32 to index
        %swap3A_582 = arith.constant 16 : index
        %swap3A_583 = tpu.vector_load %arg16[%swap3A_581, %swap3A_582] {strides = array<i32>} : memref<40x136xf32, #tpu.memory_space<vmem>>, vector<16xf32>,
        tpu.vector_store %arg16[%swap3A_581, %swap3A_582], %mul3A_580 {strides = array<i32>} : memref<40x136xf32, #tpu.memory_space<vmem>>, vector<16xf32>,
        %get3A_584 = arith.index_cast %add3A_495 : i32 to index
        %get3A_585 = arith.constant 32 : index
        %get3A_586 = tpu.vector_load %arg15[%get3A_584, %get3A_585] {strides = array<i32>} : memref<40x128xf32, #tpu.memory_space<vmem>>, vector<16xf32>,
        %mul3A_587 = arith.mulf %get3A_586, %exp3A_567 : vector<16xf32>
        %swap3A_588 = arith.index_cast %add3A_495 : i32 to index
        %swap3A_589 = arith.constant 32 : index
        %swap3A_590 = tpu.vector_load %arg16[%swap3A_588, %swap3A_589] {strides = array<i32>} : memref<40x136xf32, #tpu.memory_space<vmem>>, vector<16xf32>,
        tpu.vector_store %arg16[%swap3A_588, %swap3A_589], %mul3A_587 {strides = array<i32>} : memref<40x136xf32, #tpu.memory_space<vmem>>, vector<16xf32>,
        %get3A_591 = arith.index_cast %add3A_495 : i32 to index
        %get3A_592 = arith.constant 48 : index
        %get3A_593 = tpu.vector_load %arg15[%get3A_591, %get3A_592] {strides = array<i32>} : memref<40x128xf32, #tpu.memory_space<vmem>>, vector<16xf32>,
        %mul3A_594 = arith.mulf %get3A_593, %exp3A_567 : vector<16xf32>
        %swap3A_595 = arith.index_cast %add3A_495 : i32 to index
        %swap3A_596 = arith.constant 48 : index
        %swap3A_597 = tpu.vector_load %arg16[%swap3A_595, %swap3A_596] {strides = array<i32>} : memref<40x136xf32, #tpu.memory_space<vmem>>, vector<16xf32>,
        tpu.vector_store %arg16[%swap3A_595, %swap3A_596], %mul3A_594 {strides = array<i32>} : memref<40x136xf32, #tpu.memory_space<vmem>>, vector<16xf32>,
        %get3A_598 = arith.index_cast %add3A_495 : i32 to index
        %get3A_599 = arith.constant 64 : index
        %get3A_600 = tpu.vector_load %arg15[%get3A_598, %get3A_599] {strides = array<i32>} : memref<40x128xf32, #tpu.memory_space<vmem>>, vector<16xf32>,
        %mul3A_601 = arith.mulf %get3A_600, %exp3A_569 : vector<16xf32>
        %swap3A_602 = arith.index_cast %add3A_495 : i32 to index
        %swap3A_603 = arith.constant 64 : index
        %swap3A_604 = tpu.vector_load %arg16[%swap3A_602, %swap3A_603] {strides = array<i32>} : memref<40x136xf32, #tpu.memory_space<vmem>>, vector<16xf32>,
        tpu.vector_store %arg16[%swap3A_602, %swap3A_603], %mul3A_601 {strides = array<i32>} : memref<40x136xf32, #tpu.memory_space<vmem>>, vector<16xf32>,
        %get3A_605 = arith.index_cast %add3A_495 : i32 to index
        %get3A_606 = arith.constant 80 : index
        %get3A_607 = tpu.vector_load %arg15[%get3A_605, %get3A_606] {strides = array<i32>} : memref<40x128xf32, #tpu.memory_space<vmem>>, vector<16xf32>,
        %mul3A_608 = arith.mulf %get3A_607, %exp3A_569 : vector<16xf32>
        %swap3A_609 = arith.index_cast %add3A_495 : i32 to index
        %swap3A_610 = arith.constant 80 : index
        %swap3A_611 = tpu.vector_load %arg16[%swap3A_609, %swap3A_610] {strides = array<i32>} : memref<40x136xf32, #tpu.memory_space<vmem>>, vector<16xf32>,
        tpu.vector_store %arg16[%swap3A_609, %swap3A_610], %mul3A_608 {strides = array<i32>} : memref<40x136xf32, #tpu.memory_space<vmem>>, vector<16xf32>,
        %get3A_612 = arith.index_cast %add3A_495 : i32 to index
        %get3A_613 = arith.constant 96 : index
        %get3A_614 = tpu.vector_load %arg15[%get3A_612, %get3A_613] {strides = array<i32>} : memref<40x128xf32, #tpu.memory_space<vmem>>, vector<16xf32>,
        %mul3A_615 = arith.mulf %get3A_614, %exp3A_569 : vector<16xf32>
        %swap3A_616 = arith.index_cast %add3A_495 : i32 to index
        %swap3A_617 = arith.constant 96 : index
        %swap3A_618 = tpu.vector_load %arg16[%swap3A_616, %swap3A_617] {strides = array<i32>} : memref<40x136xf32, #tpu.memory_space<vmem>>, vector<16xf32>,
        tpu.vector_store %arg16[%swap3A_616, %swap3A_617], %mul3A_615 {strides = array<i32>} : memref<40x136xf32, #tpu.memory_space<vmem>>, vector<16xf32>,
        %get3A_619 = arith.index_cast %add3A_495 : i32 to index
        %get3A_620 = arith.constant 112 : index
        %get3A_621 = tpu.vector_load %arg15[%get3A_619, %get3A_620] {strides = array<i32>} : memref<40x128xf32, #tpu.memory_space<vmem>>, vector<16xf32>,
        %mul3A_622 = arith.mulf %get3A_621, %exp3A_569 : vector<16xf32>
        %swap3A_623 = arith.index_cast %add3A_495 : i32 to index
        %swap3A_624 = arith.constant 112 : index
        %swap3A_625 = tpu.vector_load %arg16[%swap3A_623, %swap3A_624] {strides = array<i32>} : memref<40x136xf32, #tpu.memory_space<vmem>>, vector<16xf32>,
        tpu.vector_store %arg16[%swap3A_623, %swap3A_624], %mul3A_622 {strides = array<i32>} : memref<40x136xf32, #tpu.memory_space<vmem>>, vector<16xf32>,
        %broadcast_in_dim3A_626 = vector.shape_cast %min3A_24 : vector<16xi32> to vector<16x1xi32>
        %gather3A_627 = vector.shape_cast %broadcast_in_dim3A_626 : vector<16x1xi32> to vector<16xi32>
        %gather3A_628 = tpu.dynamic_gather %get3A_621[%gather3A_627] in [0] : vector<16xf32>, vector<16xi32> -> vector<16xf32>
        %mul3A_629 = arith.mulf %exp3A_569, %select_n3A_20 : vector<16xf32>
        %mul3A_630 = arith.mulf %gather3A_628, %mul3A_629 : vector<16xf32>
        %mul3A_631 = arith.mulf %exp3A_567, %select_n3A : vector<16xf32>
        %add3A_632 = arith.addf %mul3A_630, %mul3A_631 : vector<16xf32>
        %mul3A_633 = arith.mulf %exp3A_569, %select_n3A_13 : vector<16xf32>
        %add3A_634 = arith.addf %add3A_632, %mul3A_633 : vector<16xf32>
        %swap3A_635 = arith.index_cast %add3A_495 : i32 to index
        %swap3A_636 = arith.constant 120 : index
        %swap3A_637 = tpu.vector_load %arg16[%swap3A_635, %swap3A_636] {strides = array<i32>} : memref<40x136xf32, #tpu.memory_space<vmem>>, vector<16xf32>,
        tpu.vector_store %arg16[%swap3A_635, %swap3A_636], %add3A_634 {strides = array<i32>} : memref<40x136xf32, #tpu.memory_space<vmem>>, vector<16xf32>,
        %add3A_638 = arith.constant 3 : i32
        %add3A_639 = arith.addi %add3A_208, %add3A_638 : i32
        %get3A_640 = arith.index_cast %add3A_639 : i32 to index
        %get3A_641 = arith.constant 0 : index
        %get3A_642 = tpu.vector_load %arg13[%get3A_640, %get3A_641] {strides = array<i32>} : memref<40x128xf32, #tpu.memory_space<vmem>>, vector<16xf32>,
        %get3A_643 = arith.index_cast %add3A_639 : i32 to index
        %get3A_644 = arith.constant 0 : index
        %get3A_645 = tpu.vector_load %arg14[%get3A_643, %get3A_644] {strides = array<i32>} : memref<40x128xf32, #tpu.memory_space<vmem>>, vector<16xf32>,
        %mul3A_646 = arith.mulf %get3A_642, %get3A_645 : vector<16xf32>
        %get3A_647 = arith.index_cast %add3A_639 : i32 to index
        %get3A_648 = arith.constant 16 : index
        %get3A_649 = tpu.vector_load %arg13[%get3A_647, %get3A_648] {strides = array<i32>} : memref<40x128xf32, #tpu.memory_space<vmem>>, vector<16xf32>,
        %get3A_650 = arith.index_cast %add3A_639 : i32 to index
        %get3A_651 = arith.constant 16 : index
        %get3A_652 = tpu.vector_load %arg14[%get3A_650, %get3A_651] {strides = array<i32>} : memref<40x128xf32, #tpu.memory_space<vmem>>, vector<16xf32>,
        %mul3A_653 = arith.mulf %get3A_649, %get3A_652 : vector<16xf32>
        %add3A_654 = arith.addf %mul3A_646, %mul3A_653 : vector<16xf32>
        %get3A_655 = arith.index_cast %add3A_639 : i32 to index
        %get3A_656 = arith.constant 32 : index
        %get3A_657 = tpu.vector_load %arg13[%get3A_655, %get3A_656] {strides = array<i32>} : memref<40x128xf32, #tpu.memory_space<vmem>>, vector<16xf32>,
        %get3A_658 = arith.index_cast %add3A_639 : i32 to index
        %get3A_659 = arith.constant 32 : index
        %get3A_660 = tpu.vector_load %arg14[%get3A_658, %get3A_659] {strides = array<i32>} : memref<40x128xf32, #tpu.memory_space<vmem>>, vector<16xf32>,
        %mul3A_661 = arith.mulf %get3A_657, %get3A_660 : vector<16xf32>
        %add3A_662 = arith.addf %add3A_654, %mul3A_661 : vector<16xf32>
        %get3A_663 = arith.index_cast %add3A_639 : i32 to index
        %get3A_664 = arith.constant 48 : index
        %get3A_665 = tpu.vector_load %arg13[%get3A_663, %get3A_664] {strides = array<i32>} : memref<40x128xf32, #tpu.memory_space<vmem>>, vector<16xf32>,
        %get3A_666 = arith.index_cast %add3A_639 : i32 to index
        %get3A_667 = arith.constant 48 : index
        %get3A_668 = tpu.vector_load %arg14[%get3A_666, %get3A_667] {strides = array<i32>} : memref<40x128xf32, #tpu.memory_space<vmem>>, vector<16xf32>,
        %mul3A_669 = arith.mulf %get3A_665, %get3A_668 : vector<16xf32>
        %add3A_670 = arith.addf %add3A_662, %mul3A_669 : vector<16xf32>
        %reduce_sum3A_671 = arith.constant true
        %reduce_sum3A_672 = vector.broadcast %reduce_sum3A_671 : i1 to vector<16xi1>
        %reduce_sum3A_673 = tpu.scan <sum>, %add3A_670 masked %reduce_sum3A_672 : vector<16xf32>, vector<16xi1> -> vector<16xf32>
        %reduce_sum3A_674 = vector.extract %reduce_sum3A_673[15] : f32 from vector<16xf32>
        %get3A_675 = arith.index_cast %add3A_639 : i32 to index
        %get3A_676 = arith.constant 64 : index
        %get3A_677 = tpu.vector_load %arg13[%get3A_675, %get3A_676] {strides = array<i32>} : memref<40x128xf32, #tpu.memory_space<vmem>>, vector<16xf32>,
        %get3A_678 = arith.index_cast %add3A_639 : i32 to index
        %get3A_679 = arith.constant 64 : index
        %get3A_680 = tpu.vector_load %arg14[%get3A_678, %get3A_679] {strides = array<i32>} : memref<40x128xf32, #tpu.memory_space<vmem>>, vector<16xf32>,
        %mul3A_681 = arith.mulf %get3A_677, %get3A_680 : vector<16xf32>
        %get3A_682 = arith.index_cast %add3A_639 : i32 to index
        %get3A_683 = arith.constant 80 : index
        %get3A_684 = tpu.vector_load %arg13[%get3A_682, %get3A_683] {strides = array<i32>} : memref<40x128xf32, #tpu.memory_space<vmem>>, vector<16xf32>,
        %get3A_685 = arith.index_cast %add3A_639 : i32 to index
        %get3A_686 = arith.constant 80 : index
        %get3A_687 = tpu.vector_load %arg14[%get3A_685, %get3A_686] {strides = array<i32>} : memref<40x128xf32, #tpu.memory_space<vmem>>, vector<16xf32>,
        %mul3A_688 = arith.mulf %get3A_684, %get3A_687 : vector<16xf32>
        %add3A_689 = arith.addf %mul3A_681, %mul3A_688 : vector<16xf32>
        %get3A_690 = arith.index_cast %add3A_639 : i32 to index
        %get3A_691 = arith.constant 96 : index
        %get3A_692 = tpu.vector_load %arg13[%get3A_690, %get3A_691] {strides = array<i32>} : memref<40x128xf32, #tpu.memory_space<vmem>>, vector<16xf32>,
        %get3A_693 = arith.index_cast %add3A_639 : i32 to index
        %get3A_694 = arith.constant 96 : index
        %get3A_695 = tpu.vector_load %arg14[%get3A_693, %get3A_694] {strides = array<i32>} : memref<40x128xf32, #tpu.memory_space<vmem>>, vector<16xf32>,
        %mul3A_696 = arith.mulf %get3A_692, %get3A_695 : vector<16xf32>
        %add3A_697 = arith.addf %add3A_689, %mul3A_696 : vector<16xf32>
        %get3A_698 = arith.index_cast %add3A_639 : i32 to index
        %get3A_699 = arith.constant 112 : index
        %get3A_700 = tpu.vector_load %arg13[%get3A_698, %get3A_699] {strides = array<i32>} : memref<40x128xf32, #tpu.memory_space<vmem>>, vector<16xf32>,
        %get3A_701 = arith.index_cast %add3A_639 : i32 to index
        %get3A_702 = arith.constant 112 : index
        %get3A_703 = tpu.vector_load %arg14[%get3A_701, %get3A_702] {strides = array<i32>} : memref<40x128xf32, #tpu.memory_space<vmem>>, vector<16xf32>,
        %mul3A_704 = arith.mulf %get3A_700, %get3A_703 : vector<16xf32>
        %add3A_705 = arith.addf %add3A_697, %mul3A_704 : vector<16xf32>
        %reduce_sum3A_706 = arith.constant true
        %reduce_sum3A_707 = vector.broadcast %reduce_sum3A_706 : i1 to vector<16xi1>
        %reduce_sum3A_708 = tpu.scan <sum>, %add3A_705 masked %reduce_sum3A_707 : vector<16xf32>, vector<16xi1> -> vector<16xf32>
        %reduce_sum3A_709 = vector.extract %reduce_sum3A_708[15] : f32 from vector<16xf32>
        %broadcast_in_dim3A_710 = vector.broadcast %reduce_sum3A_674 : f32 to vector<16xf32>
        %exp3A_711 = math.exp %broadcast_in_dim3A_710 : vector<16xf32>
        %broadcast_in_dim3A_712 = vector.broadcast %reduce_sum3A_709 : f32 to vector<16xf32>
        %exp3A_713 = math.exp %broadcast_in_dim3A_712 : vector<16xf32>
        %get3A_714 = arith.index_cast %add3A_639 : i32 to index
        %get3A_715 = arith.constant 0 : index
        %get3A_716 = tpu.vector_load %arg15[%get3A_714, %get3A_715] {strides = array<i32>} : memref<40x128xf32, #tpu.memory_space<vmem>>, vector<16xf32>,
        %mul3A_717 = arith.mulf %get3A_716, %exp3A_711 : vector<16xf32>
        %swap3A_718 = arith.index_cast %add3A_639 : i32 to index
        %swap3A_719 = arith.constant 0 : index
        %swap3A_720 = tpu.vector_load %arg16[%swap3A_718, %swap3A_719] {strides = array<i32>} : memref<40x136xf32, #tpu.memory_space<vmem>>, vector<16xf32>,
        tpu.vector_store %arg16[%swap3A_718, %swap3A_719], %mul3A_717 {strides = array<i32>} : memref<40x136xf32, #tpu.memory_space<vmem>>, vector<16xf32>,
        %get3A_721 = arith.index_cast %add3A_639 : i32 to index
        %get3A_722 = arith.constant 16 : index
        %get3A_723 = tpu.vector_load %arg15[%get3A_721, %get3A_722] {strides = array<i32>} : memref<40x128xf32, #tpu.memory_space<vmem>>, vector<16xf32>,
        %mul3A_724 = arith.mulf %get3A_723, %exp3A_711 : vector<16xf32>
        %swap3A_725 = arith.index_cast %add3A_639 : i32 to index
        %swap3A_726 = arith.constant 16 : index
        %swap3A_727 = tpu.vector_load %arg16[%swap3A_725, %swap3A_726] {strides = array<i32>} : memref<40x136xf32, #tpu.memory_space<vmem>>, vector<16xf32>,
        tpu.vector_store %arg16[%swap3A_725, %swap3A_726], %mul3A_724 {strides = array<i32>} : memref<40x136xf32, #tpu.memory_space<vmem>>, vector<16xf32>,
        %get3A_728 = arith.index_cast %add3A_639 : i32 to index
        %get3A_729 = arith.constant 32 : index
        %get3A_730 = tpu.vector_load %arg15[%get3A_728, %get3A_729] {strides = array<i32>} : memref<40x128xf32, #tpu.memory_space<vmem>>, vector<16xf32>,
        %mul3A_731 = arith.mulf %get3A_730, %exp3A_711 : vector<16xf32>
        %swap3A_732 = arith.index_cast %add3A_639 : i32 to index
        %swap3A_733 = arith.constant 32 : index
        %swap3A_734 = tpu.vector_load %arg16[%swap3A_732, %swap3A_733] {strides = array<i32>} : memref<40x136xf32, #tpu.memory_space<vmem>>, vector<16xf32>,
        tpu.vector_store %arg16[%swap3A_732, %swap3A_733], %mul3A_731 {strides = array<i32>} : memref<40x136xf32, #tpu.memory_space<vmem>>, vector<16xf32>,
        %get3A_735 = arith.index_cast %add3A_639 : i32 to index
        %get3A_736 = arith.constant 48 : index
        %get3A_737 = tpu.vector_load %arg15[%get3A_735, %get3A_736] {strides = array<i32>} : memref<40x128xf32, #tpu.memory_space<vmem>>, vector<16xf32>,
        %mul3A_738 = arith.mulf %get3A_737, %exp3A_711 : vector<16xf32>
        %swap3A_739 = arith.index_cast %add3A_639 : i32 to index
        %swap3A_740 = arith.constant 48 : index
        %swap3A_741 = tpu.vector_load %arg16[%swap3A_739, %swap3A_740] {strides = array<i32>} : memref<40x136xf32, #tpu.memory_space<vmem>>, vector<16xf32>,
        tpu.vector_store %arg16[%swap3A_739, %swap3A_740], %mul3A_738 {strides = array<i32>} : memref<40x136xf32, #tpu.memory_space<vmem>>, vector<16xf32>,
        %get3A_742 = arith.index_cast %add3A_639 : i32 to index
        %get3A_743 = arith.constant 64 : index
        %get3A_744 = tpu.vector_load %arg15[%get3A_742, %get3A_743] {strides = array<i32>} : memref<40x128xf32, #tpu.memory_space<vmem>>, vector<16xf32>,
        %mul3A_745 = arith.mulf %get3A_744, %exp3A_713 : vector<16xf32>
        %swap3A_746 = arith.index_cast %add3A_639 : i32 to index
        %swap3A_747 = arith.constant 64 : index
        %swap3A_748 = tpu.vector_load %arg16[%swap3A_746, %swap3A_747] {strides = array<i32>} : memref<40x136xf32, #tpu.memory_space<vmem>>, vector<16xf32>,
        tpu.vector_store %arg16[%swap3A_746, %swap3A_747], %mul3A_745 {strides = array<i32>} : memref<40x136xf32, #tpu.memory_space<vmem>>, vector<16xf32>,
        %get3A_749 = arith.index_cast %add3A_639 : i32 to index
        %get3A_750 = arith.constant 80 : index
        %get3A_751 = tpu.vector_load %arg15[%get3A_749, %get3A_750] {strides = array<i32>} : memref<40x128xf32, #tpu.memory_space<vmem>>, vector<16xf32>,
        %mul3A_752 = arith.mulf %get3A_751, %exp3A_713 : vector<16xf32>
        %swap3A_753 = arith.index_cast %add3A_639 : i32 to index
        %swap3A_754 = arith.constant 80 : index
        %swap3A_755 = tpu.vector_load %arg16[%swap3A_753, %swap3A_754] {strides = array<i32>} : memref<40x136xf32, #tpu.memory_space<vmem>>, vector<16xf32>,
        tpu.vector_store %arg16[%swap3A_753, %swap3A_754], %mul3A_752 {strides = array<i32>} : memref<40x136xf32, #tpu.memory_space<vmem>>, vector<16xf32>,
        %get3A_756 = arith.index_cast %add3A_639 : i32 to index
        %get3A_757 = arith.constant 96 : index
        %get3A_758 = tpu.vector_load %arg15[%get3A_756, %get3A_757] {strides = array<i32>} : memref<40x128xf32, #tpu.memory_space<vmem>>, vector<16xf32>,
        %mul3A_759 = arith.mulf %get3A_758, %exp3A_713 : vector<16xf32>
        %swap3A_760 = arith.index_cast %add3A_639 : i32 to index
        %swap3A_761 = arith.constant 96 : index
        %swap3A_762 = tpu.vector_load %arg16[%swap3A_760, %swap3A_761] {strides = array<i32>} : memref<40x136xf32, #tpu.memory_space<vmem>>, vector<16xf32>,
        tpu.vector_store %arg16[%swap3A_760, %swap3A_761], %mul3A_759 {strides = array<i32>} : memref<40x136xf32, #tpu.memory_space<vmem>>, vector<16xf32>,
        %get3A_763 = arith.index_cast %add3A_639 : i32 to index
        %get3A_764 = arith.constant 112 : index
        %get3A_765 = tpu.vector_load %arg15[%get3A_763, %get3A_764] {strides = array<i32>} : memref<40x128xf32, #tpu.memory_space<vmem>>, vector<16xf32>,
        %mul3A_766 = arith.mulf %get3A_765, %exp3A_713 : vector<16xf32>
        %swap3A_767 = arith.index_cast %add3A_639 : i32 to index
        %swap3A_768 = arith.constant 112 : index
        %swap3A_769 = tpu.vector_load %arg16[%swap3A_767, %swap3A_768] {strides = array<i32>} : memref<40x136xf32, #tpu.memory_space<vmem>>, vector<16xf32>,
        tpu.vector_store %arg16[%swap3A_767, %swap3A_768], %mul3A_766 {strides = array<i32>} : memref<40x136xf32, #tpu.memory_space<vmem>>, vector<16xf32>,
        %broadcast_in_dim3A_770 = vector.shape_cast %min3A_24 : vector<16xi32> to vector<16x1xi32>
        %gather3A_771 = vector.shape_cast %broadcast_in_dim3A_770 : vector<16x1xi32> to vector<16xi32>
        %gather3A_772 = tpu.dynamic_gather %get3A_765[%gather3A_771] in [0] : vector<16xf32>, vector<16xi32> -> vector<16xf32>
        %mul3A_773 = arith.mulf %exp3A_713, %select_n3A_20 : vector<16xf32>
        %mul3A_774 = arith.mulf %gather3A_772, %mul3A_773 : vector<16xf32>
        %mul3A_775 = arith.mulf %exp3A_711, %select_n3A : vector<16xf32>
        %add3A_776 = arith.addf %mul3A_774, %mul3A_775 : vector<16xf32>
        %mul3A_777 = arith.mulf %exp3A_713, %select_n3A_13 : vector<16xf32>
        %add3A_778 = arith.addf %add3A_776, %mul3A_777 : vector<16xf32>
        %swap3A_779 = arith.index_cast %add3A_639 : i32 to index
        %swap3A_780 = arith.constant 120 : index
        %swap3A_781 = tpu.vector_load %arg16[%swap3A_779, %swap3A_780] {strides = array<i32>} : memref<40x136xf32, #tpu.memory_space<vmem>>, vector<16xf32>,
        tpu.vector_store %arg16[%swap3A_779, %swap3A_780], %add3A_778 {strides = array<i32>} : memref<40x136xf32, #tpu.memory_space<vmem>>, vector<16xf32>,
      }
      %scan3A_146 = arith.constant 10 : i32
      "tpu.region"() ({
        %run_scoped3A = tpu.sem_alloc : memref<!tpu.dma_semaphore, #tpu.memory_space<semaphore_mem>>
        %dma_start3A_204 = arith.constant 0 : i32
        %dma_start3A_205 = arith.constant 0 : i32
        %dma_start3A_206 = tpu.memref_slice %arg26[%dma_start3A_204, %dma_start3A_205] : memref<10000x136xf32, #tpu.memory_space<vmem_shared>> -> memref<10000x136xf32, #tpu.memory_space<vmem_shared>>
        tpu.enqueue_indirect_dma source(%arg16 : memref<40x136xf32, #tpu.memory_space<vmem>>) target(%dma_start3A_206 : memref<10000x136xf32, #tpu.memory_space<vmem_shared>>) offsets(%arg12 : memref<40xi32, #tpu.memory_space<vmem>>) semaphore(%run_scoped3A : memref<!tpu.dma_semaphore, #tpu.memory_space<semaphore_mem>>) {add = true}
        %dma_wait3A_207 = arith.constant 0 : i32
        %dma_wait3A_208 = arith.constant 0 : i32
        %dma_wait3A_209 = tpu.memref_slice %arg26[%dma_wait3A_207, %dma_wait3A_208] : memref<10000x136xf32, #tpu.memory_space<vmem_shared>> -> memref<10000x136xf32, #tpu.memory_space<vmem_shared>>
        tpu.wait_indirect_dma semaphore(%run_scoped3A : memref<!tpu.dma_semaphore, #tpu.memory_space<semaphore_mem>>) src(%arg16 : memref<40x136xf32, #tpu.memory_space<vmem>>) dst(%dma_wait3A_209 : memref<10000x136xf32, #tpu.memory_space<vmem_shared>>)
        tpu.yield
      }) : () -> ()
      %scan3A_147 = arith.constant 0 : i32
      %scan3A_148 = arith.constant 2 : i32
      %scan3A_149 = arith.addi %scan3A_147, %scan3A_148 : i32
      %scan3A_150 = arith.constant 1 : i32
      scf.for %scan3A_204 = %scan3A_147 to %scan3A_149 step %scan3A_150  : i32 {
        %mul3A_205 = arith.constant 16 : i32
        %mul3A_206 = arith.muli %scan3A_204, %mul3A_205 : i32
        %add3A_207 = arith.constant 0 : i32
        %add3A_208 = arith.addi %add3A_207, %mul3A_206 : i32
        %get3A_209 = arith.index_cast %add3A_208 : i32 to index
        %get3A_210 = tpu.vector_load %arg8[%get3A_209] {strides = array<i32>} : memref<40xi32, #tpu.memory_space<vmem>>, vector<16xi32>,
        %add3A_211 = vector.broadcast %mul3A_25 : i32 to vector<16xi32>
        %add3A_212 = arith.addi %get3A_210, %add3A_211 : vector<16xi32>
        %swap3A_213 = arith.index_cast %add3A_208 : i32 to index
        %swap3A_214 = tpu.vector_load %arg10[%swap3A_213] {strides = array<i32>} : memref<40xi32, #tpu.memory_space<vmem>>, vector<16xi32>,
        tpu.vector_store %arg10[%swap3A_213], %add3A_212 {strides = array<i32>} : memref<40xi32, #tpu.memory_space<vmem>>, vector<16xi32>,
        %get3A_215 = arith.index_cast %add3A_208 : i32 to index
        %get3A_216 = tpu.vector_load %arg9[%get3A_215] {strides = array<i32>} : memref<40xi32, #tpu.memory_space<vmem>>, vector<16xi32>,
        %add3A_217 = vector.broadcast %mul3A_25 : i32 to vector<16xi32>
        %add3A_218 = arith.addi %get3A_216, %add3A_217 : vector<16xi32>
        %swap3A_219 = arith.index_cast %add3A_208 : i32 to index
        %swap3A_220 = tpu.vector_load %arg11[%swap3A_219] {strides = array<i32>} : memref<40xi32, #tpu.memory_space<vmem>>, vector<16xi32>,
        tpu.vector_store %arg11[%swap3A_219], %add3A_218 {strides = array<i32>} : memref<40xi32, #tpu.memory_space<vmem>>, vector<16xi32>,
      }
      %scan3A_151 = arith.constant 2 : i32
      %get3A_152 = arith.constant 24 : index
      %get3A_153 = tpu.vector_load %arg8[%get3A_152] {strides = array<i32>} : memref<40xi32, #tpu.memory_space<vmem>>, vector<16xi32>,
      %add3A_154 = vector.broadcast %mul3A_25 : i32 to vector<16xi32>
      %add3A_155 = arith.addi %get3A_153, %add3A_154 : vector<16xi32>
      %swap3A_156 = arith.constant 24 : index
      %swap3A_157 = tpu.vector_load %arg10[%swap3A_156] {strides = array<i32>} : memref<40xi32, #tpu.memory_space<vmem>>, vector<16xi32>,
      tpu.vector_store %arg10[%swap3A_156], %add3A_155 {strides = array<i32>} : memref<40xi32, #tpu.memory_space<vmem>>, vector<16xi32>,
      %get3A_158 = arith.constant 24 : index
      %get3A_159 = tpu.vector_load %arg9[%get3A_158] {strides = array<i32>} : memref<40xi32, #tpu.memory_space<vmem>>, vector<16xi32>,
      %add3A_160 = vector.broadcast %mul3A_25 : i32 to vector<16xi32>
      %add3A_161 = arith.addi %get3A_159, %add3A_160 : vector<16xi32>
      %swap3A_162 = arith.constant 24 : index
      %swap3A_163 = tpu.vector_load %arg11[%swap3A_162] {strides = array<i32>} : memref<40xi32, #tpu.memory_space<vmem>>, vector<16xi32>,
      tpu.vector_store %arg11[%swap3A_162], %add3A_161 {strides = array<i32>} : memref<40xi32, #tpu.memory_space<vmem>>, vector<16xi32>,
      %dma_start3A_164 = arith.constant 0 : i32
      %dma_start3A_165 = arith.constant 0 : i32
      %dma_start3A_166 = tpu.memref_slice %arg2[%dma_start3A_164, %dma_start3A_165] : memref<20000x128xf32, #tpu.memory_space<hbm>> -> memref<20000x128xf32, #tpu.memory_space<hbm>>
      tpu.enqueue_indirect_dma source(%dma_start3A_166 : memref<20000x128xf32, #tpu.memory_space<hbm>>) target(%arg13 : memref<40x128xf32, #tpu.memory_space<vmem>>) offsets(%arg11 : memref<40xi32, #tpu.memory_space<vmem>>) semaphore(%arg29 : memref<!tpu.dma_semaphore, #tpu.memory_space<semaphore_mem>>)
      %dma_start3A_167 = arith.constant 0 : i32
      %dma_start3A_168 = arith.constant 0 : i32
      %dma_start3A_169 = tpu.memref_slice %arg3[%dma_start3A_167, %dma_start3A_168] : memref<20000x128xf32, #tpu.memory_space<hbm>> -> memref<20000x128xf32, #tpu.memory_space<hbm>>
      tpu.enqueue_indirect_dma source(%dma_start3A_169 : memref<20000x128xf32, #tpu.memory_space<hbm>>) target(%arg14 : memref<40x128xf32, #tpu.memory_space<vmem>>) offsets(%arg10 : memref<40xi32, #tpu.memory_space<vmem>>) semaphore(%arg30 : memref<!tpu.dma_semaphore, #tpu.memory_space<semaphore_mem>>)
      %dma_start3A_170 = arith.constant 0 : i32
      %dma_start3A_171 = arith.constant 0 : i32
      %dma_start3A_172 = tpu.memref_slice %arg4[%dma_start3A_170, %dma_start3A_171] : memref<20000x128xf32, #tpu.memory_space<hbm>> -> memref<20000x128xf32, #tpu.memory_space<hbm>>
      tpu.enqueue_indirect_dma source(%dma_start3A_172 : memref<20000x128xf32, #tpu.memory_space<hbm>>) target(%arg15 : memref<40x128xf32, #tpu.memory_space<vmem>>) offsets(%arg10 : memref<40xi32, #tpu.memory_space<vmem>>) semaphore(%arg31 : memref<!tpu.dma_semaphore, #tpu.memory_space<semaphore_mem>>)
      %dma_wait3A_173 = arith.constant 0 : i32
      %dma_wait3A_174 = arith.constant 0 : i32
      %dma_wait3A_175 = tpu.memref_slice %arg2[%dma_wait3A_173, %dma_wait3A_174] : memref<20000x128xf32, #tpu.memory_space<hbm>> -> memref<20000x128xf32, #tpu.memory_space<hbm>>
      tpu.wait_indirect_dma semaphore(%arg32 : memref<!tpu.dma_semaphore, #tpu.memory_space<semaphore_mem>>) src(%dma_wait3A_175 : memref<20000x128xf32, #tpu.memory_space<hbm>>) dst(%arg22 : memref<40x128xf32, #tpu.memory_space<vmem>>)
      %dma_wait3A_176 = arith.constant 0 : i32
      %dma_wait3A_177 = arith.constant 0 : i32
      %dma_wait3A_178 = tpu.memref_slice %arg3[%dma_wait3A_176, %dma_wait3A_177] : memref<20000x128xf32, #tpu.memory_space<hbm>> -> memref<20000x128xf32, #tpu.memory_space<hbm>>
      tpu.wait_indirect_dma semaphore(%arg33 : memref<!tpu.dma_semaphore, #tpu.memory_space<semaphore_mem>>) src(%dma_wait3A_178 : memref<20000x128xf32, #tpu.memory_space<hbm>>) dst(%arg23 : memref<40x128xf32, #tpu.memory_space<vmem>>)
      %dma_wait3A_179 = arith.constant 0 : i32
      %dma_wait3A_180 = arith.constant 0 : i32
      %dma_wait3A_181 = tpu.memref_slice %arg4[%dma_wait3A_179, %dma_wait3A_180] : memref<20000x128xf32, #tpu.memory_space<hbm>> -> memref<20000x128xf32, #tpu.memory_space<hbm>>
      tpu.wait_indirect_dma semaphore(%arg34 : memref<!tpu.dma_semaphore, #tpu.memory_space<semaphore_mem>>) src(%dma_wait3A_181 : memref<20000x128xf32, #tpu.memory_space<hbm>>) dst(%arg24 : memref<40x128xf32, #tpu.memory_space<vmem>>)
      %gt3A_182 = arith.constant 0 : i32
      %gt3A_183 = arith.cmpi sgt, %add3A_82, %gt3A_182 : i32
      %convert_element_type3A_184 = arith.extui %gt3A_183 : i1 to i32
      %cond3A_185 = arith.constant 0 : i32
      %cond3A_186 = arith.cmpi ne, %convert_element_type3A_184, %cond3A_185 : i32
      scf.if %cond3A_186 {
      } else {
      }
      %scan3A_187 = arith.constant 0 : i32
      %scan3A_188 = arith.constant 2 : i32
      %scan3A_189 = arith.addi %scan3A_187, %scan3A_188 : i32
      %scan3A_190 = arith.constant 1 : i32
      scf.for %scan3A_204 = %scan3A_187 to %scan3A_189 step %scan3A_190  : i32 {
        %mul3A_205 = arith.constant 16 : i32
        %mul3A_206 = arith.muli %scan3A_204, %mul3A_205 : i32
        %add3A_207 = arith.constant 0 : i32
        %add3A_208 = arith.addi %add3A_207, %mul3A_206 : i32
        %get3A_209 = arith.index_cast %add3A_208 : i32 to index
        %get3A_210 = tpu.vector_load %arg18[%get3A_209] {strides = array<i32>} : memref<40xi32, #tpu.memory_space<vmem>>, vector<16xi32>,
        %swap3A_211 = arith.index_cast %add3A_208 : i32 to index
        %swap3A_212 = tpu.vector_load %arg21[%swap3A_211] {strides = array<i32>} : memref<40xi32, #tpu.memory_space<vmem>>, vector<16xi32>,
        tpu.vector_store %arg21[%swap3A_211], %get3A_210 {strides = array<i32>} : memref<40xi32, #tpu.memory_space<vmem>>, vector<16xi32>,
      }
      %scan3A_191 = arith.constant 2 : i32
      %get3A_192 = arith.constant 24 : index
      %get3A_193 = tpu.vector_load %arg18[%get3A_192] {strides = array<i32>} : memref<40xi32, #tpu.memory_space<vmem>>, vector<16xi32>,
      %swap3A_194 = arith.constant 24 : index
      %swap3A_195 = tpu.vector_load %arg21[%swap3A_194] {strides = array<i32>} : memref<40xi32, #tpu.memory_space<vmem>>, vector<16xi32>,
      tpu.vector_store %arg21[%swap3A_194], %get3A_193 {strides = array<i32>} : memref<40xi32, #tpu.memory_space<vmem>>, vector<16xi32>,
      %mul3A_196 = arith.constant 40 : i32
      %mul3A_197 = arith.muli %min3A_92, %mul3A_196 : i32
      %add3A_198 = arith.addi %mul3A_27, %mul3A_197 : i32
      "tpu.region"() ({
        %run_scoped3A = tpu.sem_alloc : memref<!tpu.dma_semaphore, #tpu.memory_space<semaphore_mem>>
        %dma_start3A_204 = tpu.memref_slice %arg5[%add3A_198] : memref<160000xi32, #tpu.memory_space<hbm>> -> memref<40xi32, #tpu.memory_space<hbm>>
        %dma_start3A_205 = tpu.memref_slice %arg5[%add3A_198] : memref<160000xi32, #tpu.memory_space<hbm>> -> memref<40xi32, #tpu.memory_space<hbm>>
        tpu.enqueue_dma source(%dma_start3A_205 : memref<40xi32, #tpu.memory_space<hbm>>) target(%arg17 : memref<40xi32, #tpu.memory_space<vmem>>) target_semaphore(%run_scoped3A : memref<!tpu.dma_semaphore, #tpu.memory_space<semaphore_mem>>)
        %dma_wait3A_206 = tpu.memref_slice %arg5[%add3A_198] : memref<160000xi32, #tpu.memory_space<hbm>> -> memref<40xi32, #tpu.memory_space<hbm>>
        %dma_wait3A_207 = tpu.memref_slice %arg5[%add3A_198] : memref<160000xi32, #tpu.memory_space<hbm>> -> memref<40xi32, #tpu.memory_space<hbm>>
        tpu.wait_dma2 semaphore(%run_scoped3A : memref<!tpu.dma_semaphore, #tpu.memory_space<semaphore_mem>>) src(%dma_wait3A_207 : memref<40xi32, #tpu.memory_space<hbm>>) dst(%arg17 : memref<40xi32, #tpu.memory_space<vmem>>)
        tpu.yield
      }) : () -> ()
      "tpu.region"() ({
        %run_scoped3A = tpu.sem_alloc : memref<!tpu.dma_semaphore, #tpu.memory_space<semaphore_mem>>
        %dma_start3A_204 = tpu.memref_slice %arg6[%add3A_198] : memref<160000xi32, #tpu.memory_space<hbm>> -> memref<40xi32, #tpu.memory_space<hbm>>
        %dma_start3A_205 = tpu.memref_slice %arg6[%add3A_198] : memref<160000xi32, #tpu.memory_space<hbm>> -> memref<40xi32, #tpu.memory_space<hbm>>
        tpu.enqueue_dma source(%dma_start3A_205 : memref<40xi32, #tpu.memory_space<hbm>>) target(%arg18 : memref<40xi32, #tpu.memory_space<vmem>>) target_semaphore(%run_scoped3A : memref<!tpu.dma_semaphore, #tpu.memory_space<semaphore_mem>>)
        %dma_wait3A_206 = tpu.memref_slice %arg6[%add3A_198] : memref<160000xi32, #tpu.memory_space<hbm>> -> memref<40xi32, #tpu.memory_space<hbm>>
        %dma_wait3A_207 = tpu.memref_slice %arg6[%add3A_198] : memref<160000xi32, #tpu.memory_space<hbm>> -> memref<40xi32, #tpu.memory_space<hbm>>
        tpu.wait_dma2 semaphore(%run_scoped3A : memref<!tpu.dma_semaphore, #tpu.memory_space<semaphore_mem>>) src(%dma_wait3A_207 : memref<40xi32, #tpu.memory_space<hbm>>) dst(%arg18 : memref<40xi32, #tpu.memory_space<vmem>>)
        tpu.yield
      }) : () -> ()
      %scan3A_199 = arith.constant 0 : i32
      %scan3A_200 = arith.constant 10 : i32
      %scan3A_201 = arith.addi %scan3A_199, %scan3A_200 : i32
      %scan3A_202 = arith.constant 1 : i32
      scf.for %scan3A_204 = %scan3A_199 to %scan3A_201 step %scan3A_202  : i32 {
        %mul3A_205 = arith.constant 4 : i32
        %mul3A_206 = arith.muli %scan3A_204, %mul3A_205 : i32
        %add3A_207 = arith.constant 0 : i32
        %add3A_208 = arith.addi %add3A_207, %mul3A_206 : i32
        %add3A_209 = arith.constant 0 : i32
        %add3A_210 = arith.addi %add3A_208, %add3A_209 : i32
        %get3A_211 = arith.index_cast %add3A_210 : i32 to index
        %get3A_212 = arith.constant 0 : index
        %get3A_213 = tpu.vector_load %arg22[%get3A_211, %get3A_212] {strides = array<i32>} : memref<40x128xf32, #tpu.memory_space<vmem>>, vector<16xf32>,
        %get3A_214 = arith.index_cast %add3A_210 : i32 to index
        %get3A_215 = arith.constant 0 : index
        %get3A_216 = tpu.vector_load %arg23[%get3A_214, %get3A_215] {strides = array<i32>} : memref<40x128xf32, #tpu.memory_space<vmem>>, vector<16xf32>,
        %mul3A_217 = arith.mulf %get3A_213, %get3A_216 : vector<16xf32>
        %get3A_218 = arith.index_cast %add3A_210 : i32 to index
        %get3A_219 = arith.constant 16 : index
        %get3A_220 = tpu.vector_load %arg22[%get3A_218, %get3A_219] {strides = array<i32>} : memref<40x128xf32, #tpu.memory_space<vmem>>, vector<16xf32>,
        %get3A_221 = arith.index_cast %add3A_210 : i32 to index
        %get3A_222 = arith.constant 16 : index
        %get3A_223 = tpu.vector_load %arg23[%get3A_221, %get3A_222] {strides = array<i32>} : memref<40x128xf32, #tpu.memory_space<vmem>>, vector<16xf32>,
        %mul3A_224 = arith.mulf %get3A_220, %get3A_223 : vector<16xf32>
        %add3A_225 = arith.addf %mul3A_217, %mul3A_224 : vector<16xf32>
        %get3A_226 = arith.index_cast %add3A_210 : i32 to index
        %get3A_227 = arith.constant 32 : index
        %get3A_228 = tpu.vector_load %arg22[%get3A_226, %get3A_227] {strides = array<i32>} : memref<40x128xf32, #tpu.memory_space<vmem>>, vector<16xf32>,
        %get3A_229 = arith.index_cast %add3A_210 : i32 to index
        %get3A_230 = arith.constant 32 : index
        %get3A_231 = tpu.vector_load %arg23[%get3A_229, %get3A_230] {strides = array<i32>} : memref<40x128xf32, #tpu.memory_space<vmem>>, vector<16xf32>,
        %mul3A_232 = arith.mulf %get3A_228, %get3A_231 : vector<16xf32>
        %add3A_233 = arith.addf %add3A_225, %mul3A_232 : vector<16xf32>
        %get3A_234 = arith.index_cast %add3A_210 : i32 to index
        %get3A_235 = arith.constant 48 : index
        %get3A_236 = tpu.vector_load %arg22[%get3A_234, %get3A_235] {strides = array<i32>} : memref<40x128xf32, #tpu.memory_space<vmem>>, vector<16xf32>,
        %get3A_237 = arith.index_cast %add3A_210 : i32 to index
        %get3A_238 = arith.constant 48 : index
        %get3A_239 = tpu.vector_load %arg23[%get3A_237, %get3A_238] {strides = array<i32>} : memref<40x128xf32, #tpu.memory_space<vmem>>, vector<16xf32>,
        %mul3A_240 = arith.mulf %get3A_236, %get3A_239 : vector<16xf32>
        %add3A_241 = arith.addf %add3A_233, %mul3A_240 : vector<16xf32>
        %reduce_sum3A = arith.constant true
        %reduce_sum3A_242 = vector.broadcast %reduce_sum3A : i1 to vector<16xi1>
        %reduce_sum3A_243 = tpu.scan <sum>, %add3A_241 masked %reduce_sum3A_242 : vector<16xf32>, vector<16xi1> -> vector<16xf32>
        %reduce_sum3A_244 = vector.extract %reduce_sum3A_243[15] : f32 from vector<16xf32>
        %get3A_245 = arith.index_cast %add3A_210 : i32 to index
        %get3A_246 = arith.constant 64 : index
        %get3A_247 = tpu.vector_load %arg22[%get3A_245, %get3A_246] {strides = array<i32>} : memref<40x128xf32, #tpu.memory_space<vmem>>, vector<16xf32>,
        %get3A_248 = arith.index_cast %add3A_210 : i32 to index
        %get3A_249 = arith.constant 64 : index
        %get3A_250 = tpu.vector_load %arg23[%get3A_248, %get3A_249] {strides = array<i32>} : memref<40x128xf32, #tpu.memory_space<vmem>>, vector<16xf32>,
        %mul3A_251 = arith.mulf %get3A_247, %get3A_250 : vector<16xf32>
        %get3A_252 = arith.index_cast %add3A_210 : i32 to index
        %get3A_253 = arith.constant 80 : index
        %get3A_254 = tpu.vector_load %arg22[%get3A_252, %get3A_253] {strides = array<i32>} : memref<40x128xf32, #tpu.memory_space<vmem>>, vector<16xf32>,
        %get3A_255 = arith.index_cast %add3A_210 : i32 to index
        %get3A_256 = arith.constant 80 : index
        %get3A_257 = tpu.vector_load %arg23[%get3A_255, %get3A_256] {strides = array<i32>} : memref<40x128xf32, #tpu.memory_space<vmem>>, vector<16xf32>,
        %mul3A_258 = arith.mulf %get3A_254, %get3A_257 : vector<16xf32>
        %add3A_259 = arith.addf %mul3A_251, %mul3A_258 : vector<16xf32>
        %get3A_260 = arith.index_cast %add3A_210 : i32 to index
        %get3A_261 = arith.constant 96 : index
        %get3A_262 = tpu.vector_load %arg22[%get3A_260, %get3A_261] {strides = array<i32>} : memref<40x128xf32, #tpu.memory_space<vmem>>, vector<16xf32>,
        %get3A_263 = arith.index_cast %add3A_210 : i32 to index
        %get3A_264 = arith.constant 96 : index
        %get3A_265 = tpu.vector_load %arg23[%get3A_263, %get3A_264] {strides = array<i32>} : memref<40x128xf32, #tpu.memory_space<vmem>>, vector<16xf32>,
        %mul3A_266 = arith.mulf %get3A_262, %get3A_265 : vector<16xf32>
        %add3A_267 = arith.addf %add3A_259, %mul3A_266 : vector<16xf32>
        %get3A_268 = arith.index_cast %add3A_210 : i32 to index
        %get3A_269 = arith.constant 112 : index
        %get3A_270 = tpu.vector_load %arg22[%get3A_268, %get3A_269] {strides = array<i32>} : memref<40x128xf32, #tpu.memory_space<vmem>>, vector<16xf32>,
        %get3A_271 = arith.index_cast %add3A_210 : i32 to index
        %get3A_272 = arith.constant 112 : index
        %get3A_273 = tpu.vector_load %arg23[%get3A_271, %get3A_272] {strides = array<i32>} : memref<40x128xf32, #tpu.memory_space<vmem>>, vector<16xf32>,
        %mul3A_274 = arith.mulf %get3A_270, %get3A_273 : vector<16xf32>
        %add3A_275 = arith.addf %add3A_267, %mul3A_274 : vector<16xf32>
        %reduce_sum3A_276 = arith.constant true
        %reduce_sum3A_277 = vector.broadcast %reduce_sum3A_276 : i1 to vector<16xi1>
        %reduce_sum3A_278 = tpu.scan <sum>, %add3A_275 masked %reduce_sum3A_277 : vector<16xf32>, vector<16xi1> -> vector<16xf32>
        %reduce_sum3A_279 = vector.extract %reduce_sum3A_278[15] : f32 from vector<16xf32>
        %broadcast_in_dim3A_280 = vector.broadcast %reduce_sum3A_244 : f32 to vector<16xf32>
        %exp3A = math.exp %broadcast_in_dim3A_280 : vector<16xf32>
        %broadcast_in_dim3A_281 = vector.broadcast %reduce_sum3A_279 : f32 to vector<16xf32>
        %exp3A_282 = math.exp %broadcast_in_dim3A_281 : vector<16xf32>
        %get3A_283 = arith.index_cast %add3A_210 : i32 to index
        %get3A_284 = arith.constant 0 : index
        %get3A_285 = tpu.vector_load %arg24[%get3A_283, %get3A_284] {strides = array<i32>} : memref<40x128xf32, #tpu.memory_space<vmem>>, vector<16xf32>,
        %mul3A_286 = arith.mulf %get3A_285, %exp3A : vector<16xf32>
        %swap3A_287 = arith.index_cast %add3A_210 : i32 to index
        %swap3A_288 = arith.constant 0 : index
        %swap3A_289 = tpu.vector_load %arg25[%swap3A_287, %swap3A_288] {strides = array<i32>} : memref<40x136xf32, #tpu.memory_space<vmem>>, vector<16xf32>,
        tpu.vector_store %arg25[%swap3A_287, %swap3A_288], %mul3A_286 {strides = array<i32>} : memref<40x136xf32, #tpu.memory_space<vmem>>, vector<16xf32>,
        %get3A_290 = arith.index_cast %add3A_210 : i32 to index
        %get3A_291 = arith.constant 16 : index
        %get3A_292 = tpu.vector_load %arg24[%get3A_290, %get3A_291] {strides = array<i32>} : memref<40x128xf32, #tpu.memory_space<vmem>>, vector<16xf32>,
        %mul3A_293 = arith.mulf %get3A_292, %exp3A : vector<16xf32>
        %swap3A_294 = arith.index_cast %add3A_210 : i32 to index
        %swap3A_295 = arith.constant 16 : index
        %swap3A_296 = tpu.vector_load %arg25[%swap3A_294, %swap3A_295] {strides = array<i32>} : memref<40x136xf32, #tpu.memory_space<vmem>>, vector<16xf32>,
        tpu.vector_store %arg25[%swap3A_294, %swap3A_295], %mul3A_293 {strides = array<i32>} : memref<40x136xf32, #tpu.memory_space<vmem>>, vector<16xf32>,
        %get3A_297 = arith.index_cast %add3A_210 : i32 to index
        %get3A_298 = arith.constant 32 : index
        %get3A_299 = tpu.vector_load %arg24[%get3A_297, %get3A_298] {strides = array<i32>} : memref<40x128xf32, #tpu.memory_space<vmem>>, vector<16xf32>,
        %mul3A_300 = arith.mulf %get3A_299, %exp3A : vector<16xf32>
        %swap3A_301 = arith.index_cast %add3A_210 : i32 to index
        %swap3A_302 = arith.constant 32 : index
        %swap3A_303 = tpu.vector_load %arg25[%swap3A_301, %swap3A_302] {strides = array<i32>} : memref<40x136xf32, #tpu.memory_space<vmem>>, vector<16xf32>,
        tpu.vector_store %arg25[%swap3A_301, %swap3A_302], %mul3A_300 {strides = array<i32>} : memref<40x136xf32, #tpu.memory_space<vmem>>, vector<16xf32>,
        %get3A_304 = arith.index_cast %add3A_210 : i32 to index
        %get3A_305 = arith.constant 48 : index
        %get3A_306 = tpu.vector_load %arg24[%get3A_304, %get3A_305] {strides = array<i32>} : memref<40x128xf32, #tpu.memory_space<vmem>>, vector<16xf32>,
        %mul3A_307 = arith.mulf %get3A_306, %exp3A : vector<16xf32>
        %swap3A_308 = arith.index_cast %add3A_210 : i32 to index
        %swap3A_309 = arith.constant 48 : index
        %swap3A_310 = tpu.vector_load %arg25[%swap3A_308, %swap3A_309] {strides = array<i32>} : memref<40x136xf32, #tpu.memory_space<vmem>>, vector<16xf32>,
        tpu.vector_store %arg25[%swap3A_308, %swap3A_309], %mul3A_307 {strides = array<i32>} : memref<40x136xf32, #tpu.memory_space<vmem>>, vector<16xf32>,
        %get3A_311 = arith.index_cast %add3A_210 : i32 to index
        %get3A_312 = arith.constant 64 : index
        %get3A_313 = tpu.vector_load %arg24[%get3A_311, %get3A_312] {strides = array<i32>} : memref<40x128xf32, #tpu.memory_space<vmem>>, vector<16xf32>,
        %mul3A_314 = arith.mulf %get3A_313, %exp3A_282 : vector<16xf32>
        %swap3A_315 = arith.index_cast %add3A_210 : i32 to index
        %swap3A_316 = arith.constant 64 : index
        %swap3A_317 = tpu.vector_load %arg25[%swap3A_315, %swap3A_316] {strides = array<i32>} : memref<40x136xf32, #tpu.memory_space<vmem>>, vector<16xf32>,
        tpu.vector_store %arg25[%swap3A_315, %swap3A_316], %mul3A_314 {strides = array<i32>} : memref<40x136xf32, #tpu.memory_space<vmem>>, vector<16xf32>,
        %get3A_318 = arith.index_cast %add3A_210 : i32 to index
        %get3A_319 = arith.constant 80 : index
        %get3A_320 = tpu.vector_load %arg24[%get3A_318, %get3A_319] {strides = array<i32>} : memref<40x128xf32, #tpu.memory_space<vmem>>, vector<16xf32>,
        %mul3A_321 = arith.mulf %get3A_320, %exp3A_282 : vector<16xf32>
        %swap3A_322 = arith.index_cast %add3A_210 : i32 to index
        %swap3A_323 = arith.constant 80 : index
        %swap3A_324 = tpu.vector_load %arg25[%swap3A_322, %swap3A_323] {strides = array<i32>} : memref<40x136xf32, #tpu.memory_space<vmem>>, vector<16xf32>,
        tpu.vector_store %arg25[%swap3A_322, %swap3A_323], %mul3A_321 {strides = array<i32>} : memref<40x136xf32, #tpu.memory_space<vmem>>, vector<16xf32>,
        %get3A_325 = arith.index_cast %add3A_210 : i32 to index
        %get3A_326 = arith.constant 96 : index
        %get3A_327 = tpu.vector_load %arg24[%get3A_325, %get3A_326] {strides = array<i32>} : memref<40x128xf32, #tpu.memory_space<vmem>>, vector<16xf32>,
        %mul3A_328 = arith.mulf %get3A_327, %exp3A_282 : vector<16xf32>
        %swap3A_329 = arith.index_cast %add3A_210 : i32 to index
        %swap3A_330 = arith.constant 96 : index
        %swap3A_331 = tpu.vector_load %arg25[%swap3A_329, %swap3A_330] {strides = array<i32>} : memref<40x136xf32, #tpu.memory_space<vmem>>, vector<16xf32>,
        tpu.vector_store %arg25[%swap3A_329, %swap3A_330], %mul3A_328 {strides = array<i32>} : memref<40x136xf32, #tpu.memory_space<vmem>>, vector<16xf32>,
        %get3A_332 = arith.index_cast %add3A_210 : i32 to index
        %get3A_333 = arith.constant 112 : index
        %get3A_334 = tpu.vector_load %arg24[%get3A_332, %get3A_333] {strides = array<i32>} : memref<40x128xf32, #tpu.memory_space<vmem>>, vector<16xf32>,
        %mul3A_335 = arith.mulf %get3A_334, %exp3A_282 : vector<16xf32>
        %swap3A_336 = arith.index_cast %add3A_210 : i32 to index
        %swap3A_337 = arith.constant 112 : index
        %swap3A_338 = tpu.vector_load %arg25[%swap3A_336, %swap3A_337] {strides = array<i32>} : memref<40x136xf32, #tpu.memory_space<vmem>>, vector<16xf32>,
        tpu.vector_store %arg25[%swap3A_336, %swap3A_337], %mul3A_335 {strides = array<i32>} : memref<40x136xf32, #tpu.memory_space<vmem>>, vector<16xf32>,
        %broadcast_in_dim3A_339 = vector.shape_cast %min3A_24 : vector<16xi32> to vector<16x1xi32>
        %gather3A = vector.shape_cast %broadcast_in_dim3A_339 : vector<16x1xi32> to vector<16xi32>
        %gather3A_340 = tpu.dynamic_gather %get3A_334[%gather3A] in [0] : vector<16xf32>, vector<16xi32> -> vector<16xf32>
        %mul3A_341 = arith.mulf %exp3A_282, %select_n3A_20 : vector<16xf32>
        %mul3A_342 = arith.mulf %gather3A_340, %mul3A_341 : vector<16xf32>
        %mul3A_343 = arith.mulf %exp3A, %select_n3A : vector<16xf32>
        %add3A_344 = arith.addf %mul3A_342, %mul3A_343 : vector<16xf32>
        %mul3A_345 = arith.mulf %exp3A_282, %select_n3A_13 : vector<16xf32>
        %add3A_346 = arith.addf %add3A_344, %mul3A_345 : vector<16xf32>
        %swap3A_347 = arith.index_cast %add3A_210 : i32 to index
        %swap3A_348 = arith.constant 120 : index
        %swap3A_349 = tpu.vector_load %arg25[%swap3A_347, %swap3A_348] {strides = array<i32>} : memref<40x136xf32, #tpu.memory_space<vmem>>, vector<16xf32>,
        tpu.vector_store %arg25[%swap3A_347, %swap3A_348], %add3A_346 {strides = array<i32>} : memref<40x136xf32, #tpu.memory_space<vmem>>, vector<16xf32>,
        %add3A_350 = arith.constant 1 : i32
        %add3A_351 = arith.addi %add3A_208, %add3A_350 : i32
        %get3A_352 = arith.index_cast %add3A_351 : i32 to index
        %get3A_353 = arith.constant 0 : index
        %get3A_354 = tpu.vector_load %arg22[%get3A_352, %get3A_353] {strides = array<i32>} : memref<40x128xf32, #tpu.memory_space<vmem>>, vector<16xf32>,
        %get3A_355 = arith.index_cast %add3A_351 : i32 to index
        %get3A_356 = arith.constant 0 : index
        %get3A_357 = tpu.vector_load %arg23[%get3A_355, %get3A_356] {strides = array<i32>} : memref<40x128xf32, #tpu.memory_space<vmem>>, vector<16xf32>,
        %mul3A_358 = arith.mulf %get3A_354, %get3A_357 : vector<16xf32>
        %get3A_359 = arith.index_cast %add3A_351 : i32 to index
        %get3A_360 = arith.constant 16 : index
        %get3A_361 = tpu.vector_load %arg22[%get3A_359, %get3A_360] {strides = array<i32>} : memref<40x128xf32, #tpu.memory_space<vmem>>, vector<16xf32>,
        %get3A_362 = arith.index_cast %add3A_351 : i32 to index
        %get3A_363 = arith.constant 16 : index
        %get3A_364 = tpu.vector_load %arg23[%get3A_362, %get3A_363] {strides = array<i32>} : memref<40x128xf32, #tpu.memory_space<vmem>>, vector<16xf32>,
        %mul3A_365 = arith.mulf %get3A_361, %get3A_364 : vector<16xf32>
        %add3A_366 = arith.addf %mul3A_358, %mul3A_365 : vector<16xf32>
        %get3A_367 = arith.index_cast %add3A_351 : i32 to index
        %get3A_368 = arith.constant 32 : index
        %get3A_369 = tpu.vector_load %arg22[%get3A_367, %get3A_368] {strides = array<i32>} : memref<40x128xf32, #tpu.memory_space<vmem>>, vector<16xf32>,
        %get3A_370 = arith.index_cast %add3A_351 : i32 to index
        %get3A_371 = arith.constant 32 : index
        %get3A_372 = tpu.vector_load %arg23[%get3A_370, %get3A_371] {strides = array<i32>} : memref<40x128xf32, #tpu.memory_space<vmem>>, vector<16xf32>,
        %mul3A_373 = arith.mulf %get3A_369, %get3A_372 : vector<16xf32>
        %add3A_374 = arith.addf %add3A_366, %mul3A_373 : vector<16xf32>
        %get3A_375 = arith.index_cast %add3A_351 : i32 to index
        %get3A_376 = arith.constant 48 : index
        %get3A_377 = tpu.vector_load %arg22[%get3A_375, %get3A_376] {strides = array<i32>} : memref<40x128xf32, #tpu.memory_space<vmem>>, vector<16xf32>,
        %get3A_378 = arith.index_cast %add3A_351 : i32 to index
        %get3A_379 = arith.constant 48 : index
        %get3A_380 = tpu.vector_load %arg23[%get3A_378, %get3A_379] {strides = array<i32>} : memref<40x128xf32, #tpu.memory_space<vmem>>, vector<16xf32>,
        %mul3A_381 = arith.mulf %get3A_377, %get3A_380 : vector<16xf32>
        %add3A_382 = arith.addf %add3A_374, %mul3A_381 : vector<16xf32>
        %reduce_sum3A_383 = arith.constant true
        %reduce_sum3A_384 = vector.broadcast %reduce_sum3A_383 : i1 to vector<16xi1>
        %reduce_sum3A_385 = tpu.scan <sum>, %add3A_382 masked %reduce_sum3A_384 : vector<16xf32>, vector<16xi1> -> vector<16xf32>
        %reduce_sum3A_386 = vector.extract %reduce_sum3A_385[15] : f32 from vector<16xf32>
        %get3A_387 = arith.index_cast %add3A_351 : i32 to index
        %get3A_388 = arith.constant 64 : index
        %get3A_389 = tpu.vector_load %arg22[%get3A_387, %get3A_388] {strides = array<i32>} : memref<40x128xf32, #tpu.memory_space<vmem>>, vector<16xf32>,
        %get3A_390 = arith.index_cast %add3A_351 : i32 to index
        %get3A_391 = arith.constant 64 : index
        %get3A_392 = tpu.vector_load %arg23[%get3A_390, %get3A_391] {strides = array<i32>} : memref<40x128xf32, #tpu.memory_space<vmem>>, vector<16xf32>,
        %mul3A_393 = arith.mulf %get3A_389, %get3A_392 : vector<16xf32>
        %get3A_394 = arith.index_cast %add3A_351 : i32 to index
        %get3A_395 = arith.constant 80 : index
        %get3A_396 = tpu.vector_load %arg22[%get3A_394, %get3A_395] {strides = array<i32>} : memref<40x128xf32, #tpu.memory_space<vmem>>, vector<16xf32>,
        %get3A_397 = arith.index_cast %add3A_351 : i32 to index
        %get3A_398 = arith.constant 80 : index
        %get3A_399 = tpu.vector_load %arg23[%get3A_397, %get3A_398] {strides = array<i32>} : memref<40x128xf32, #tpu.memory_space<vmem>>, vector<16xf32>,
        %mul3A_400 = arith.mulf %get3A_396, %get3A_399 : vector<16xf32>
        %add3A_401 = arith.addf %mul3A_393, %mul3A_400 : vector<16xf32>
        %get3A_402 = arith.index_cast %add3A_351 : i32 to index
        %get3A_403 = arith.constant 96 : index
        %get3A_404 = tpu.vector_load %arg22[%get3A_402, %get3A_403] {strides = array<i32>} : memref<40x128xf32, #tpu.memory_space<vmem>>, vector<16xf32>,
        %get3A_405 = arith.index_cast %add3A_351 : i32 to index
        %get3A_406 = arith.constant 96 : index
        %get3A_407 = tpu.vector_load %arg23[%get3A_405, %get3A_406] {strides = array<i32>} : memref<40x128xf32, #tpu.memory_space<vmem>>, vector<16xf32>,
        %mul3A_408 = arith.mulf %get3A_404, %get3A_407 : vector<16xf32>
        %add3A_409 = arith.addf %add3A_401, %mul3A_408 : vector<16xf32>
        %get3A_410 = arith.index_cast %add3A_351 : i32 to index
        %get3A_411 = arith.constant 112 : index
        %get3A_412 = tpu.vector_load %arg22[%get3A_410, %get3A_411] {strides = array<i32>} : memref<40x128xf32, #tpu.memory_space<vmem>>, vector<16xf32>,
        %get3A_413 = arith.index_cast %add3A_351 : i32 to index
        %get3A_414 = arith.constant 112 : index
        %get3A_415 = tpu.vector_load %arg23[%get3A_413, %get3A_414] {strides = array<i32>} : memref<40x128xf32, #tpu.memory_space<vmem>>, vector<16xf32>,
        %mul3A_416 = arith.mulf %get3A_412, %get3A_415 : vector<16xf32>
        %add3A_417 = arith.addf %add3A_409, %mul3A_416 : vector<16xf32>
        %reduce_sum3A_418 = arith.constant true
        %reduce_sum3A_419 = vector.broadcast %reduce_sum3A_418 : i1 to vector<16xi1>
        %reduce_sum3A_420 = tpu.scan <sum>, %add3A_417 masked %reduce_sum3A_419 : vector<16xf32>, vector<16xi1> -> vector<16xf32>
        %reduce_sum3A_421 = vector.extract %reduce_sum3A_420[15] : f32 from vector<16xf32>
        %broadcast_in_dim3A_422 = vector.broadcast %reduce_sum3A_386 : f32 to vector<16xf32>
        %exp3A_423 = math.exp %broadcast_in_dim3A_422 : vector<16xf32>
        %broadcast_in_dim3A_424 = vector.broadcast %reduce_sum3A_421 : f32 to vector<16xf32>
        %exp3A_425 = math.exp %broadcast_in_dim3A_424 : vector<16xf32>
        %get3A_426 = arith.index_cast %add3A_351 : i32 to index
        %get3A_427 = arith.constant 0 : index
        %get3A_428 = tpu.vector_load %arg24[%get3A_426, %get3A_427] {strides = array<i32>} : memref<40x128xf32, #tpu.memory_space<vmem>>, vector<16xf32>,
        %mul3A_429 = arith.mulf %get3A_428, %exp3A_423 : vector<16xf32>
        %swap3A_430 = arith.index_cast %add3A_351 : i32 to index
        %swap3A_431 = arith.constant 0 : index
        %swap3A_432 = tpu.vector_load %arg25[%swap3A_430, %swap3A_431] {strides = array<i32>} : memref<40x136xf32, #tpu.memory_space<vmem>>, vector<16xf32>,
        tpu.vector_store %arg25[%swap3A_430, %swap3A_431], %mul3A_429 {strides = array<i32>} : memref<40x136xf32, #tpu.memory_space<vmem>>, vector<16xf32>,
        %get3A_433 = arith.index_cast %add3A_351 : i32 to index
        %get3A_434 = arith.constant 16 : index
        %get3A_435 = tpu.vector_load %arg24[%get3A_433, %get3A_434] {strides = array<i32>} : memref<40x128xf32, #tpu.memory_space<vmem>>, vector<16xf32>,
        %mul3A_436 = arith.mulf %get3A_435, %exp3A_423 : vector<16xf32>
        %swap3A_437 = arith.index_cast %add3A_351 : i32 to index
        %swap3A_438 = arith.constant 16 : index
        %swap3A_439 = tpu.vector_load %arg25[%swap3A_437, %swap3A_438] {strides = array<i32>} : memref<40x136xf32, #tpu.memory_space<vmem>>, vector<16xf32>,
        tpu.vector_store %arg25[%swap3A_437, %swap3A_438], %mul3A_436 {strides = array<i32>} : memref<40x136xf32, #tpu.memory_space<vmem>>, vector<16xf32>,
        %get3A_440 = arith.index_cast %add3A_351 : i32 to index
        %get3A_441 = arith.constant 32 : index
        %get3A_442 = tpu.vector_load %arg24[%get3A_440, %get3A_441] {strides = array<i32>} : memref<40x128xf32, #tpu.memory_space<vmem>>, vector<16xf32>,
        %mul3A_443 = arith.mulf %get3A_442, %exp3A_423 : vector<16xf32>
        %swap3A_444 = arith.index_cast %add3A_351 : i32 to index
        %swap3A_445 = arith.constant 32 : index
        %swap3A_446 = tpu.vector_load %arg25[%swap3A_444, %swap3A_445] {strides = array<i32>} : memref<40x136xf32, #tpu.memory_space<vmem>>, vector<16xf32>,
        tpu.vector_store %arg25[%swap3A_444, %swap3A_445], %mul3A_443 {strides = array<i32>} : memref<40x136xf32, #tpu.memory_space<vmem>>, vector<16xf32>,
        %get3A_447 = arith.index_cast %add3A_351 : i32 to index
        %get3A_448 = arith.constant 48 : index
        %get3A_449 = tpu.vector_load %arg24[%get3A_447, %get3A_448] {strides = array<i32>} : memref<40x128xf32, #tpu.memory_space<vmem>>, vector<16xf32>,
        %mul3A_450 = arith.mulf %get3A_449, %exp3A_423 : vector<16xf32>
        %swap3A_451 = arith.index_cast %add3A_351 : i32 to index
        %swap3A_452 = arith.constant 48 : index
        %swap3A_453 = tpu.vector_load %arg25[%swap3A_451, %swap3A_452] {strides = array<i32>} : memref<40x136xf32, #tpu.memory_space<vmem>>, vector<16xf32>,
        tpu.vector_store %arg25[%swap3A_451, %swap3A_452], %mul3A_450 {strides = array<i32>} : memref<40x136xf32, #tpu.memory_space<vmem>>, vector<16xf32>,
        %get3A_454 = arith.index_cast %add3A_351 : i32 to index
        %get3A_455 = arith.constant 64 : index
        %get3A_456 = tpu.vector_load %arg24[%get3A_454, %get3A_455] {strides = array<i32>} : memref<40x128xf32, #tpu.memory_space<vmem>>, vector<16xf32>,
        %mul3A_457 = arith.mulf %get3A_456, %exp3A_425 : vector<16xf32>
        %swap3A_458 = arith.index_cast %add3A_351 : i32 to index
        %swap3A_459 = arith.constant 64 : index
        %swap3A_460 = tpu.vector_load %arg25[%swap3A_458, %swap3A_459] {strides = array<i32>} : memref<40x136xf32, #tpu.memory_space<vmem>>, vector<16xf32>,
        tpu.vector_store %arg25[%swap3A_458, %swap3A_459], %mul3A_457 {strides = array<i32>} : memref<40x136xf32, #tpu.memory_space<vmem>>, vector<16xf32>,
        %get3A_461 = arith.index_cast %add3A_351 : i32 to index
        %get3A_462 = arith.constant 80 : index
        %get3A_463 = tpu.vector_load %arg24[%get3A_461, %get3A_462] {strides = array<i32>} : memref<40x128xf32, #tpu.memory_space<vmem>>, vector<16xf32>,
        %mul3A_464 = arith.mulf %get3A_463, %exp3A_425 : vector<16xf32>
        %swap3A_465 = arith.index_cast %add3A_351 : i32 to index
        %swap3A_466 = arith.constant 80 : index
        %swap3A_467 = tpu.vector_load %arg25[%swap3A_465, %swap3A_466] {strides = array<i32>} : memref<40x136xf32, #tpu.memory_space<vmem>>, vector<16xf32>,
        tpu.vector_store %arg25[%swap3A_465, %swap3A_466], %mul3A_464 {strides = array<i32>} : memref<40x136xf32, #tpu.memory_space<vmem>>, vector<16xf32>,
        %get3A_468 = arith.index_cast %add3A_351 : i32 to index
        %get3A_469 = arith.constant 96 : index
        %get3A_470 = tpu.vector_load %arg24[%get3A_468, %get3A_469] {strides = array<i32>} : memref<40x128xf32, #tpu.memory_space<vmem>>, vector<16xf32>,
        %mul3A_471 = arith.mulf %get3A_470, %exp3A_425 : vector<16xf32>
        %swap3A_472 = arith.index_cast %add3A_351 : i32 to index
        %swap3A_473 = arith.constant 96 : index
        %swap3A_474 = tpu.vector_load %arg25[%swap3A_472, %swap3A_473] {strides = array<i32>} : memref<40x136xf32, #tpu.memory_space<vmem>>, vector<16xf32>,
        tpu.vector_store %arg25[%swap3A_472, %swap3A_473], %mul3A_471 {strides = array<i32>} : memref<40x136xf32, #tpu.memory_space<vmem>>, vector<16xf32>,
        %get3A_475 = arith.index_cast %add3A_351 : i32 to index
        %get3A_476 = arith.constant 112 : index
        %get3A_477 = tpu.vector_load %arg24[%get3A_475, %get3A_476] {strides = array<i32>} : memref<40x128xf32, #tpu.memory_space<vmem>>, vector<16xf32>,
        %mul3A_478 = arith.mulf %get3A_477, %exp3A_425 : vector<16xf32>
        %swap3A_479 = arith.index_cast %add3A_351 : i32 to index
        %swap3A_480 = arith.constant 112 : index
        %swap3A_481 = tpu.vector_load %arg25[%swap3A_479, %swap3A_480] {strides = array<i32>} : memref<40x136xf32, #tpu.memory_space<vmem>>, vector<16xf32>,
        tpu.vector_store %arg25[%swap3A_479, %swap3A_480], %mul3A_478 {strides = array<i32>} : memref<40x136xf32, #tpu.memory_space<vmem>>, vector<16xf32>,
        %broadcast_in_dim3A_482 = vector.shape_cast %min3A_24 : vector<16xi32> to vector<16x1xi32>
        %gather3A_483 = vector.shape_cast %broadcast_in_dim3A_482 : vector<16x1xi32> to vector<16xi32>
        %gather3A_484 = tpu.dynamic_gather %get3A_477[%gather3A_483] in [0] : vector<16xf32>, vector<16xi32> -> vector<16xf32>
        %mul3A_485 = arith.mulf %exp3A_425, %select_n3A_20 : vector<16xf32>
        %mul3A_486 = arith.mulf %gather3A_484, %mul3A_485 : vector<16xf32>
        %mul3A_487 = arith.mulf %exp3A_423, %select_n3A : vector<16xf32>
        %add3A_488 = arith.addf %mul3A_486, %mul3A_487 : vector<16xf32>
        %mul3A_489 = arith.mulf %exp3A_425, %select_n3A_13 : vector<16xf32>
        %add3A_490 = arith.addf %add3A_488, %mul3A_489 : vector<16xf32>
        %swap3A_491 = arith.index_cast %add3A_351 : i32 to index
        %swap3A_492 = arith.constant 120 : index
        %swap3A_493 = tpu.vector_load %arg25[%swap3A_491, %swap3A_492] {strides = array<i32>} : memref<40x136xf32, #tpu.memory_space<vmem>>, vector<16xf32>,
        tpu.vector_store %arg25[%swap3A_491, %swap3A_492], %add3A_490 {strides = array<i32>} : memref<40x136xf32, #tpu.memory_space<vmem>>, vector<16xf32>,
        %add3A_494 = arith.constant 2 : i32
        %add3A_495 = arith.addi %add3A_208, %add3A_494 : i32
        %get3A_496 = arith.index_cast %add3A_495 : i32 to index
        %get3A_497 = arith.constant 0 : index
        %get3A_498 = tpu.vector_load %arg22[%get3A_496, %get3A_497] {strides = array<i32>} : memref<40x128xf32, #tpu.memory_space<vmem>>, vector<16xf32>,
        %get3A_499 = arith.index_cast %add3A_495 : i32 to index
        %get3A_500 = arith.constant 0 : index
        %get3A_501 = tpu.vector_load %arg23[%get3A_499, %get3A_500] {strides = array<i32>} : memref<40x128xf32, #tpu.memory_space<vmem>>, vector<16xf32>,
        %mul3A_502 = arith.mulf %get3A_498, %get3A_501 : vector<16xf32>
        %get3A_503 = arith.index_cast %add3A_495 : i32 to index
        %get3A_504 = arith.constant 16 : index
        %get3A_505 = tpu.vector_load %arg22[%get3A_503, %get3A_504] {strides = array<i32>} : memref<40x128xf32, #tpu.memory_space<vmem>>, vector<16xf32>,
        %get3A_506 = arith.index_cast %add3A_495 : i32 to index
        %get3A_507 = arith.constant 16 : index
        %get3A_508 = tpu.vector_load %arg23[%get3A_506, %get3A_507] {strides = array<i32>} : memref<40x128xf32, #tpu.memory_space<vmem>>, vector<16xf32>,
        %mul3A_509 = arith.mulf %get3A_505, %get3A_508 : vector<16xf32>
        %add3A_510 = arith.addf %mul3A_502, %mul3A_509 : vector<16xf32>
        %get3A_511 = arith.index_cast %add3A_495 : i32 to index
        %get3A_512 = arith.constant 32 : index
        %get3A_513 = tpu.vector_load %arg22[%get3A_511, %get3A_512] {strides = array<i32>} : memref<40x128xf32, #tpu.memory_space<vmem>>, vector<16xf32>,
        %get3A_514 = arith.index_cast %add3A_495 : i32 to index
        %get3A_515 = arith.constant 32 : index
        %get3A_516 = tpu.vector_load %arg23[%get3A_514, %get3A_515] {strides = array<i32>} : memref<40x128xf32, #tpu.memory_space<vmem>>, vector<16xf32>,
        %mul3A_517 = arith.mulf %get3A_513, %get3A_516 : vector<16xf32>
        %add3A_518 = arith.addf %add3A_510, %mul3A_517 : vector<16xf32>
        %get3A_519 = arith.index_cast %add3A_495 : i32 to index
        %get3A_520 = arith.constant 48 : index
        %get3A_521 = tpu.vector_load %arg22[%get3A_519, %get3A_520] {strides = array<i32>} : memref<40x128xf32, #tpu.memory_space<vmem>>, vector<16xf32>,
        %get3A_522 = arith.index_cast %add3A_495 : i32 to index
        %get3A_523 = arith.constant 48 : index
        %get3A_524 = tpu.vector_load %arg23[%get3A_522, %get3A_523] {strides = array<i32>} : memref<40x128xf32, #tpu.memory_space<vmem>>, vector<16xf32>,
        %mul3A_525 = arith.mulf %get3A_521, %get3A_524 : vector<16xf32>
        %add3A_526 = arith.addf %add3A_518, %mul3A_525 : vector<16xf32>
        %reduce_sum3A_527 = arith.constant true
        %reduce_sum3A_528 = vector.broadcast %reduce_sum3A_527 : i1 to vector<16xi1>
        %reduce_sum3A_529 = tpu.scan <sum>, %add3A_526 masked %reduce_sum3A_528 : vector<16xf32>, vector<16xi1> -> vector<16xf32>
        %reduce_sum3A_530 = vector.extract %reduce_sum3A_529[15] : f32 from vector<16xf32>
        %get3A_531 = arith.index_cast %add3A_495 : i32 to index
        %get3A_532 = arith.constant 64 : index
        %get3A_533 = tpu.vector_load %arg22[%get3A_531, %get3A_532] {strides = array<i32>} : memref<40x128xf32, #tpu.memory_space<vmem>>, vector<16xf32>,
        %get3A_534 = arith.index_cast %add3A_495 : i32 to index
        %get3A_535 = arith.constant 64 : index
        %get3A_536 = tpu.vector_load %arg23[%get3A_534, %get3A_535] {strides = array<i32>} : memref<40x128xf32, #tpu.memory_space<vmem>>, vector<16xf32>,
        %mul3A_537 = arith.mulf %get3A_533, %get3A_536 : vector<16xf32>
        %get3A_538 = arith.index_cast %add3A_495 : i32 to index
        %get3A_539 = arith.constant 80 : index
        %get3A_540 = tpu.vector_load %arg22[%get3A_538, %get3A_539] {strides = array<i32>} : memref<40x128xf32, #tpu.memory_space<vmem>>, vector<16xf32>,
        %get3A_541 = arith.index_cast %add3A_495 : i32 to index
        %get3A_542 = arith.constant 80 : index
        %get3A_543 = tpu.vector_load %arg23[%get3A_541, %get3A_542] {strides = array<i32>} : memref<40x128xf32, #tpu.memory_space<vmem>>, vector<16xf32>,
        %mul3A_544 = arith.mulf %get3A_540, %get3A_543 : vector<16xf32>
        %add3A_545 = arith.addf %mul3A_537, %mul3A_544 : vector<16xf32>
        %get3A_546 = arith.index_cast %add3A_495 : i32 to index
        %get3A_547 = arith.constant 96 : index
        %get3A_548 = tpu.vector_load %arg22[%get3A_546, %get3A_547] {strides = array<i32>} : memref<40x128xf32, #tpu.memory_space<vmem>>, vector<16xf32>,
        %get3A_549 = arith.index_cast %add3A_495 : i32 to index
        %get3A_550 = arith.constant 96 : index
        %get3A_551 = tpu.vector_load %arg23[%get3A_549, %get3A_550] {strides = array<i32>} : memref<40x128xf32, #tpu.memory_space<vmem>>, vector<16xf32>,
        %mul3A_552 = arith.mulf %get3A_548, %get3A_551 : vector<16xf32>
        %add3A_553 = arith.addf %add3A_545, %mul3A_552 : vector<16xf32>
        %get3A_554 = arith.index_cast %add3A_495 : i32 to index
        %get3A_555 = arith.constant 112 : index
        %get3A_556 = tpu.vector_load %arg22[%get3A_554, %get3A_555] {strides = array<i32>} : memref<40x128xf32, #tpu.memory_space<vmem>>, vector<16xf32>,
        %get3A_557 = arith.index_cast %add3A_495 : i32 to index
        %get3A_558 = arith.constant 112 : index
        %get3A_559 = tpu.vector_load %arg23[%get3A_557, %get3A_558] {strides = array<i32>} : memref<40x128xf32, #tpu.memory_space<vmem>>, vector<16xf32>,
        %mul3A_560 = arith.mulf %get3A_556, %get3A_559 : vector<16xf32>
        %add3A_561 = arith.addf %add3A_553, %mul3A_560 : vector<16xf32>
        %reduce_sum3A_562 = arith.constant true
        %reduce_sum3A_563 = vector.broadcast %reduce_sum3A_562 : i1 to vector<16xi1>
        %reduce_sum3A_564 = tpu.scan <sum>, %add3A_561 masked %reduce_sum3A_563 : vector<16xf32>, vector<16xi1> -> vector<16xf32>
        %reduce_sum3A_565 = vector.extract %reduce_sum3A_564[15] : f32 from vector<16xf32>
        %broadcast_in_dim3A_566 = vector.broadcast %reduce_sum3A_530 : f32 to vector<16xf32>
        %exp3A_567 = math.exp %broadcast_in_dim3A_566 : vector<16xf32>
        %broadcast_in_dim3A_568 = vector.broadcast %reduce_sum3A_565 : f32 to vector<16xf32>
        %exp3A_569 = math.exp %broadcast_in_dim3A_568 : vector<16xf32>
        %get3A_570 = arith.index_cast %add3A_495 : i32 to index
        %get3A_571 = arith.constant 0 : index
        %get3A_572 = tpu.vector_load %arg24[%get3A_570, %get3A_571] {strides = array<i32>} : memref<40x128xf32, #tpu.memory_space<vmem>>, vector<16xf32>,
        %mul3A_573 = arith.mulf %get3A_572, %exp3A_567 : vector<16xf32>
        %swap3A_574 = arith.index_cast %add3A_495 : i32 to index
        %swap3A_575 = arith.constant 0 : index
        %swap3A_576 = tpu.vector_load %arg25[%swap3A_574, %swap3A_575] {strides = array<i32>} : memref<40x136xf32, #tpu.memory_space<vmem>>, vector<16xf32>,
        tpu.vector_store %arg25[%swap3A_574, %swap3A_575], %mul3A_573 {strides = array<i32>} : memref<40x136xf32, #tpu.memory_space<vmem>>, vector<16xf32>,
        %get3A_577 = arith.index_cast %add3A_495 : i32 to index
        %get3A_578 = arith.constant 16 : index
        %get3A_579 = tpu.vector_load %arg24[%get3A_577, %get3A_578] {strides = array<i32>} : memref<40x128xf32, #tpu.memory_space<vmem>>, vector<16xf32>,
        %mul3A_580 = arith.mulf %get3A_579, %exp3A_567 : vector<16xf32>
        %swap3A_581 = arith.index_cast %add3A_495 : i32 to index
        %swap3A_582 = arith.constant 16 : index
        %swap3A_583 = tpu.vector_load %arg25[%swap3A_581, %swap3A_582] {strides = array<i32>} : memref<40x136xf32, #tpu.memory_space<vmem>>, vector<16xf32>,
        tpu.vector_store %arg25[%swap3A_581, %swap3A_582], %mul3A_580 {strides = array<i32>} : memref<40x136xf32, #tpu.memory_space<vmem>>, vector<16xf32>,
        %get3A_584 = arith.index_cast %add3A_495 : i32 to index
        %get3A_585 = arith.constant 32 : index
        %get3A_586 = tpu.vector_load %arg24[%get3A_584, %get3A_585] {strides = array<i32>} : memref<40x128xf32, #tpu.memory_space<vmem>>, vector<16xf32>,
        %mul3A_587 = arith.mulf %get3A_586, %exp3A_567 : vector<16xf32>
        %swap3A_588 = arith.index_cast %add3A_495 : i32 to index
        %swap3A_589 = arith.constant 32 : index
        %swap3A_590 = tpu.vector_load %arg25[%swap3A_588, %swap3A_589] {strides = array<i32>} : memref<40x136xf32, #tpu.memory_space<vmem>>, vector<16xf32>,
        tpu.vector_store %arg25[%swap3A_588, %swap3A_589], %mul3A_587 {strides = array<i32>} : memref<40x136xf32, #tpu.memory_space<vmem>>, vector<16xf32>,
        %get3A_591 = arith.index_cast %add3A_495 : i32 to index
        %get3A_592 = arith.constant 48 : index
        %get3A_593 = tpu.vector_load %arg24[%get3A_591, %get3A_592] {strides = array<i32>} : memref<40x128xf32, #tpu.memory_space<vmem>>, vector<16xf32>,
        %mul3A_594 = arith.mulf %get3A_593, %exp3A_567 : vector<16xf32>
        %swap3A_595 = arith.index_cast %add3A_495 : i32 to index
        %swap3A_596 = arith.constant 48 : index
        %swap3A_597 = tpu.vector_load %arg25[%swap3A_595, %swap3A_596] {strides = array<i32>} : memref<40x136xf32, #tpu.memory_space<vmem>>, vector<16xf32>,
        tpu.vector_store %arg25[%swap3A_595, %swap3A_596], %mul3A_594 {strides = array<i32>} : memref<40x136xf32, #tpu.memory_space<vmem>>, vector<16xf32>,
        %get3A_598 = arith.index_cast %add3A_495 : i32 to index
        %get3A_599 = arith.constant 64 : index
        %get3A_600 = tpu.vector_load %arg24[%get3A_598, %get3A_599] {strides = array<i32>} : memref<40x128xf32, #tpu.memory_space<vmem>>, vector<16xf32>,
        %mul3A_601 = arith.mulf %get3A_600, %exp3A_569 : vector<16xf32>
        %swap3A_602 = arith.index_cast %add3A_495 : i32 to index
        %swap3A_603 = arith.constant 64 : index
        %swap3A_604 = tpu.vector_load %arg25[%swap3A_602, %swap3A_603] {strides = array<i32>} : memref<40x136xf32, #tpu.memory_space<vmem>>, vector<16xf32>,
        tpu.vector_store %arg25[%swap3A_602, %swap3A_603], %mul3A_601 {strides = array<i32>} : memref<40x136xf32, #tpu.memory_space<vmem>>, vector<16xf32>,
        %get3A_605 = arith.index_cast %add3A_495 : i32 to index
        %get3A_606 = arith.constant 80 : index
        %get3A_607 = tpu.vector_load %arg24[%get3A_605, %get3A_606] {strides = array<i32>} : memref<40x128xf32, #tpu.memory_space<vmem>>, vector<16xf32>,
        %mul3A_608 = arith.mulf %get3A_607, %exp3A_569 : vector<16xf32>
        %swap3A_609 = arith.index_cast %add3A_495 : i32 to index
        %swap3A_610 = arith.constant 80 : index
        %swap3A_611 = tpu.vector_load %arg25[%swap3A_609, %swap3A_610] {strides = array<i32>} : memref<40x136xf32, #tpu.memory_space<vmem>>, vector<16xf32>,
        tpu.vector_store %arg25[%swap3A_609, %swap3A_610], %mul3A_608 {strides = array<i32>} : memref<40x136xf32, #tpu.memory_space<vmem>>, vector<16xf32>,
        %get3A_612 = arith.index_cast %add3A_495 : i32 to index
        %get3A_613 = arith.constant 96 : index
        %get3A_614 = tpu.vector_load %arg24[%get3A_612, %get3A_613] {strides = array<i32>} : memref<40x128xf32, #tpu.memory_space<vmem>>, vector<16xf32>,
        %mul3A_615 = arith.mulf %get3A_614, %exp3A_569 : vector<16xf32>
        %swap3A_616 = arith.index_cast %add3A_495 : i32 to index
        %swap3A_617 = arith.constant 96 : index
        %swap3A_618 = tpu.vector_load %arg25[%swap3A_616, %swap3A_617] {strides = array<i32>} : memref<40x136xf32, #tpu.memory_space<vmem>>, vector<16xf32>,
        tpu.vector_store %arg25[%swap3A_616, %swap3A_617], %mul3A_615 {strides = array<i32>} : memref<40x136xf32, #tpu.memory_space<vmem>>, vector<16xf32>,
        %get3A_619 = arith.index_cast %add3A_495 : i32 to index
        %get3A_620 = arith.constant 112 : index
        %get3A_621 = tpu.vector_load %arg24[%get3A_619, %get3A_620] {strides = array<i32>} : memref<40x128xf32, #tpu.memory_space<vmem>>, vector<16xf32>,
        %mul3A_622 = arith.mulf %get3A_621, %exp3A_569 : vector<16xf32>
        %swap3A_623 = arith.index_cast %add3A_495 : i32 to index
        %swap3A_624 = arith.constant 112 : index
        %swap3A_625 = tpu.vector_load %arg25[%swap3A_623, %swap3A_624] {strides = array<i32>} : memref<40x136xf32, #tpu.memory_space<vmem>>, vector<16xf32>,
        tpu.vector_store %arg25[%swap3A_623, %swap3A_624], %mul3A_622 {strides = array<i32>} : memref<40x136xf32, #tpu.memory_space<vmem>>, vector<16xf32>,
        %broadcast_in_dim3A_626 = vector.shape_cast %min3A_24 : vector<16xi32> to vector<16x1xi32>
        %gather3A_627 = vector.shape_cast %broadcast_in_dim3A_626 : vector<16x1xi32> to vector<16xi32>
        %gather3A_628 = tpu.dynamic_gather %get3A_621[%gather3A_627] in [0] : vector<16xf32>, vector<16xi32> -> vector<16xf32>
        %mul3A_629 = arith.mulf %exp3A_569, %select_n3A_20 : vector<16xf32>
        %mul3A_630 = arith.mulf %gather3A_628, %mul3A_629 : vector<16xf32>
        %mul3A_631 = arith.mulf %exp3A_567, %select_n3A : vector<16xf32>
        %add3A_632 = arith.addf %mul3A_630, %mul3A_631 : vector<16xf32>
        %mul3A_633 = arith.mulf %exp3A_569, %select_n3A_13 : vector<16xf32>
        %add3A_634 = arith.addf %add3A_632, %mul3A_633 : vector<16xf32>
        %swap3A_635 = arith.index_cast %add3A_495 : i32 to index
        %swap3A_636 = arith.constant 120 : index
        %swap3A_637 = tpu.vector_load %arg25[%swap3A_635, %swap3A_636] {strides = array<i32>} : memref<40x136xf32, #tpu.memory_space<vmem>>, vector<16xf32>,
        tpu.vector_store %arg25[%swap3A_635, %swap3A_636], %add3A_634 {strides = array<i32>} : memref<40x136xf32, #tpu.memory_space<vmem>>, vector<16xf32>,
        %add3A_638 = arith.constant 3 : i32
        %add3A_639 = arith.addi %add3A_208, %add3A_638 : i32
        %get3A_640 = arith.index_cast %add3A_639 : i32 to index
        %get3A_641 = arith.constant 0 : index
        %get3A_642 = tpu.vector_load %arg22[%get3A_640, %get3A_641] {strides = array<i32>} : memref<40x128xf32, #tpu.memory_space<vmem>>, vector<16xf32>,
        %get3A_643 = arith.index_cast %add3A_639 : i32 to index
        %get3A_644 = arith.constant 0 : index
        %get3A_645 = tpu.vector_load %arg23[%get3A_643, %get3A_644] {strides = array<i32>} : memref<40x128xf32, #tpu.memory_space<vmem>>, vector<16xf32>,
        %mul3A_646 = arith.mulf %get3A_642, %get3A_645 : vector<16xf32>
        %get3A_647 = arith.index_cast %add3A_639 : i32 to index
        %get3A_648 = arith.constant 16 : index
        %get3A_649 = tpu.vector_load %arg22[%get3A_647, %get3A_648] {strides = array<i32>} : memref<40x128xf32, #tpu.memory_space<vmem>>, vector<16xf32>,
        %get3A_650 = arith.index_cast %add3A_639 : i32 to index
        %get3A_651 = arith.constant 16 : index
        %get3A_652 = tpu.vector_load %arg23[%get3A_650, %get3A_651] {strides = array<i32>} : memref<40x128xf32, #tpu.memory_space<vmem>>, vector<16xf32>,
        %mul3A_653 = arith.mulf %get3A_649, %get3A_652 : vector<16xf32>
        %add3A_654 = arith.addf %mul3A_646, %mul3A_653 : vector<16xf32>
        %get3A_655 = arith.index_cast %add3A_639 : i32 to index
        %get3A_656 = arith.constant 32 : index
        %get3A_657 = tpu.vector_load %arg22[%get3A_655, %get3A_656] {strides = array<i32>} : memref<40x128xf32, #tpu.memory_space<vmem>>, vector<16xf32>,
        %get3A_658 = arith.index_cast %add3A_639 : i32 to index
        %get3A_659 = arith.constant 32 : index
        %get3A_660 = tpu.vector_load %arg23[%get3A_658, %get3A_659] {strides = array<i32>} : memref<40x128xf32, #tpu.memory_space<vmem>>, vector<16xf32>,
        %mul3A_661 = arith.mulf %get3A_657, %get3A_660 : vector<16xf32>
        %add3A_662 = arith.addf %add3A_654, %mul3A_661 : vector<16xf32>
        %get3A_663 = arith.index_cast %add3A_639 : i32 to index
        %get3A_664 = arith.constant 48 : index
        %get3A_665 = tpu.vector_load %arg22[%get3A_663, %get3A_664] {strides = array<i32>} : memref<40x128xf32, #tpu.memory_space<vmem>>, vector<16xf32>,
        %get3A_666 = arith.index_cast %add3A_639 : i32 to index
        %get3A_667 = arith.constant 48 : index
        %get3A_668 = tpu.vector_load %arg23[%get3A_666, %get3A_667] {strides = array<i32>} : memref<40x128xf32, #tpu.memory_space<vmem>>, vector<16xf32>,
        %mul3A_669 = arith.mulf %get3A_665, %get3A_668 : vector<16xf32>
        %add3A_670 = arith.addf %add3A_662, %mul3A_669 : vector<16xf32>
        %reduce_sum3A_671 = arith.constant true
        %reduce_sum3A_672 = vector.broadcast %reduce_sum3A_671 : i1 to vector<16xi1>
        %reduce_sum3A_673 = tpu.scan <sum>, %add3A_670 masked %reduce_sum3A_672 : vector<16xf32>, vector<16xi1> -> vector<16xf32>
        %reduce_sum3A_674 = vector.extract %reduce_sum3A_673[15] : f32 from vector<16xf32>
        %get3A_675 = arith.index_cast %add3A_639 : i32 to index
        %get3A_676 = arith.constant 64 : index
        %get3A_677 = tpu.vector_load %arg22[%get3A_675, %get3A_676] {strides = array<i32>} : memref<40x128xf32, #tpu.memory_space<vmem>>, vector<16xf32>,
        %get3A_678 = arith.index_cast %add3A_639 : i32 to index
        %get3A_679 = arith.constant 64 : index
        %get3A_680 = tpu.vector_load %arg23[%get3A_678, %get3A_679] {strides = array<i32>} : memref<40x128xf32, #tpu.memory_space<vmem>>, vector<16xf32>,
        %mul3A_681 = arith.mulf %get3A_677, %get3A_680 : vector<16xf32>
        %get3A_682 = arith.index_cast %add3A_639 : i32 to index
        %get3A_683 = arith.constant 80 : index
        %get3A_684 = tpu.vector_load %arg22[%get3A_682, %get3A_683] {strides = array<i32>} : memref<40x128xf32, #tpu.memory_space<vmem>>, vector<16xf32>,
        %get3A_685 = arith.index_cast %add3A_639 : i32 to index
        %get3A_686 = arith.constant 80 : index
        %get3A_687 = tpu.vector_load %arg23[%get3A_685, %get3A_686] {strides = array<i32>} : memref<40x128xf32, #tpu.memory_space<vmem>>, vector<16xf32>,
        %mul3A_688 = arith.mulf %get3A_684, %get3A_687 : vector<16xf32>
        %add3A_689 = arith.addf %mul3A_681, %mul3A_688 : vector<16xf32>
        %get3A_690 = arith.index_cast %add3A_639 : i32 to index
        %get3A_691 = arith.constant 96 : index
        %get3A_692 = tpu.vector_load %arg22[%get3A_690, %get3A_691] {strides = array<i32>} : memref<40x128xf32, #tpu.memory_space<vmem>>, vector<16xf32>,
        %get3A_693 = arith.index_cast %add3A_639 : i32 to index
        %get3A_694 = arith.constant 96 : index
        %get3A_695 = tpu.vector_load %arg23[%get3A_693, %get3A_694] {strides = array<i32>} : memref<40x128xf32, #tpu.memory_space<vmem>>, vector<16xf32>,
        %mul3A_696 = arith.mulf %get3A_692, %get3A_695 : vector<16xf32>
        %add3A_697 = arith.addf %add3A_689, %mul3A_696 : vector<16xf32>
        %get3A_698 = arith.index_cast %add3A_639 : i32 to index
        %get3A_699 = arith.constant 112 : index
        %get3A_700 = tpu.vector_load %arg22[%get3A_698, %get3A_699] {strides = array<i32>} : memref<40x128xf32, #tpu.memory_space<vmem>>, vector<16xf32>,
        %get3A_701 = arith.index_cast %add3A_639 : i32 to index
        %get3A_702 = arith.constant 112 : index
        %get3A_703 = tpu.vector_load %arg23[%get3A_701, %get3A_702] {strides = array<i32>} : memref<40x128xf32, #tpu.memory_space<vmem>>, vector<16xf32>,
        %mul3A_704 = arith.mulf %get3A_700, %get3A_703 : vector<16xf32>
        %add3A_705 = arith.addf %add3A_697, %mul3A_704 : vector<16xf32>
        %reduce_sum3A_706 = arith.constant true
        %reduce_sum3A_707 = vector.broadcast %reduce_sum3A_706 : i1 to vector<16xi1>
        %reduce_sum3A_708 = tpu.scan <sum>, %add3A_705 masked %reduce_sum3A_707 : vector<16xf32>, vector<16xi1> -> vector<16xf32>
        %reduce_sum3A_709 = vector.extract %reduce_sum3A_708[15] : f32 from vector<16xf32>
        %broadcast_in_dim3A_710 = vector.broadcast %reduce_sum3A_674 : f32 to vector<16xf32>
        %exp3A_711 = math.exp %broadcast_in_dim3A_710 : vector<16xf32>
        %broadcast_in_dim3A_712 = vector.broadcast %reduce_sum3A_709 : f32 to vector<16xf32>
        %exp3A_713 = math.exp %broadcast_in_dim3A_712 : vector<16xf32>
        %get3A_714 = arith.index_cast %add3A_639 : i32 to index
        %get3A_715 = arith.constant 0 : index
        %get3A_716 = tpu.vector_load %arg24[%get3A_714, %get3A_715] {strides = array<i32>} : memref<40x128xf32, #tpu.memory_space<vmem>>, vector<16xf32>,
        %mul3A_717 = arith.mulf %get3A_716, %exp3A_711 : vector<16xf32>
        %swap3A_718 = arith.index_cast %add3A_639 : i32 to index
        %swap3A_719 = arith.constant 0 : index
        %swap3A_720 = tpu.vector_load %arg25[%swap3A_718, %swap3A_719] {strides = array<i32>} : memref<40x136xf32, #tpu.memory_space<vmem>>, vector<16xf32>,
        tpu.vector_store %arg25[%swap3A_718, %swap3A_719], %mul3A_717 {strides = array<i32>} : memref<40x136xf32, #tpu.memory_space<vmem>>, vector<16xf32>,
        %get3A_721 = arith.index_cast %add3A_639 : i32 to index
        %get3A_722 = arith.constant 16 : index
        %get3A_723 = tpu.vector_load %arg24[%get3A_721, %get3A_722] {strides = array<i32>} : memref<40x128xf32, #tpu.memory_space<vmem>>, vector<16xf32>,
        %mul3A_724 = arith.mulf %get3A_723, %exp3A_711 : vector<16xf32>
        %swap3A_725 = arith.index_cast %add3A_639 : i32 to index
        %swap3A_726 = arith.constant 16 : index
        %swap3A_727 = tpu.vector_load %arg25[%swap3A_725, %swap3A_726] {strides = array<i32>} : memref<40x136xf32, #tpu.memory_space<vmem>>, vector<16xf32>,
        tpu.vector_store %arg25[%swap3A_725, %swap3A_726], %mul3A_724 {strides = array<i32>} : memref<40x136xf32, #tpu.memory_space<vmem>>, vector<16xf32>,
        %get3A_728 = arith.index_cast %add3A_639 : i32 to index
        %get3A_729 = arith.constant 32 : index
        %get3A_730 = tpu.vector_load %arg24[%get3A_728, %get3A_729] {strides = array<i32>} : memref<40x128xf32, #tpu.memory_space<vmem>>, vector<16xf32>,
        %mul3A_731 = arith.mulf %get3A_730, %exp3A_711 : vector<16xf32>
        %swap3A_732 = arith.index_cast %add3A_639 : i32 to index
        %swap3A_733 = arith.constant 32 : index
        %swap3A_734 = tpu.vector_load %arg25[%swap3A_732, %swap3A_733] {strides = array<i32>} : memref<40x136xf32, #tpu.memory_space<vmem>>, vector<16xf32>,
        tpu.vector_store %arg25[%swap3A_732, %swap3A_733], %mul3A_731 {strides = array<i32>} : memref<40x136xf32, #tpu.memory_space<vmem>>, vector<16xf32>,
        %get3A_735 = arith.index_cast %add3A_639 : i32 to index
        %get3A_736 = arith.constant 48 : index
        %get3A_737 = tpu.vector_load %arg24[%get3A_735, %get3A_736] {strides = array<i32>} : memref<40x128xf32, #tpu.memory_space<vmem>>, vector<16xf32>,
        %mul3A_738 = arith.mulf %get3A_737, %exp3A_711 : vector<16xf32>
        %swap3A_739 = arith.index_cast %add3A_639 : i32 to index
        %swap3A_740 = arith.constant 48 : index
        %swap3A_741 = tpu.vector_load %arg25[%swap3A_739, %swap3A_740] {strides = array<i32>} : memref<40x136xf32, #tpu.memory_space<vmem>>, vector<16xf32>,
        tpu.vector_store %arg25[%swap3A_739, %swap3A_740], %mul3A_738 {strides = array<i32>} : memref<40x136xf32, #tpu.memory_space<vmem>>, vector<16xf32>,
        %get3A_742 = arith.index_cast %add3A_639 : i32 to index
        %get3A_743 = arith.constant 64 : index
        %get3A_744 = tpu.vector_load %arg24[%get3A_742, %get3A_743] {strides = array<i32>} : memref<40x128xf32, #tpu.memory_space<vmem>>, vector<16xf32>,
        %mul3A_745 = arith.mulf %get3A_744, %exp3A_713 : vector<16xf32>
        %swap3A_746 = arith.index_cast %add3A_639 : i32 to index
        %swap3A_747 = arith.constant 64 : index
        %swap3A_748 = tpu.vector_load %arg25[%swap3A_746, %swap3A_747] {strides = array<i32>} : memref<40x136xf32, #tpu.memory_space<vmem>>, vector<16xf32>,
        tpu.vector_store %arg25[%swap3A_746, %swap3A_747], %mul3A_745 {strides = array<i32>} : memref<40x136xf32, #tpu.memory_space<vmem>>, vector<16xf32>,
        %get3A_749 = arith.index_cast %add3A_639 : i32 to index
        %get3A_750 = arith.constant 80 : index
        %get3A_751 = tpu.vector_load %arg24[%get3A_749, %get3A_750] {strides = array<i32>} : memref<40x128xf32, #tpu.memory_space<vmem>>, vector<16xf32>,
        %mul3A_752 = arith.mulf %get3A_751, %exp3A_713 : vector<16xf32>
        %swap3A_753 = arith.index_cast %add3A_639 : i32 to index
        %swap3A_754 = arith.constant 80 : index
        %swap3A_755 = tpu.vector_load %arg25[%swap3A_753, %swap3A_754] {strides = array<i32>} : memref<40x136xf32, #tpu.memory_space<vmem>>, vector<16xf32>,
        tpu.vector_store %arg25[%swap3A_753, %swap3A_754], %mul3A_752 {strides = array<i32>} : memref<40x136xf32, #tpu.memory_space<vmem>>, vector<16xf32>,
        %get3A_756 = arith.index_cast %add3A_639 : i32 to index
        %get3A_757 = arith.constant 96 : index
        %get3A_758 = tpu.vector_load %arg24[%get3A_756, %get3A_757] {strides = array<i32>} : memref<40x128xf32, #tpu.memory_space<vmem>>, vector<16xf32>,
        %mul3A_759 = arith.mulf %get3A_758, %exp3A_713 : vector<16xf32>
        %swap3A_760 = arith.index_cast %add3A_639 : i32 to index
        %swap3A_761 = arith.constant 96 : index
        %swap3A_762 = tpu.vector_load %arg25[%swap3A_760, %swap3A_761] {strides = array<i32>} : memref<40x136xf32, #tpu.memory_space<vmem>>, vector<16xf32>,
        tpu.vector_store %arg25[%swap3A_760, %swap3A_761], %mul3A_759 {strides = array<i32>} : memref<40x136xf32, #tpu.memory_space<vmem>>, vector<16xf32>,
        %get3A_763 = arith.index_cast %add3A_639 : i32 to index
        %get3A_764 = arith.constant 112 : index
        %get3A_765 = tpu.vector_load %arg24[%get3A_763, %get3A_764] {strides = array<i32>} : memref<40x128xf32, #tpu.memory_space<vmem>>, vector<16xf32>,
        %mul3A_766 = arith.mulf %get3A_765, %exp3A_713 : vector<16xf32>
        %swap3A_767 = arith.index_cast %add3A_639 : i32 to index
        %swap3A_768 = arith.constant 112 : index
        %swap3A_769 = tpu.vector_load %arg25[%swap3A_767, %swap3A_768] {strides = array<i32>} : memref<40x136xf32, #tpu.memory_space<vmem>>, vector<16xf32>,
        tpu.vector_store %arg25[%swap3A_767, %swap3A_768], %mul3A_766 {strides = array<i32>} : memref<40x136xf32, #tpu.memory_space<vmem>>, vector<16xf32>,
        %broadcast_in_dim3A_770 = vector.shape_cast %min3A_24 : vector<16xi32> to vector<16x1xi32>
        %gather3A_771 = vector.shape_cast %broadcast_in_dim3A_770 : vector<16x1xi32> to vector<16xi32>
        %gather3A_772 = tpu.dynamic_gather %get3A_765[%gather3A_771] in [0] : vector<16xf32>, vector<16xi32> -> vector<16xf32>
        %mul3A_773 = arith.mulf %exp3A_713, %select_n3A_20 : vector<16xf32>
        %mul3A_774 = arith.mulf %gather3A_772, %mul3A_773 : vector<16xf32>
        %mul3A_775 = arith.mulf %exp3A_711, %select_n3A : vector<16xf32>
        %add3A_776 = arith.addf %mul3A_774, %mul3A_775 : vector<16xf32>
        %mul3A_777 = arith.mulf %exp3A_713, %select_n3A_13 : vector<16xf32>
        %add3A_778 = arith.addf %add3A_776, %mul3A_777 : vector<16xf32>
        %swap3A_779 = arith.index_cast %add3A_639 : i32 to index
        %swap3A_780 = arith.constant 120 : index
        %swap3A_781 = tpu.vector_load %arg25[%swap3A_779, %swap3A_780] {strides = array<i32>} : memref<40x136xf32, #tpu.memory_space<vmem>>, vector<16xf32>,
        tpu.vector_store %arg25[%swap3A_779, %swap3A_780], %add3A_778 {strides = array<i32>} : memref<40x136xf32, #tpu.memory_space<vmem>>, vector<16xf32>,
      }
      %scan3A_203 = arith.constant 10 : i32
      "tpu.region"() ({
        %run_scoped3A = tpu.sem_alloc : memref<!tpu.dma_semaphore, #tpu.memory_space<semaphore_mem>>
        %dma_start3A_204 = arith.constant 0 : i32
        %dma_start3A_205 = arith.constant 0 : i32
        %dma_start3A_206 = tpu.memref_slice %arg26[%dma_start3A_204, %dma_start3A_205] : memref<10000x136xf32, #tpu.memory_space<vmem_shared>> -> memref<10000x136xf32, #tpu.memory_space<vmem_shared>>
        tpu.enqueue_indirect_dma source(%arg25 : memref<40x136xf32, #tpu.memory_space<vmem>>) target(%dma_start3A_206 : memref<10000x136xf32, #tpu.memory_space<vmem_shared>>) offsets(%arg21 : memref<40xi32, #tpu.memory_space<vmem>>) semaphore(%run_scoped3A : memref<!tpu.dma_semaphore, #tpu.memory_space<semaphore_mem>>) {add = true}
        %dma_wait3A_207 = arith.constant 0 : i32
        %dma_wait3A_208 = arith.constant 0 : i32
        %dma_wait3A_209 = tpu.memref_slice %arg26[%dma_wait3A_207, %dma_wait3A_208] : memref<10000x136xf32, #tpu.memory_space<vmem_shared>> -> memref<10000x136xf32, #tpu.memory_space<vmem_shared>>
        tpu.wait_indirect_dma semaphore(%run_scoped3A : memref<!tpu.dma_semaphore, #tpu.memory_space<semaphore_mem>>) src(%arg25 : memref<40x136xf32, #tpu.memory_space<vmem>>) dst(%dma_wait3A_209 : memref<10000x136xf32, #tpu.memory_space<vmem_shared>>)
        tpu.yield
      }) : () -> ()
    }
    %scan3A_68 = arith.constant 125 : i32
    %dma_wait3A = arith.constant 0 : i32
    %dma_wait3A_69 = arith.constant 0 : i32
    %dma_wait3A_70 = tpu.memref_slice %arg2[%dma_wait3A, %dma_wait3A_69] : memref<20000x128xf32, #tpu.memory_space<hbm>> -> memref<20000x128xf32, #tpu.memory_space<hbm>>
    tpu.wait_indirect_dma semaphore(%arg29 : memref<!tpu.dma_semaphore, #tpu.memory_space<semaphore_mem>>) src(%dma_wait3A_70 : memref<20000x128xf32, #tpu.memory_space<hbm>>) dst(%arg13 : memref<40x128xf32, #tpu.memory_space<vmem>>)
    %dma_wait3A_71 = arith.constant 0 : i32
    %dma_wait3A_72 = arith.constant 0 : i32
    %dma_wait3A_73 = tpu.memref_slice %arg3[%dma_wait3A_71, %dma_wait3A_72] : memref<20000x128xf32, #tpu.memory_space<hbm>> -> memref<20000x128xf32, #tpu.memory_space<hbm>>
    tpu.wait_indirect_dma semaphore(%arg30 : memref<!tpu.dma_semaphore, #tpu.memory_space<semaphore_mem>>) src(%dma_wait3A_73 : memref<20000x128xf32, #tpu.memory_space<hbm>>) dst(%arg14 : memref<40x128xf32, #tpu.memory_space<vmem>>)
    %dma_wait3A_74 = arith.constant 0 : i32
    %dma_wait3A_75 = arith.constant 0 : i32
    %dma_wait3A_76 = tpu.memref_slice %arg4[%dma_wait3A_74, %dma_wait3A_75] : memref<20000x128xf32, #tpu.memory_space<hbm>> -> memref<20000x128xf32, #tpu.memory_space<hbm>>
    tpu.wait_indirect_dma semaphore(%arg31 : memref<!tpu.dma_semaphore, #tpu.memory_space<semaphore_mem>>) src(%dma_wait3A_76 : memref<20000x128xf32, #tpu.memory_space<hbm>>) dst(%arg15 : memref<40x128xf32, #tpu.memory_space<vmem>>)
    %barrier3A_77 = arith.constant 0 : index
    tpu.barrier barrier_id(%barrier3A_77)
    "tpu.region"() ({
      %run_scoped3A = tpu.sem_alloc : memref<!tpu.dma_semaphore, #tpu.memory_space<semaphore_mem>>
      %dma_start3A_78 = arith.constant 0 : i32
      %dma_start3A_79 = tpu.memref_slice %arg7[%arg0, %mul3A_29, %dma_start3A_78] : memref<2x10000x136xf32, #tpu.memory_space<hbm>> -> memref<1x640x136xf32, #tpu.memory_space<hbm>>
      %dma_start3A_80 = tpu.memref_squeeze %dma_start3A_79 : memref<1x640x136xf32, #tpu.memory_space<hbm>> -> memref<640x136xf32, #tpu.memory_space<hbm>>
      %dma_start3A_81 = arith.constant 0 : i32
      %dma_start3A_82 = tpu.memref_slice %arg26[%mul3A_29, %dma_start3A_81] : memref<10000x136xf32, #tpu.memory_space<vmem_shared>> -> memref<640x136xf32, #tpu.memory_space<vmem_shared>>
      tpu.enqueue_dma source(%dma_start3A_82 : memref<640x136xf32, #tpu.memory_space<vmem_shared>>) target(%dma_start3A_80 : memref<640x136xf32, #tpu.memory_space<hbm>>) target_semaphore(%run_scoped3A : memref<!tpu.dma_semaphore, #tpu.memory_space<semaphore_mem>>)
      %dma_wait3A_83 = arith.constant 0 : i32
      %dma_wait3A_84 = tpu.memref_slice %arg7[%arg0, %mul3A_29, %dma_wait3A_83] : memref<2x10000x136xf32, #tpu.memory_space<hbm>> -> memref<1x640x136xf32, #tpu.memory_space<hbm>>
      %dma_wait3A_85 = tpu.memref_squeeze %dma_wait3A_84 : memref<1x640x136xf32, #tpu.memory_space<hbm>> -> memref<640x136xf32, #tpu.memory_space<hbm>>
      %dma_wait3A_86 = arith.constant 0 : i32
      %dma_wait3A_87 = tpu.memref_slice %arg26[%mul3A_29, %dma_wait3A_86] : memref<10000x136xf32, #tpu.memory_space<vmem_shared>> -> memref<640x136xf32, #tpu.memory_space<vmem_shared>>
      tpu.wait_dma2 semaphore(%run_scoped3A : memref<!tpu.dma_semaphore, #tpu.memory_space<semaphore_mem>>) src(%dma_wait3A_87 : memref<640x136xf32, #tpu.memory_space<vmem_shared>>) dst(%dma_wait3A_85 : memref<640x136xf32, #tpu.memory_space<hbm>>)
      tpu.yield
    }) : () -> ()
    return
  }
}

module attributes {stable_mosaic.version = 14 : i64} {
  func.func @_proj_body(%arg0: i32, %arg1: memref<1000x256xf32, #tpu.memory_space<vmem>>, %arg2: memref<256x1024xf32, #tpu.memory_space<vmem>>, %arg3: memref<1x1024xf32, #tpu.memory_space<vmem>>, %arg4: memref<2x1000x128xf32, #tpu.memory_space<vmem>>, %arg5: memref<2x1000x128xf32, #tpu.memory_space<vmem>>, %arg6: memref<2x1000x128xf32, #tpu.memory_space<vmem>>, %arg7: memref<1000x256xf32, #tpu.memory_space<vmem>>) attributes {dimension_semantics = [#tpu.dimension_semantics<arbitrary>], iteration_bounds = array<i64: 10>, scalar_prefetch = 0 : i64, scratch_operands = 0 : i64, tpu.core_type = #tpu.core_type<tc>, window_params = [{transform_indices = @transform_0, window_bounds = array<i64: 1000, 256>}, {pipeline_mode = #tpu.pipeline_mode<synchronous>, transform_indices = @transform_1, window_bounds = array<i64: 256, 1024>}, {pipeline_mode = #tpu.pipeline_mode<synchronous>, transform_indices = @transform_2, window_bounds = array<i64: 1, 1024>}, {transform_indices = @transform_3, window_bounds = array<i64: 2, 1000, 128>}, {transform_indices = @transform_4, window_bounds = array<i64: 2, 1000, 128>}, {transform_indices = @transform_5, window_bounds = array<i64: 2, 1000, 128>}, {transform_indices = @transform_6, window_bounds = array<i64: 1000, 256>}]} {
    %get3A = arith.constant 0 : index
    %get3A_0 = arith.constant 0 : index
    %get3A_1 = vector.load %arg1[%get3A, %get3A_0] : memref<1000x256xf32, #tpu.memory_space<vmem>>, vector<1000x256xf32>
    %get3A_2 = arith.constant 0 : index
    %get3A_3 = arith.constant 0 : index
    %get3A_4 = vector.load %arg2[%get3A_2, %get3A_3] : memref<256x1024xf32, #tpu.memory_space<vmem>>, vector<256x1024xf32>
    %dot_general3A = arith.constant dense<0.000000e+00> : vector<1000x1024xf32>
    %dot_general3A_5 = tpu.matmul %get3A_1, %get3A_4, %dot_general3A {dimension_numbers = #tpu.dot_dimension_numbers<[1], [0], [0], [1], [0, 0, 1, 1], [], []>, transpose_lhs_hint = false} : vector<1000x256xf32>, vector<256x1024xf32>, vector<1000x1024xf32> -> vector<1000x1024xf32>
    %get3A_6 = arith.constant 0 : index
    %get3A_7 = arith.constant 0 : index
    %get3A_8 = vector.load %arg3[%get3A_6, %get3A_7] : memref<1x1024xf32, #tpu.memory_space<vmem>>, vector<1x1024xf32>
    %add3A = vector.broadcast %get3A_8 : vector<1x1024xf32> to vector<1000x1024xf32>
    %add3A_9 = arith.addf %dot_general3A_5, %add3A : vector<1000x1024xf32>
    %slice3A = vector.extract_strided_slice %add3A_9 {offsets = [0, 0], sizes = [1000, 128], strides = [1, 1]} : vector<1000x1024xf32> to vector<1000x128xf32>
    %swap3A = arith.constant 0 : index
    %swap3A_10 = arith.constant 0 : index
    %swap3A_11 = arith.constant 0 : index
    %swap3A_12 = vector.load %arg4[%swap3A, %swap3A_10, %swap3A_11] : memref<2x1000x128xf32, #tpu.memory_space<vmem>>, vector<1x1000x128xf32>
    %swap3A_13 = vector.shape_cast %swap3A_12 : vector<1x1000x128xf32> to vector<1000x128xf32>
    %swap3A_14 = vector.shape_cast %slice3A : vector<1000x128xf32> to vector<1x1000x128xf32>
    tpu.vector_store %arg4[%swap3A, %swap3A_10, %swap3A_11], %swap3A_14 {strides = array<i32>} : memref<2x1000x128xf32, #tpu.memory_space<vmem>>, vector<1x1000x128xf32>,
    %slice3A_15 = vector.extract_strided_slice %add3A_9 {offsets = [0, 128], sizes = [1000, 128], strides = [1, 1]} : vector<1000x1024xf32> to vector<1000x128xf32>
    %swap3A_16 = arith.constant 1 : index
    %swap3A_17 = arith.constant 0 : index
    %swap3A_18 = arith.constant 0 : index
    %swap3A_19 = vector.load %arg4[%swap3A_16, %swap3A_17, %swap3A_18] : memref<2x1000x128xf32, #tpu.memory_space<vmem>>, vector<1x1000x128xf32>
    %swap3A_20 = vector.shape_cast %swap3A_19 : vector<1x1000x128xf32> to vector<1000x128xf32>
    %swap3A_21 = vector.shape_cast %slice3A_15 : vector<1000x128xf32> to vector<1x1000x128xf32>
    tpu.vector_store %arg4[%swap3A_16, %swap3A_17, %swap3A_18], %swap3A_21 {strides = array<i32>} : memref<2x1000x128xf32, #tpu.memory_space<vmem>>, vector<1x1000x128xf32>,
    %slice3A_22 = vector.extract_strided_slice %add3A_9 {offsets = [0, 256], sizes = [1000, 128], strides = [1, 1]} : vector<1000x1024xf32> to vector<1000x128xf32>
    %swap3A_23 = arith.constant 0 : index
    %swap3A_24 = arith.constant 0 : index
    %swap3A_25 = arith.constant 0 : index
    %swap3A_26 = vector.load %arg5[%swap3A_23, %swap3A_24, %swap3A_25] : memref<2x1000x128xf32, #tpu.memory_space<vmem>>, vector<1x1000x128xf32>
    %swap3A_27 = vector.shape_cast %swap3A_26 : vector<1x1000x128xf32> to vector<1000x128xf32>
    %swap3A_28 = vector.shape_cast %slice3A_22 : vector<1000x128xf32> to vector<1x1000x128xf32>
    tpu.vector_store %arg5[%swap3A_23, %swap3A_24, %swap3A_25], %swap3A_28 {strides = array<i32>} : memref<2x1000x128xf32, #tpu.memory_space<vmem>>, vector<1x1000x128xf32>,
    %slice3A_29 = vector.extract_strided_slice %add3A_9 {offsets = [0, 384], sizes = [1000, 128], strides = [1, 1]} : vector<1000x1024xf32> to vector<1000x128xf32>
    %swap3A_30 = arith.constant 1 : index
    %swap3A_31 = arith.constant 0 : index
    %swap3A_32 = arith.constant 0 : index
    %swap3A_33 = vector.load %arg5[%swap3A_30, %swap3A_31, %swap3A_32] : memref<2x1000x128xf32, #tpu.memory_space<vmem>>, vector<1x1000x128xf32>
    %swap3A_34 = vector.shape_cast %swap3A_33 : vector<1x1000x128xf32> to vector<1000x128xf32>
    %swap3A_35 = vector.shape_cast %slice3A_29 : vector<1000x128xf32> to vector<1x1000x128xf32>
    tpu.vector_store %arg5[%swap3A_30, %swap3A_31, %swap3A_32], %swap3A_35 {strides = array<i32>} : memref<2x1000x128xf32, #tpu.memory_space<vmem>>, vector<1x1000x128xf32>,
    %slice3A_36 = vector.extract_strided_slice %add3A_9 {offsets = [0, 512], sizes = [1000, 128], strides = [1, 1]} : vector<1000x1024xf32> to vector<1000x128xf32>
    %swap3A_37 = arith.constant 0 : index
    %swap3A_38 = arith.constant 0 : index
    %swap3A_39 = arith.constant 0 : index
    %swap3A_40 = vector.load %arg6[%swap3A_37, %swap3A_38, %swap3A_39] : memref<2x1000x128xf32, #tpu.memory_space<vmem>>, vector<1x1000x128xf32>
    %swap3A_41 = vector.shape_cast %swap3A_40 : vector<1x1000x128xf32> to vector<1000x128xf32>
    %swap3A_42 = vector.shape_cast %slice3A_36 : vector<1000x128xf32> to vector<1x1000x128xf32>
    tpu.vector_store %arg6[%swap3A_37, %swap3A_38, %swap3A_39], %swap3A_42 {strides = array<i32>} : memref<2x1000x128xf32, #tpu.memory_space<vmem>>, vector<1x1000x128xf32>,
    %slice3A_43 = vector.extract_strided_slice %add3A_9 {offsets = [0, 640], sizes = [1000, 128], strides = [1, 1]} : vector<1000x1024xf32> to vector<1000x128xf32>
    %swap3A_44 = arith.constant 1 : index
    %swap3A_45 = arith.constant 0 : index
    %swap3A_46 = arith.constant 0 : index
    %swap3A_47 = vector.load %arg6[%swap3A_44, %swap3A_45, %swap3A_46] : memref<2x1000x128xf32, #tpu.memory_space<vmem>>, vector<1x1000x128xf32>
    %swap3A_48 = vector.shape_cast %swap3A_47 : vector<1x1000x128xf32> to vector<1000x128xf32>
    %swap3A_49 = vector.shape_cast %slice3A_43 : vector<1000x128xf32> to vector<1x1000x128xf32>
    tpu.vector_store %arg6[%swap3A_44, %swap3A_45, %swap3A_46], %swap3A_49 {strides = array<i32>} : memref<2x1000x128xf32, #tpu.memory_space<vmem>>, vector<1x1000x128xf32>,
    %slice3A_50 = vector.extract_strided_slice %add3A_9 {offsets = [0, 768], sizes = [1000, 256], strides = [1, 1]} : vector<1000x1024xf32> to vector<1000x256xf32>
    %swap3A_51 = arith.constant 0 : index
    %swap3A_52 = arith.constant 0 : index
    %swap3A_53 = vector.load %arg7[%swap3A_51, %swap3A_52] : memref<1000x256xf32, #tpu.memory_space<vmem>>, vector<1000x256xf32>
    tpu.vector_store %arg7[%swap3A_51, %swap3A_52], %slice3A_50 {strides = array<i32>} : memref<1000x256xf32, #tpu.memory_space<vmem>>, vector<1000x256xf32>,
    return
  }
  func.func @transform_0(%arg0: i32) -> (i32, i32) {
    %c0_i32 = arith.constant 0 : i32
    %c0_i32_0 = arith.constant 0 : i32
    return %arg0, %c0_i32 : i32, i32
  }
  func.func @transform_1(%arg0: i32) -> (i32, i32) {
    %c0_i32 = arith.constant 0 : i32
    %c0_i32_0 = arith.constant 0 : i32
    %c0_i32_1 = arith.constant 0 : i32
    return %c0_i32, %c0_i32_0 : i32, i32
  }
  func.func @transform_2(%arg0: i32) -> (i32, i32) {
    %c0_i32 = arith.constant 0 : i32
    %c0_i32_0 = arith.constant 0 : i32
    %c0_i32_1 = arith.constant 0 : i32
    return %c0_i32, %c0_i32_0 : i32, i32
  }
  func.func @transform_3(%arg0: i32) -> (i32, i32, i32) {
    %c0_i32 = arith.constant 0 : i32
    %c0_i32_0 = arith.constant 0 : i32
    %c0_i32_1 = arith.constant 0 : i32
    return %c0_i32, %arg0, %c0_i32_0 : i32, i32, i32
  }
  func.func @transform_4(%arg0: i32) -> (i32, i32, i32) {
    %c0_i32 = arith.constant 0 : i32
    %c0_i32_0 = arith.constant 0 : i32
    %c0_i32_1 = arith.constant 0 : i32
    return %c0_i32, %arg0, %c0_i32_0 : i32, i32, i32
  }
  func.func @transform_5(%arg0: i32) -> (i32, i32, i32) {
    %c0_i32 = arith.constant 0 : i32
    %c0_i32_0 = arith.constant 0 : i32
    %c0_i32_1 = arith.constant 0 : i32
    return %c0_i32, %arg0, %c0_i32_0 : i32, i32, i32
  }
  func.func @transform_6(%arg0: i32) -> (i32, i32) {
    %c0_i32 = arith.constant 0 : i32
    %c0_i32_0 = arith.constant 0 : i32
    return %arg0, %c0_i32 : i32, i32
  }
}

module attributes {stable_mosaic.version = 14 : i64} {
  func.func @_fin_body(%arg0: i32, %arg1: memref<2x1000x136xf32, #tpu.memory_space<vmem>>, %arg2: memref<1000x256xf32, #tpu.memory_space<vmem>>, %arg3: memref<256x1xf32, #tpu.memory_space<vmem>>, %arg4: memref<256x1xf32, #tpu.memory_space<vmem>>, %arg5: memref<1000x256xf32, #tpu.memory_space<vmem>>) attributes {dimension_semantics = [#tpu.dimension_semantics<arbitrary>], iteration_bounds = array<i64: 10>, scalar_prefetch = 0 : i64, scratch_operands = 0 : i64, tpu.core_type = #tpu.core_type<tc>, window_params = [{transform_indices = @transform_0, window_bounds = array<i64: 2, 1000, 136>}, {transform_indices = @transform_1, window_bounds = array<i64: 1000, 256>}, {pipeline_mode = #tpu.pipeline_mode<synchronous>, transform_indices = @transform_2, window_bounds = array<i64: 256, 1>}, {pipeline_mode = #tpu.pipeline_mode<synchronous>, transform_indices = @transform_3, window_bounds = array<i64: 256, 1>}, {transform_indices = @transform_4, window_bounds = array<i64: 1000, 256>}]} {
    %get3A = arith.constant 0 : index
    %get3A_0 = arith.constant 0 : index
    %get3A_1 = arith.constant 0 : index
    %get3A_2 = vector.load %arg1[%get3A, %get3A_0, %get3A_1] : memref<2x1000x136xf32, #tpu.memory_space<vmem>>, vector<1x1000x136xf32>
    %get3A_3 = vector.shape_cast %get3A_2 : vector<1x1000x136xf32> to vector<1000x136xf32>
    %get3A_4 = arith.constant 1 : index
    %get3A_5 = arith.constant 0 : index
    %get3A_6 = arith.constant 0 : index
    %get3A_7 = vector.load %arg1[%get3A_4, %get3A_5, %get3A_6] : memref<2x1000x136xf32, #tpu.memory_space<vmem>>, vector<1x1000x136xf32>
    %get3A_8 = vector.shape_cast %get3A_7 : vector<1x1000x136xf32> to vector<1000x136xf32>
    %slice3A = vector.extract_strided_slice %get3A_3 {offsets = [0, 0], sizes = [1000, 128], strides = [1, 1]} : vector<1000x136xf32> to vector<1000x128xf32>
    %slice3A_9 = vector.extract_strided_slice %get3A_8 {offsets = [0, 0], sizes = [1000, 128], strides = [1, 1]} : vector<1000x136xf32> to vector<1000x128xf32>
    %concatenate3A = tpu.concatenate %slice3A, %slice3A_9 in 1 : vector<1000x128xf32>, vector<1000x128xf32> -> vector<1000x256xf32>
    %slice3A_10 = vector.extract_strided_slice %get3A_3 {offsets = [0, 128], sizes = [1000, 1], strides = [1, 1]} : vector<1000x136xf32> to vector<1000x1xf32>
    %slice3A_11 = vector.extract_strided_slice %get3A_3 {offsets = [0, 129], sizes = [1000, 1], strides = [1, 1]} : vector<1000x136xf32> to vector<1000x1xf32>
    %slice3A_12 = vector.extract_strided_slice %get3A_8 {offsets = [0, 128], sizes = [1000, 1], strides = [1, 1]} : vector<1000x136xf32> to vector<1000x1xf32>
    %slice3A_13 = vector.extract_strided_slice %get3A_8 {offsets = [0, 129], sizes = [1000, 1], strides = [1, 1]} : vector<1000x136xf32> to vector<1000x1xf32>
    %concatenate3A_14 = tpu.concatenate %slice3A_10, %slice3A_11, %slice3A_12, %slice3A_13 in 1 : vector<1000x1xf32>, vector<1000x1xf32>, vector<1000x1xf32>, vector<1000x1xf32> -> vector<1000x4xf32>
    %iota3A = tpu.iota {dimensions = array<i32: 1>} : vector<4x256xi32>
    %jit3A = arith.constant 64 : i32
    %div3A = vector.broadcast %jit3A : i32 to vector<4x256xi32>
    %div3A_15 = arith.divsi %iota3A, %div3A : vector<4x256xi32>
    %sign3A = arith.constant 0 : i32
    %sign3A_16 = vector.broadcast %sign3A : i32 to vector<4x256xi32>
    %sign3A_17 = arith.cmpi sgt, %iota3A, %sign3A_16 : vector<4x256xi32>
    %sign3A_18 = arith.extui %sign3A_17 : vector<4x256xi1> to vector<4x256xi32>
    %sign3A_19 = arith.constant 0 : i32
    %sign3A_20 = vector.broadcast %sign3A_19 : i32 to vector<4x256xi32>
    %sign3A_21 = arith.cmpi slt, %iota3A, %sign3A_20 : vector<4x256xi32>
    %sign3A_22 = arith.extui %sign3A_21 : vector<4x256xi1> to vector<4x256xi32>
    %sign3A_23 = arith.subi %sign3A_18, %sign3A_22 : vector<4x256xi32>
    %sign3A_24 = arith.constant 0 : i32
    %sign3A_25 = arith.cmpi sgt, %jit3A, %sign3A_24 : i32
    %sign3A_26 = arith.extui %sign3A_25 : i1 to i32
    %sign3A_27 = arith.constant 0 : i32
    %sign3A_28 = arith.cmpi slt, %jit3A, %sign3A_27 : i32
    %sign3A_29 = arith.extui %sign3A_28 : i1 to i32
    %sign3A_30 = arith.subi %sign3A_26, %sign3A_29 : i32
    %ne3A = vector.broadcast %sign3A_30 : i32 to vector<4x256xi32>
    %ne3A_31 = arith.cmpi ne, %sign3A_23, %ne3A : vector<4x256xi32>
    %rem3A = vector.broadcast %jit3A : i32 to vector<4x256xi32>
    %rem3A_32 = arith.remsi %iota3A, %rem3A : vector<4x256xi32>
    %ne3A_33 = arith.constant 0 : i32
    %ne3A_34 = vector.broadcast %ne3A_33 : i32 to vector<4x256xi32>
    %ne3A_35 = arith.cmpi ne, %rem3A_32, %ne3A_34 : vector<4x256xi32>
    %and3A = arith.andi %ne3A_31, %ne3A_35 : vector<4x256xi1>
    %sub3A = arith.constant 1 : i32
    %sub3A_36 = vector.broadcast %sub3A : i32 to vector<4x256xi32>
    %sub3A_37 = arith.subi %div3A_15, %sub3A_36 : vector<4x256xi32>
    %select_n3A = arith.select %and3A, %sub3A_37, %div3A_15 : vector<4x256xi1>, vector<4x256xi32>
    %iota3A_38 = tpu.iota {dimensions = array<i32: 0>} : vector<4x256xi32>
    %eq3A = arith.cmpi eq, %select_n3A, %iota3A_38 : vector<4x256xi32>
    %convert_element_type3A = arith.extui %eq3A : vector<4x256xi1> to vector<4x256xi32>
    %convert_element_type3A_39 = arith.sitofp %convert_element_type3A : vector<4x256xi32> to vector<4x256xf32>
    %dot_general3A = arith.constant dense<0.000000e+00> : vector<1000x256xf32>
    %dot_general3A_40 = tpu.matmul %concatenate3A_14, %convert_element_type3A_39, %dot_general3A {dimension_numbers = #tpu.dot_dimension_numbers<[1], [0], [0], [1], [0, 0, 1, 1], [], []>, transpose_lhs_hint = false} : vector<1000x4xf32>, vector<4x256xf32>, vector<1000x256xf32> -> vector<1000x256xf32>
    %add3A = arith.constant 1.000000e-16 : f32
    %add3A_41 = vector.broadcast %add3A : f32 to vector<1000x256xf32>
    %add3A_42 = arith.addf %dot_general3A_40, %add3A_41 : vector<1000x256xf32>
    %div3A_43 = arith.divf %concatenate3A, %add3A_42 : vector<1000x256xf32>
    %get3A_44 = arith.constant 0 : index
    %get3A_45 = arith.constant 0 : index
    %get3A_46 = vector.load %arg2[%get3A_44, %get3A_45] : memref<1000x256xf32, #tpu.memory_space<vmem>>, vector<1000x256xf32>
    %get3A_47 = arith.constant 0 : index
    %get3A_48 = arith.constant 0 : index
    %get3A_49 = vector.load %arg3[%get3A_47, %get3A_48] : memref<256x1xf32, #tpu.memory_space<vmem>>, vector<256x1xf32>
    %dot_general3A_50 = arith.constant dense<0.000000e+00> : vector<1000x1xf32>
    %dot_general3A_51 = tpu.matmul %div3A_43, %get3A_49, %dot_general3A_50 {dimension_numbers = #tpu.dot_dimension_numbers<[1], [0], [0], [1], [0, 0, 1, 1], [], []>, transpose_lhs_hint = false} : vector<1000x256xf32>, vector<256x1xf32>, vector<1000x1xf32> -> vector<1000x1xf32>
    %get3A_52 = arith.constant 0 : index
    %get3A_53 = arith.constant 0 : index
    %get3A_54 = vector.load %arg4[%get3A_52, %get3A_53] : memref<256x1xf32, #tpu.memory_space<vmem>>, vector<256x1xf32>
    %dot_general3A_55 = arith.constant dense<0.000000e+00> : vector<1000x1xf32>
    %dot_general3A_56 = tpu.matmul %get3A_46, %get3A_54, %dot_general3A_55 {dimension_numbers = #tpu.dot_dimension_numbers<[1], [0], [0], [1], [0, 0, 1, 1], [], []>, transpose_lhs_hint = false} : vector<1000x256xf32>, vector<256x1xf32>, vector<1000x1xf32> -> vector<1000x1xf32>
    %add3A_57 = arith.addf %dot_general3A_51, %dot_general3A_56 : vector<1000x1xf32>
    %logistic3A = arith.negf %add3A_57 : vector<1000x1xf32>
    %logistic3A_58 = math.exp %logistic3A : vector<1000x1xf32>
    %logistic3A_59 = arith.constant 1.000000e+00 : f32
    %logistic3A_60 = vector.broadcast %logistic3A_59 : f32 to vector<1000x1xf32>
    %logistic3A_61 = arith.addf %logistic3A_60, %logistic3A_58 : vector<1000x1xf32>
    %logistic3A_62 = arith.divf %logistic3A_60, %logistic3A_61 : vector<1000x1xf32>
    %mul3A = vector.broadcast %logistic3A_62 : vector<1000x1xf32> to vector<1000x256xf32>
    %mul3A_63 = arith.mulf %mul3A, %get3A_46 : vector<1000x256xf32>
    %sub3A_64 = arith.constant 1.000000e+00 : f32
    %sub3A_65 = vector.broadcast %sub3A_64 : f32 to vector<1000x1xf32>
    %sub3A_66 = arith.subf %sub3A_65, %logistic3A_62 : vector<1000x1xf32>
    %mul3A_67 = vector.broadcast %sub3A_66 : vector<1000x1xf32> to vector<1000x256xf32>
    %mul3A_68 = arith.mulf %mul3A_67, %div3A_43 : vector<1000x256xf32>
    %add3A_69 = arith.addf %mul3A_63, %mul3A_68 : vector<1000x256xf32>
    %swap3A = arith.constant 0 : index
    %swap3A_70 = arith.constant 0 : index
    %swap3A_71 = vector.load %arg5[%swap3A, %swap3A_70] : memref<1000x256xf32, #tpu.memory_space<vmem>>, vector<1000x256xf32>
    tpu.vector_store %arg5[%swap3A, %swap3A_70], %add3A_69 {strides = array<i32>} : memref<1000x256xf32, #tpu.memory_space<vmem>>, vector<1000x256xf32>,
    return
  }
  func.func @transform_0(%arg0: i32) -> (i32, i32, i32) {
    %c0_i32 = arith.constant 0 : i32
    %c0_i32_0 = arith.constant 0 : i32
    %c0_i32_1 = arith.constant 0 : i32
    return %c0_i32, %arg0, %c0_i32_0 : i32, i32, i32
  }
  func.func @transform_1(%arg0: i32) -> (i32, i32) {
    %c0_i32 = arith.constant 0 : i32
    %c0_i32_0 = arith.constant 0 : i32
    return %arg0, %c0_i32 : i32, i32
  }
  func.func @transform_2(%arg0: i32) -> (i32, i32) {
    %c0_i32 = arith.constant 0 : i32
    %c0_i32_0 = arith.constant 0 : i32
    %c0_i32_1 = arith.constant 0 : i32
    return %c0_i32, %c0_i32_0 : i32, i32
  }
  func.func @transform_3(%arg0: i32) -> (i32, i32) {
    %c0_i32 = arith.constant 0 : i32
    %c0_i32_0 = arith.constant 0 : i32
    %c0_i32_1 = arith.constant 0 : i32
    return %c0_i32, %c0_i32_0 : i32, i32
  }
  func.func @transform_4(%arg0: i32) -> (i32, i32) {
    %c0_i32 = arith.constant 0 : i32
    %c0_i32_0 = arith.constant 0 : i32
    return %arg0, %c0_i32 : i32, i32
  }
}

</mosaic_0001>

<sc_bundles>
// kernel: kernel.5.cloned.1.call-start
scs
__scs_entry_jumppad:
0x0: {  	(pc) =	sbr.rel $0x88, $3  }
0x1: {  	(tag) =	ssettag $0x0;
	lr =	simm.s32 $0x1  }
0x2: {  	[smem:$0x3F96] =	sst lr;
	_ =	strace $0xD0000000  }
0x3: {  	_ = 	snop  }
0x4: {  	_ = 	snop  }
0x5: {  	_ = 	snop  }
0x6: {  	_ = 	snop  }
0x7: {  	_ = 	snop  }
__scs_overlays_trampoline_lowered:
0x8: {  	[smem:$0x3FA5] =	sst s0  }
0x9: {  	[smem:$0x3FA6] =	sst s1  }
0xa: {  	[smem:$0x3FA7] =	sst s2  }
0xb: {  	[smem:$0x3FA8] =	sst s3  }
0xc: {  	[smem:$0x3FA9] =	sst s4  }
0xd: {  	[smem:$0x3FAA] =	sst s5  }
0xe: {  	[smem:$0x3FAB] =	sst s6  }
0xf: {  	[smem:$0x3FAC] =	sst s7  }
0x10: {  	[smem:$0x3FAD] =	sst s8  }
0x11: {  	[smem:$0x3FAE] =	sst s9;
	s0 =	simm.s32 @!p0 $0x0  }
0x12: {  	s1 =	sld [smem:$0x3F94];
	s0 =	simm.s32 @p0 $0x1  }
0x13: {  	[smem:$0x3FAF] =	sst s0;
	s0 =	simm.s32 @!p1 $0x0  }
0x14: {  	s2 =	sld [smem:$0x3F93];
	s0 =	simm.s32 @p1 $0x1  }
0x15: {  	[smem:$0x3FB0] =	sst s0;
	s0 =	simm.s32 @!p2 $0x0  }
0x16: {  	s3 =	sld [smem:$0x3FDB];
	s0 =	simm.s32 @p2 $0x1  }
0x17: {  	s4 =	simm.s32 $0x1BF5;
	[smem:$0x3FB2] =	sst s0  }
0x18: {  	s0 =	sld [smem:$0x3F95];
	_ =	swait.ge [sflag:s4], $0x0  }
0x19: {  	s7 =	sld [smem:$0x3F96]  }
0x1a: {  	s8 =	sadd.s32 $0xFFFFE003, lr  }
0x1b: {  	s9 =	sadd.s32 $0xFFFFFEF7, lr;
	s5 =	simm.s32 $0xFFFFFFFF;
	p2 =	slt.u32 s8, $0xFFFFF086  }
0x1c: {  	p1 =	slt.u32 s9, $0xF7A;
	s5 =	simm.s32 @!p2 $0x0  }
0x1d: {  	s5 =	simm.s32 @p1 $0x1;
	p0 =	seq.s32 s7, s2  }
0x1e: {  	s7 =	smul.u32 @!p0 $0xF7A, s2;
	p2 =	seq.s32 @!p0 s5, $0x0  }
0x1f: {  	s9 =	smul.u32 $0xF7A, s1;
	s8 =	simm.s32 @!p0 $0x1BF5;
	p2 =	por !p2, p0  }
0x20: {  	[sflag:s8] =	ssyncset.s32 @!p0 $0xFFFFF086;
	s6 =	sadd.s32 @!p0 s3, s7;
	s7 =	simm.s32 @!p0 $0x108  }
0x21: {  	s3 =	sadd.s32 s3, s9;
	s6 =	sadd.s32 @!p0 $0x88, s6;
	s7 =	simm.s32 @p2 $0x1082  }
0x22: {  	[simem:s7], [sflag:s8] =	dma.local @!p0 [hbm:s6], $0xF7A  }
0x23: {  	s9 =	sor.u32 $0xD0000000, s2;
	s6 =	simm.s32 $0x108;
	_ =	swait.ge @!p0 [sflag:s8], $0x0  }
0x24: {  	s3 =	sadd.s32 $0x88, s3;
	s6 =	simm.s32 @!p1 $0x1082;
	[sflag:s4] =	ssyncset.s32 $0xFFFFF086  }
0x25: {  	[simem:s6], [sflag:s4] =	dma.local [hbm:s3], $0xF7A  }
0x26: {  	[smem:$0x3F96] =	sst s1;
	(tag) =	ssettag s2;
	_ =	strace s9  }
0x27: {  	s1 =	sld [smem:$0x3FA6]  }
0x28: {  	s2 =	sld [smem:$0x3FA7]  }
0x29: {  	s4 =	sld [smem:$0x3FA9]  }
0x2a: {  	p0 =	seq.s32 s5, $0x0;
	s5 =	sld [smem:$0x3FAA]  }
0x2b: {  	s6 =	sld [smem:$0x3FAB]  }
0x2c: {  	s7 =	sld [smem:$0x3FAC]  }
0x2d: {  	s3 =	simm.s32 $0x108;
	s8 =	sld [smem:$0x3FAD]  }
0x2e: {  	s3 =	simm.s32 @!p0 $0x1082;
	s9 =	sld [smem:$0x3FAE]  }
0x2f: {  	lr =	sadd.s32 s0, s3;
	s0 =	sld [smem:$0x3FA5]  }
0x30: {  	s3 =	sld [smem:$0x3FA8]  }
0x31: {  	[smem:$0x3FB1] =	sst s10  }
0x32: {  	s10 =	sld [smem:$0x3FAF];
	_ =	sdelay $0x3  }
0x33: {  	p0 =	seq.s32 s10, $0x1;
	s10 =	sld [smem:$0x3FB1];
	_ =	sdelay $0x3  }
0x34: {  	[smem:$0x3FB1] =	sst s10  }
0x35: {  	s10 =	sld [smem:$0x3FB0];
	_ =	sdelay $0x3  }
0x36: {  	p1 =	seq.s32 s10, $0x1;
	s10 =	sld [smem:$0x3FB1];
	_ =	sdelay $0x3  }
0x37: {  	[smem:$0x3FB1] =	sst s10  }
0x38: {  	s10 =	sld [smem:$0x3FB2]  }
0x39: {  	_ = 	snop;
	(pc) =	sbr.ind lr, $3  }
0x3a: {  	_ = 	snop  }
0x3b: {  	_ = 	snop  }
0x3c: {  	p2 =	seq.s32 s10, $0x1;
	s10 =	sld [smem:$0x3FB1]  }
0x3d: {  	_ =	shalt  }
0x3e: {  	_ =	shalt  }
0x3f: {  	_ =	shalt  }
0x40: {  	_ =	shalt  }
0x41: {  	_ =	shalt  }
0x42: {  	_ =	shalt  }
0x43: {  	_ =	shalt  }
0x44: {  	_ =	shalt  }
0x45: {  	_ =	shalt  }
0x46: {  	_ =	shalt  }
0x47: {  	_ =	shalt  }
0x48: {  	_ =	shalt  }
0x49: {  	_ =	shalt  }
0x4a: {  	_ =	shalt  }
0x4b: {  	_ =	shalt  }
0x4c: {  	_ =	shalt  }
0x4d: {  	_ =	shalt  }
0x4e: {  	_ =	shalt  }
0x4f: {  	_ =	shalt  }
0x50: {  	_ =	shalt  }
0x51: {  	_ =	shalt  }
0x52: {  	_ =	shalt  }
0x53: {  	_ =	shalt  }
0x54: {  	_ =	shalt  }
0x55: {  	_ =	shalt  }
0x56: {  	_ =	shalt  }
0x57: {  	_ =	shalt  }
0x58: {  	_ =	shalt  }
0x59: {  	_ =	shalt  }
0x5a: {  	_ =	shalt  }
0x5b: {  	_ =	shalt  }
0x5c: {  	_ =	shalt  }
0x5d: {  	_ =	shalt  }
0x5e: {  	_ =	shalt  }
0x5f: {  	_ =	shalt  }
0x60: {  	_ =	shalt  }
0x61: {  	_ =	shalt  }
0x62: {  	_ =	shalt  }
0x63: {  	_ =	shalt  }
0x64: {  	_ =	shalt  }
0x65: {  	_ =	shalt  }
0x66: {  	_ =	shalt  }
0x67: {  	_ =	shalt  }
0x68: {  	_ =	shalt  }
0x69: {  	_ =	shalt  }
0x6a: {  	_ =	shalt  }
0x6b: {  	_ =	shalt  }
0x6c: {  	_ =	shalt  }
0x6d: {  	_ =	shalt  }
0x6e: {  	_ =	shalt  }
0x6f: {  	_ =	shalt  }
0x70: {  	_ =	shalt  }
0x71: {  	_ =	shalt  }
0x72: {  	_ =	shalt  }
0x73: {  	_ =	shalt  }
0x74: {  	_ =	shalt  }
0x75: {  	_ =	shalt  }
0x76: {  	_ =	shalt  }
0x77: {  	_ =	shalt  }
0x78: {  	_ =	shalt  }
0x79: {  	_ =	shalt  }
0x7a: {  	_ =	shalt  }
0x7b: {  	_ =	shalt  }
0x7c: {  	_ =	shalt  }
0x7d: {  	_ =	shalt  }
0x7e: {  	_ =	shalt  }
0x7f: {  	_ =	shalt  }
0x80: {  	_ =	shalt  }
0x81: {  	_ =	shalt  }
0x82: {  	_ =	shalt  }
0x83: {  	_ =	shalt  }
0x84: {  	_ =	shalt  }
0x85: {  	_ =	shalt  }
0x86: {  	_ =	shalt  }
0x87: {  	_ =	shalt  }
.Lfunc_end0:
.L_simem_size_0:
called_computation_lowered:
.L_overlay_start_0:
0x88: {  	s2 =	sld [smem:$0x3FD9]  }
0x89: {  	s3 =	sld [smem:$0x3FFE];
	_ =	sdelay $0x1  }
0x8a: {  	s1 =	srdreg.scid  }
0x8b: {  	s0 =	sand.u32 $0x1, s1  }
0x8c: {  	s17 =	sshll.u32 s0, $0xA;
	s2 =	sadd.s32 s3, s2  }
0x8d: {  	s2 =	sadd.s32 s2, s17  }
0x8e: {  	[smem:$0x3FBD] =	sst s2  }
0x8f: {  	_ = 	snop  }
0x90: {  	s2 =	sld [smem:$0x3FD0];
	(tm) =	ssettm $0x1  }
0x91: {  	s18 =	sld [smem:$0x3FFB];
	_ =	sdelay $0x3  }
0x92: {  	_ =	strace s18  }
0x93: {  	s3 =	sld [smem:$0x3FFC];
	_ =	sdelay $0x3  }
0x94: {  	_ =	strace s3  }
0x95: {  	s3 =	sld [smem:$0x3FFD];
	_ =	sdelay $0x3  }
0x96: {  	_ =	strace s3  }
0x97: {  	_ =	strace $0x8FFFFFFF  }
0x98: {  	s19 =	sld [smem:$0x3FDB];
	_ =	sdelay $0x1  }
0x99: {  	s4 =	simm.s32 $_scs_section_size  }
0x9a: {  	s5 =	simm.s32 $_size__tile_overlayer_lowered;
	s6 =	simm.s32 $_tile_overlayer_lowered  }
0x9b: {  	s22 =	simm.s32 $0x1BFF;
	s21 =	sshll.u32 s6, $0x1;
	s3 =	sadd.s32 s4, s19  }
0x9c: {  	s7 =	simm.s32 $0x0;
	s20 =	sshll.u32 s5, $0x1;
	s5 =	sadd.s32 s21, s3  }
0x9d: {  	[timem:s7], [sflag:s22] =	dma.local [hbm:s5], s20  }
0x9e: {  	_ =	swait.ge [sflag:s22], s20  }
0x9f: {  	s4 =	ssub.s32 $0x0, s20;
	[sflag:s22] =	ssyncset.done $0x0  }
0xa0: {  	[sflag:s22] =	ssyncadd.s32 s4;
	_ =	sdelay $0x1  }
0xa1: {  	s23 =	simm.s32 $0x1B8B  }
0xa2: {  	_ =	swait.ge [sflag:s23], $0x1  }
0xa3: {  	[sflag:s23] =	ssyncset.done $0x0  }
0xa4: {  	s25 =	simm.s32 $0x1B8E;
	s24 =	sld [smem:$0x3FFE];
	[sflag:s23] =	ssyncadd.s32 $0xFFFFFFFF  }
0xa5: {  	s26 =	simm.s32 $execute0_lowered;
	[smem:$0x3FD2] =	sst s25  }
0xa6: {  	s5 =	sshll.u32 s26, $0x1;
	_ =	strace $0x80000046;
	[dreg:$0x1] =	wrdreg $0xFFFFFFFF  }
0xa7: {  	s28 =	simm.s32 $_size_execute0_lowered;
	s3 =	sadd.s32 s3, s5;
	[dreg:$0x0] =	wrdreg $0x0  }
0xa8: {  	s5 =	sshll.u32 s28, $0x1;
	[dreg:$0x2] =	wrdreg s3  }
0xa9: {  	[dreg:$0x3] =	wrdreg s5  }
0xaa: {  	[dreg:$0x4] =	wrdreg $0xC0  }
0xab: {  	_ =	task [dreg:s7], $0x5FFFF  }
0xac: {  	[dreg:$0x1] =	wrdreg $0xFFFFFFFF  }
0xad: {  	[dreg:$0x0] =	wrdreg $0x60  }
0xae: {  	[dreg:$0x2] =	wrdreg s24  }
0xaf: {  	[dreg:$0x3] =	wrdreg s2  }
0xb0: {  	[dreg:$0x4] =	wrdreg $0xA4100  }
0xb1: {  	[dreg:$0x5] =	wrdreg $0x9  }
0xb2: {  	_ =	task.clear_ibuf [dreg:s7], $0x6FFFF;
	_ =	strace $0x90000046  }
0xb3: {  	s29 =	simm.s32 $0x9;
	_ =	strace $0x80000048  }
0xb4: {  	_ =	swait.ge [sflag:s29], $0x1  }
0xb5: {  	[sflag:s29] =	ssyncadd.s32 $0xFFFFFFFF  }
0xb6: {  	_ =	strace $0x90000048  }
0xb7: {  	_ =	sfence  }
0xb8: {  	s30 =	sld [smem:$0x0];
	_ =	sdelay $0x2  }
0xb9: {  	s31 =	sshll.u32 s1, $0xD;
	s1 =	sshrl.u32 s1, $0x2  }
0xba: {  	s3 =	sand.u32 $0x4000, s31;
	s1 =	sadd.s32 s1, s30  }
0xbb: {  	s0 =	sor.u32 s3, s0;
	s1 =	sshll.u32 s1, $0x11  }
0xbc: {  	s0 =	sor.u32 s1, s0  }
0xbd: {  	s0 =	sadd.s32 $0x8F2B, s0  }
0xbe: {  	[sflag:s0] =	ssyncadd.remote.s32 $0x1  }
0xbf: {  	_ =	sfence.sel $0xFFFF  }
0xc0: {  	[dreg:$0x0] =	wrdreg $0xFFFFFFFF;
	(pc) =	sbr.abs _section_cstart, $3  }
0xc1: {  	[dreg:$0x1] =	wrdreg $0xFFFFFFFF  }
0xc2: {  	_ =	task.clear_ibuf [dreg:s7], $0x2FFFF;
	_ =	strace $0x9FFFFFFF  }
0xc3: {  	(tm) =	ssettm $0x7FFFFFFF  }
tec
execute0_lowered:
.L_overlay_start_1:
0x0: {  	(tag) =	ssettag $0x1  }
0x1: {  	s0 =	rddreg [dreg:$0x0]  }
0x2: {  	s1 =	rddreg [dreg:$0x1]  }
0x3: {  	s2 =	rddreg [dreg:$0x2];
	s3 =	srdreg.scid  }
0x4: {  	s15 =	simm.s32 $0x0;
	s13 =	stileid.u32;
	s3 =	sand.u32 $0x1, s3  }
0x5: {  	[smem:$0x7FF] =	sst s15;
	s9 =	smul.u32 $0x14B80, s13;
	s5 =	sadd.s32 $0x58C00, s0  }
0x6: {  	s6 =	sadd.s32 $0xA6E00, s0;
	s7 =	sadd.s32 $0x5A00, s0;
	s11 =	smul.u32 $0x2710, s13  }
0x7: {  	s8 =	sadd.s32 $0xA00, s0;
	s4 =	smul.u32 $0x14C080, s3;
	s10 =	ssub.s32 $0x2, s3  }
0x8: {  	_ =	strace $0x80000047;
	s22 =	sshrl.u32 s10, $0x1;
	s12 =	sshrl.u32 s11, $0x3  }
0x9: {  	s23 =	sadd.s32 $0x28, s11;
	s4 =	sadd.s32 s9, s4;
	s24 =	sadd.s32 s7, s12  }
0xa: {  	s12 =	sadd.s32 s8, s12;
	s4 =	sshrl.u32 s4, $0x3;
	[dreg:$0x5] =	wrdreg s24  }
0xb: {  	s0 =	sadd.s32 s4, s0;
	s4 =	ssub.s32 s10, s22;
	s10 =	sshrl.u32 s23, $0x3  }
0xc: {  	[dreg:$0x6] =	wrdreg s12;
	s25 =	sadd.s32 s7, s10  }
0xd: {  	s10 =	sadd.s32 s8, s10;
	[dreg:$0x7] =	wrdreg s25  }
0xe: {  	s14 =	smul.u32 $0x52E00, s13;
	s0 =	sadd.s32 $0xF5000, s0;
	[dreg:$0x8] =	wrdreg s10  }
0xf: {  	s28 =	sadd.s32 s9, s2;
	s4 =	smax.u32 s4, $0x1;
	[dreg:$0x9] =	wrdreg s0  }
0x10: {  	s26 =	sshrl.u32 s14, $0x2;
	[dreg:$0xb] =	wrdreg s4;
	s0 =	sshrl.u32 s28, $0x3  }
0x11: {  	s10 =	sadd.s32 s26, s2;
	[dreg:$0x12] =	wrdreg s0  }
0x12: {  	s13 =	sadd.s32 $0x50, s11;
	s9 =	sadd.s32 $0x1540, s10;
	[dreg:$0xa] =	wrdreg s10  }
0x13: {  	s14 =	sadd.s32 $0x78, s11;
	s11 =	sadd.s32 $0x2A80, s10;
	[dreg:$0xc] =	wrdreg s9  }
0x14: {  	s12 =	sadd.s32 $0x3FC0, s10;
	[dreg:$0xd] =	wrdreg s11  }
0x15: {  	s16 =	sadd.s32 $0x5500, s10;
	[dreg:$0xe] =	wrdreg s12  }
0x16: {  	s17 =	sadd.s32 $0x6A40, s10;
	[dreg:$0xf] =	wrdreg s16  }
0x17: {  	s18 =	sadd.s32 $0x7F80, s10;
	[dreg:$0x10] =	wrdreg s17  }
0x18: {  	s19 =	sadd.s32 $0x94C0, s10;
	[dreg:$0x11] =	wrdreg s18  }
0x19: {  	s20 =	sadd.s32 $0xAA00, s10;
	[dreg:$0x13] =	wrdreg s19  }
0x1a: {  	s21 =	sadd.s32 $0xBF40, s10;
	[dreg:$0x14] =	wrdreg s20  }
0x1b: {  	s22 =	sadd.s32 $0xD480, s10;
	[dreg:$0x15] =	wrdreg s21  }
0x1c: {  	s29 =	simm.s32 $0x1;
	s23 =	sadd.s32 $0xE9C0, s10;
	[dreg:$0x16] =	wrdreg s22  }
0x1d: {  	v0 =	vimm.s32 $0xFEDCBA98;
	s30 =	simm.s32 $0x2;
	s24 =	sadd.s32 $0xFF00, s10;
	[dreg:$0x17] =	wrdreg s23  }
0x1e: {  	v0 =	vunpack.c.l.s4.s8 v0;
	s3 =	smul.u32 $0x2710, s3;
	s25 =	sadd.s32 $0x11440, s10;
	[dreg:$0x18] =	wrdreg s24  }
0x1f: {  	s31 =	simm.s32 $0x3;
	s26 =	sadd.s32 $0x12980, s10;
	[dreg:$0x19] =	wrdreg s25  }
0x20: {  	v2 =	vunpack.c.0.s8.s32 v0;
	v0 =	vmov s3;
	s3 =	simm.s32 $0x4;
	s28 =	sadd.s32 $0x13EC0, s10;
	[dreg:$0x1a] =	wrdreg s26  }
0x21: {  	s4 =	simm.s32 $0x52A8;
	s10 =	simm.s32 $0x3CC8;
	[dreg:$0x1b] =	wrdreg s28  }
0x22: {  	s11 =	simm.s32 $0x7;
	s12 =	simm.s32 $0x28;
	s18 =	simm.s32 $0x50  }
0x23: {  	v1 =	vimm.f32 $0.0e+00;
	vm0 =	vcmask $0x1F00;
	vm1 =	vcmask $0x2320;
	s19 =	simm.s32 $0x14C8;
	s20 =	simm.s32 $0x28C8;
	s21 =	simm.s32 $0x5208  }
0x24: {  	vm2 =	vcmask $0x2724;
	v3 =	vsel vm0, $0x3F800000, v1;
	v2 =	vand.u32 $0xF, v2;
	s22 =	simm.s32 $0x5230;
	s25 =	simm.s32 $0x5258;
	s9 =	simm.s32 $0x5  }
0x25: {  	v4 =	vsel vm1, $0x3F800000, v1;
	v5 =	vsel vm2, $0x3F800000, v1;
	v2 =	vnsel vm0, $0xF, v2;
	s16 =	simm.s32 $0x6;
	s23 =	simm.s32 $0x8ED0;
	s24 =	simm.s32 $0x0  }
.LBB2_1:
0x26: {  	s0 =	simm.s32 $0x0  }
0x27: {  	[dreg:$0x4] =	wrdreg s15;
	s15 =	simm.s32 $0x220;
	[tilespmem:s0+$0x3D38] =	vst v1  }
.LBB2_2:
0x28: {  	p0 =	sne.s32 s15, $0x52E0;
	[tilespmem:s0+$0x3D40] =	vst v1  }
0x29: {  	[tilespmem:s0+$0x3CC8] =	vst v1  }
0x2a: {  	[tilespmem:s0+$0x3CD8] =	vst v1  }
0x2b: {  	[tilespmem:s0+$0x3CE8] =	vst v1  }
.Ltmp0:
0x2c: {  	[tilespmem:s0+$0x3CF8] =	vst v1;
	(pc) =	sbr.rel @p0 .LBB2_2-.Ltmp0, $4  }
0x2d: {  	[tilespmem:s0+$0x3D08] =	vst v1  }
0x2e: {  	[tilespmem:s0+$0x3D18] =	vst v1  }
0x2f: {  	[tilespmem:s0+$0x3D28] =	vst v1;
	s0 =	sshra.s32 s15, $0x2  }
0x30: {  	s15 =	sadd.s32 $0x220, s15;
	[tilespmem:s0+$0x3D38] =	vst v1  }
0x31: {  	[tilespmem:s0+$0x3D40] =	vst v1  }
0x32: {  	[tilespmem:s0+$0x3CC8] =	vst v1  }
0x33: {  	[tilespmem:s0+$0x3CD8] =	vst v1  }
0x34: {  	[tilespmem:s0+$0x3CE8] =	vst v1  }
0x35: {  	[tilespmem:s0+$0x3CF8] =	vst v1  }
0x36: {  	[tilespmem:s0+$0x3D08] =	vst v1  }
0x37: {  	[tilespmem:s0+$0x3D18] =	vst v1  }
0x38: {  	[tilespmem:s0+$0x3D28] =	vst v1;
	s28 =	rddreg [dreg:$0xa]  }
0x39: {  	[spmem:s28] =	stream.linear.scatter [tilespmem:s10], [sflag:$0x7], $0x1540, $0x38;
	[tilespmem:$0x1F018] =	vst v63  }
0x3a: {  	_ =	swait.ge [sflag:s11], $0x1540  }
0x3b: {  	[sflag:s11] =	ssyncset.done $0x0  }
0x3c: {  	s15 =	rddreg [dreg:$0xc];
	[sflag:s11] =	ssyncadd.s32 $0xFFFFEAC0  }
0x3d: {  	[spmem:s15] =	stream.linear.scatter [tilespmem:s10], [sflag:$0x7], $0x1540, $0x38;
	[tilespmem:$0x1F018] =	vst v63  }
0x3e: {  	_ =	swait.ge [sflag:s11], $0x1540  }
0x3f: {  	[sflag:s11] =	ssyncset.done $0x0  }
0x40: {  	s17 =	rddreg [dreg:$0xd];
	[sflag:s11] =	ssyncadd.s32 $0xFFFFEAC0  }
0x41: {  	[spmem:s17] =	stream.linear.scatter [tilespmem:s10], [sflag:$0x7], $0x1540, $0x38;
	[tilespmem:$0x1F018] =	vst v63  }
0x42: {  	_ =	swait.ge [sflag:s11], $0x1540  }
0x43: {  	[sflag:s11] =	ssyncset.done $0x0  }
0x44: {  	s26 =	rddreg [dreg:$0xe];
	[sflag:s11] =	ssyncadd.s32 $0xFFFFEAC0  }
0x45: {  	[spmem:s26] =	stream.linear.scatter [tilespmem:s10], [sflag:$0x7], $0x1540, $0x38;
	[tilespmem:$0x1F018] =	vst v63  }
0x46: {  	_ =	swait.ge [sflag:s11], $0x1540  }
0x47: {  	[sflag:s11] =	ssyncset.done $0x0  }
0x48: {  	s28 =	rddreg [dreg:$0xf];
	[sflag:s11] =	ssyncadd.s32 $0xFFFFEAC0  }
0x49: {  	[spmem:s28] =	stream.linear.scatter [tilespmem:s10], [sflag:$0x7], $0x1540, $0x38;
	[tilespmem:$0x1F018] =	vst v63  }
0x4a: {  	_ =	swait.ge [sflag:s11], $0x1540  }
0x4b: {  	[sflag:s11] =	ssyncset.done $0x0  }
0x4c: {  	s15 =	rddreg [dreg:$0x10];
	[sflag:s11] =	ssyncadd.s32 $0xFFFFEAC0  }
0x4d: {  	[spmem:s15] =	stream.linear.scatter [tilespmem:s10], [sflag:$0x7], $0x1540, $0x38;
	[tilespmem:$0x1F018] =	vst v63  }
0x4e: {  	_ =	swait.ge [sflag:s11], $0x1540  }
0x4f: {  	[sflag:s11] =	ssyncset.done $0x0  }
0x50: {  	s17 =	rddreg [dreg:$0x11];
	[sflag:s11] =	ssyncadd.s32 $0xFFFFEAC0  }
0x51: {  	[spmem:s17] =	stream.linear.scatter [tilespmem:s10], [sflag:$0x7], $0x1540, $0x38;
	[tilespmem:$0x1F018] =	vst v63  }
0x52: {  	_ =	swait.ge [sflag:s11], $0x1540  }
0x53: {  	[sflag:s11] =	ssyncset.done $0x0  }
0x54: {  	s26 =	rddreg [dreg:$0x13];
	[sflag:s11] =	ssyncadd.s32 $0xFFFFEAC0  }
0x55: {  	[spmem:s26] =	stream.linear.scatter [tilespmem:s10], [sflag:$0x7], $0x1540, $0x38;
	[tilespmem:$0x1F018] =	vst v63  }
0x56: {  	_ =	swait.ge [sflag:s11], $0x1540  }
0x57: {  	[sflag:s11] =	ssyncset.done $0x0  }
0x58: {  	s28 =	rddreg [dreg:$0x14];
	[sflag:s11] =	ssyncadd.s32 $0xFFFFEAC0  }
0x59: {  	[spmem:s28] =	stream.linear.scatter [tilespmem:s10], [sflag:$0x7], $0x1540, $0x38;
	[tilespmem:$0x1F018] =	vst v63  }
0x5a: {  	_ =	swait.ge [sflag:s11], $0x1540  }
0x5b: {  	[sflag:s11] =	ssyncset.done $0x0  }
0x5c: {  	s15 =	rddreg [dreg:$0x15];
	[sflag:s11] =	ssyncadd.s32 $0xFFFFEAC0  }
0x5d: {  	[spmem:s15] =	stream.linear.scatter [tilespmem:s10], [sflag:$0x7], $0x1540, $0x38;
	[tilespmem:$0x1F018] =	vst v63  }
0x5e: {  	_ =	swait.ge [sflag:s11], $0x1540  }
0x5f: {  	[sflag:s11] =	ssyncset.done $0x0  }
0x60: {  	s17 =	rddreg [dreg:$0x16];
	[sflag:s11] =	ssyncadd.s32 $0xFFFFEAC0  }
0x61: {  	[spmem:s17] =	stream.linear.scatter [tilespmem:s10], [sflag:$0x7], $0x1540, $0x38;
	[tilespmem:$0x1F018] =	vst v63  }
0x62: {  	_ =	swait.ge [sflag:s11], $0x1540  }
0x63: {  	[sflag:s11] =	ssyncset.done $0x0  }
0x64: {  	s26 =	rddreg [dreg:$0x17];
	[sflag:s11] =	ssyncadd.s32 $0xFFFFEAC0  }
0x65: {  	[spmem:s26] =	stream.linear.scatter [tilespmem:s10], [sflag:$0x7], $0x1540, $0x38;
	[tilespmem:$0x1F018] =	vst v63  }
0x66: {  	_ =	swait.ge [sflag:s11], $0x1540  }
0x67: {  	[sflag:s11] =	ssyncset.done $0x0  }
0x68: {  	s28 =	rddreg [dreg:$0x18];
	[sflag:s11] =	ssyncadd.s32 $0xFFFFEAC0  }
0x69: {  	[spmem:s28] =	stream.linear.scatter [tilespmem:s10], [sflag:$0x7], $0x1540, $0x38;
	[tilespmem:$0x1F018] =	vst v63  }
0x6a: {  	_ =	swait.ge [sflag:s11], $0x1540  }
0x6b: {  	[sflag:s11] =	ssyncset.done $0x0  }
0x6c: {  	s15 =	rddreg [dreg:$0x19];
	[sflag:s11] =	ssyncadd.s32 $0xFFFFEAC0  }
0x6d: {  	[spmem:s15] =	stream.linear.scatter [tilespmem:s10], [sflag:$0x7], $0x1540, $0x38;
	[tilespmem:$0x1F018] =	vst v63  }
0x6e: {  	_ =	swait.ge [sflag:s11], $0x1540  }
0x6f: {  	[sflag:s11] =	ssyncset.done $0x0  }
0x70: {  	s17 =	rddreg [dreg:$0x1a];
	[sflag:s11] =	ssyncadd.s32 $0xFFFFEAC0  }
0x71: {  	[spmem:s17] =	stream.linear.scatter [tilespmem:s10], [sflag:$0x7], $0x1540, $0x38;
	[tilespmem:$0x1F018] =	vst v63  }
0x72: {  	_ =	swait.ge [sflag:s11], $0x1540  }
0x73: {  	[sflag:s11] =	ssyncset.done $0x0  }
0x74: {  	s26 =	rddreg [dreg:$0x1b];
	[sflag:s11] =	ssyncadd.s32 $0xFFFFEAC0  }
0x75: {  	[spmem:s26] =	stream.linear.scatter [tilespmem:s10], [sflag:$0x7], $0x1540, $0x38;
	[tilespmem:$0x1F018] =	vst v63  }
0x76: {  	_ =	swait.ge [sflag:s11], $0x1540  }
0x77: {  	[sflag:s11] =	ssyncset.done $0x0  }
0x78: {  	[sflag:s11] =	ssyncadd.s32 $0xFFFFEAC0  }
0x79: {  	[bflag:$0x0] =	sbarrier.arrive $0xFFFF  }
0x7a: {  	s28 =	rddreg [dreg:$0x5]  }
0x7b: {  	[tilespmem:s24], [sflag:$0x7] =	stream.linear.gather [hbm4b:s28+s24], $0x28, $0x38;
	[tilespmem:$0x1F018] =	vst v63  }
0x7c: {  	_ =	swait.ge [sflag:s11], $0x28  }
0x7d: {  	[sflag:s11] =	ssyncset.done $0x0  }
0x7e: {  	s15 =	rddreg [dreg:$0x6];
	[sflag:s11] =	ssyncadd.s32 $0xFFFFFFD8  }
0x7f: {  	[tilespmem:s12], [sflag:$0x7] =	stream.linear.gather [hbm4b:s15+s24], $0x28, $0x38;
	[tilespmem:$0x1F018] =	vst v63  }
0x80: {  	_ =	swait.ge [sflag:s11], $0x28  }
0x81: {  	[sflag:s11] =	ssyncset.done $0x0  }
0x82: {  	[sflag:s11] =	ssyncadd.s32 $0xFFFFFFD8  }
0x83: {  	v6 =	vld [tilespmem:$0x0]  }
0x84: {  	v7 =	vld [tilespmem:$0x28]  }
0x85: {  	v8 =	vld [tilespmem:$0x10]  }
0x86: {  	v9 =	vld [tilespmem:$0x38]  }
0x87: {  	v10 =	vld [tilespmem:$0x18]  }
0x88: {  	v11 =	vld [tilespmem:$0x40];
	v6 =	vadd.s32 v0, v6  }
0x89: {  	[tilespmem:$0x50] =	vst v6;
	v6 =	vadd.s32 v0, v7  }
0x8a: {  	[tilespmem:$0x78] =	vst v6;
	v6 =	vadd.s32 v0, v8  }
0x8b: {  	[tilespmem:$0x60] =	vst v6;
	v6 =	vadd.s32 v0, v9  }
0x8c: {  	[tilespmem:$0x88] =	vst v6;
	v6 =	vadd.s32 v0, v10  }
0x8d: {  	[tilespmem:$0x68] =	vst v6;
	v6 =	vadd.s32 v0, v11  }
0x8e: {  	s17 =	simm.s32 $0x78;
	s15 =	simm.s32 $0xC8;
	[tilespmem:$0x90] =	vst v6  }
0x8f: {  	[tilespmem:s15], [sflag:$0x1] =	stream.indirect.gather [hbm4b:s5+s12], $0x80, s17, s12, $0xb8;
	[tilespmem:$0x1F018] =	vst v63  }
0x90: {  	_ = 	snop  }
0x91: {  	[tilespmem:s19], [sflag:$0x2] =	stream.indirect.gather [hbm4b:s6+s12], $0x80, s18, s12, $0xb8;
	[tilespmem:$0x1F018] =	vst v63  }
0x92: {  	_ = 	snop  }
0x93: {  	[tilespmem:s20], [sflag:$0x3] =	stream.indirect.gather [hbm4b:s1+s12], $0x80, s18, s12, $0xb8;
	[tilespmem:$0x1F018] =	vst v63  }
0x94: {  	s26 =	rddreg [dreg:$0x7]  }
0x95: {  	[tilespmem:s21], [sflag:$0x7] =	stream.linear.gather [hbm4b:s26+s24], $0x28, $0x38;
	[tilespmem:$0x1F018] =	vst v63  }
0x96: {  	_ =	swait.ge [sflag:s11], $0x28  }
0x97: {  	[sflag:s11] =	ssyncset.done $0x0  }
0x98: {  	s28 =	rddreg [dreg:$0x8];
	[sflag:s11] =	ssyncadd.s32 $0xFFFFFFD8  }
0x99: {  	[tilespmem:s22], [sflag:$0x7] =	stream.linear.gather [hbm4b:s28+s24], $0x28, $0x38;
	[tilespmem:$0x1F018] =	vst v63  }
0x9a: {  	_ =	swait.ge [sflag:s11], $0x28  }
0x9b: {  	[sflag:s11] =	ssyncset.done $0x0  }
0x9c: {  	s26 =	simm.s32 $0x0;
	[sflag:s11] =	ssyncadd.s32 $0xFFFFFFD8  }
.LBB2_4:
0x9d: {  	v6 =	vld [tilespmem:$0x5208]  }
0x9e: {  	v7 =	vld [tilespmem:$0x5230]  }
0x9f: {  	v8 =	vld [tilespmem:$0x5218]  }
0xa0: {  	v9 =	vld [tilespmem:$0x5240]  }
0xa1: {  	v10 =	vld [tilespmem:$0x5220]  }
0xa2: {  	v11 =	vld [tilespmem:$0x5248];
	v6 =	vadd.s32 v0, v6  }
0xa3: {  	[tilespmem:$0x5258] =	vst v6;
	v6 =	vadd.s32 v0, v7  }
0xa4: {  	[tilespmem:$0x5280] =	vst v6;
	v6 =	vadd.s32 v0, v8  }
0xa5: {  	[tilespmem:$0x5268] =	vst v6;
	v6 =	vadd.s32 v0, v9  }
0xa6: {  	[tilespmem:$0x5290] =	vst v6;
	v6 =	vadd.s32 v0, v10  }
0xa7: {  	[tilespmem:$0x5270] =	vst v6;
	v6 =	vadd.s32 v0, v11  }
0xa8: {  	s0 =	simm.s32 $0x5280;
	s15 =	simm.s32 $0x52D0;
	[tilespmem:$0x5298] =	vst v6  }
0xa9: {  	[tilespmem:s15], [sflag:$0x4] =	stream.indirect.gather [hbm4b:s5+s12], $0x80, s0, s12, $0xb8;
	[tilespmem:$0x1F018] =	vst v63  }
0xaa: {  	s15 =	simm.s32 $0x66D0  }
0xab: {  	[tilespmem:s15], [sflag:$0x5] =	stream.indirect.gather [hbm4b:s6+s12], $0x80, s25, s12, $0xb8;
	[tilespmem:$0x1F018] =	vst v63  }
0xac: {  	s17 =	simm.s32 $0x7AD0  }
0xad: {  	[tilespmem:s17], [sflag:$0x6] =	stream.indirect.gather [hbm4b:s1+s12], $0x80, s25, s12, $0xb8;
	[tilespmem:$0x1F018] =	vst v63  }
0xae: {  	_ =	swait.ge [sflag:s29], $0x1400  }
0xaf: {  	[sflag:s29] =	ssyncset.done $0x0  }
0xb0: {  	[sflag:s29] =	ssyncadd.s32 $0xFFFFEC00  }
0xb1: {  	_ =	swait.ge [sflag:s30], $0x1400  }
0xb2: {  	[sflag:s30] =	ssyncset.done $0x0  }
0xb3: {  	[sflag:s30] =	ssyncadd.s32 $0xFFFFEC00  }
0xb4: {  	_ =	swait.ge [sflag:s31], $0x1400  }
0xb5: {  	[sflag:s31] =	ssyncset.done $0x0  }
0xb6: {  	[sflag:s31] =	ssyncadd.s32 $0xFFFFEC00  }
0xb7: {  	v6 =	vld [tilespmem:$0x28]  }
0xb8: {  	s15 =	sshll.u32 s26, $0x1;
	v7 =	vld [tilespmem:$0x38]  }
0xb9: {  	s0 =	smin.u32 s15, $0xF6;
	v63 =	vld [tilespmem:$0x40]  }
0xba: {  	s28 =	smul.u32 $0x28, s0;
	_ =	sdelay $0x1  }
0xbb: {  	s0 =	sadd.s32 s28, s13;
	[tilespmem:$0xA0] =	vst v6  }
0xbc: {  	s0 =	sshrl.u32 s0, $0x3;
	[tilespmem:$0xB0] =	vst v7  }
0xbd: {  	s17 =	sadd.s32 s7, s0;
	[tilespmem:$0xB8] =	vst v63  }
0xbe: {  	[tilespmem:s24], [sflag:$0x7] =	stream.linear.gather [hbm4b:s17+s24], $0x28, $0x38;
	[tilespmem:$0x1F018] =	vst v63  }
0xbf: {  	_ =	swait.ge [sflag:s11], $0x28  }
0xc0: {  	[sflag:s11] =	ssyncset.done $0x0  }
0xc1: {  	s0 =	sadd.s32 s8, s0;
	[sflag:s11] =	ssyncadd.s32 $0xFFFFFFD8  }
0xc2: {  	[tilespmem:s12], [sflag:$0x7] =	stream.linear.gather [hbm4b:s0+s24], $0x28, $0x38;
	[tilespmem:$0x1F018] =	vst v63  }
0xc3: {  	_ =	swait.ge [sflag:s11], $0x28  }
0xc4: {  	[sflag:s11] =	ssyncset.done $0x0  }
0xc5: {  	s15 =	simm.s32 $0x0;
	s0 =	simm.s32 $0x3DD8;
	[sflag:s11] =	ssyncadd.s32 $0xFFFFFFD8  }
.LBB2_5:
0xc6: {  	s17 =	sshra.s32 s15, $0x2  }
0xc7: {  	v6 =	vld [tilespmem:s17+$0xC8]  }
0xc8: {  	v7 =	vld [tilespmem:s17+$0x14C8]  }
0xc9: {  	v8 =	vld [tilespmem:s17+$0xD8]  }
0xca: {  	v9 =	vld [tilespmem:s17+$0x14D8]  }
0xcb: {  	v10 =	vld [tilespmem:s17+$0xE8]  }
0xcc: {  	v11 =	vld [tilespmem:s17+$0x14E8]  }
0xcd: {  	v12 =	vld [tilespmem:s17+$0xF8]  }
0xce: {  	v13 =	vld [tilespmem:s17+$0x14F8]  }
0xcf: {  	v6 =	vmul.f32 v7, v6;
	v7 =	vmul.f32 v9, v8;
	_ =	sdelay $0x1  }
0xd0: {  	v6 =	vadd.f32 v7, v6;
	v7 =	vmul.f32 v11, v10;
	_ =	sdelay $0x1  }
0xd1: {  	v6 =	vadd.f32 v7, v6;
	v7 =	vmul.f32 v13, v12;
	_ =	sdelay $0x1  }
0xd2: {  	v6 =	vadd.f32 v7, v6;
	_ =	sdelay $0x1  }
0xd3: {  	(xrf2) =	vadd.scan.msk.f32 $0xffff, v6;
	_ =	sdelay $0x9  }
0xd4: {  	v6, _, _ =	vpop (xrf2)  }
0xd5: {  	v6 =	vmul.f32 $1.442695020e+00, v6;
	_ =	sdelay $0x1  }
0xd6: {  	v6 =	vbroadcast v6, $0xF;
	_ =	sdelay $0x1  }
0xd7: {  	v47 =	vld [tilespmem:s17+$0x118];
	(erf) = vpow2.f32 v6  }
0xd8: {  	v48 =	vld [tilespmem:s17+$0x1518]  }
0xd9: {  	v49 =	vld [tilespmem:s17+$0x128]  }
0xda: {  	v7 =	vld [tilespmem:s17+$0x108]  }
0xdb: {  	v6 =	vld [tilespmem:s17+$0x1508]  }
0xdc: {  	v50 =	vld [tilespmem:s17+$0x28C8]  }
0xdd: {  	v51 =	vld [tilespmem:s17+$0x1528]  }
0xde: {  	v52 =	vld [tilespmem:s17+$0x138]  }
0xdf: {  	v14 =	vld [tilespmem:s17+$0x1538]  }
0xe0: {  	v6 =	vmul.f32 v6, v7;
	v7 =	vmul.f32 v48, v47;
	v53 =	vpop (erf)  }
0xe1: {  	v54 =	vmul.f32 v50, v53  }
0xe2: {  	v6 =	vadd.f32 v7, v6;
	v7 =	vmul.f32 v51, v49  }
0xe3: {  	[tilespmem:s0+$0xFFFFFEF0] =	vst v54  }
0xe4: {  	v6 =	vadd.f32 v7, v6;
	v7 =	vmul.f32 v14, v52;
	v9 =	vld [tilespmem:s17+$0x28D8];
	_ =	sdelay $0x1  }
0xe5: {  	v6 =	vadd.f32 v7, v6;
	_ =	sdelay $0x1  }
0xe6: {  	(xrf2) =	vadd.scan.msk.f32 $0xffff, v6  }
0xe7: {  	v6 =	vmul.f32 v9, v53;
	_ =	sdelay $0x1  }
0xe8: {  	[tilespmem:s0+$0xFFFFFF00] =	vst v6  }
0xe9: {  	v6 =	vld [tilespmem:s17+$0x28E8];
	_ =	sdelay $0x4  }
0xea: {  	v6 =	vmul.f32 v6, v53  }
0xeb: {  	v7, _, _ =	vpop (xrf2)  }
0xec: {  	v7 =	vmul.f32 $1.442695020e+00, v7;
	[tilespmem:s0+$0xFFFFFF10] =	vst v6  }
0xed: {  	v6 =	vld [tilespmem:s17+$0x28F8]  }
0xee: {  	v7 =	vbroadcast v7, $0xF;
	_ =	sdelay $0x1  }
0xef: {  	(erf) = vpow2.f32 v7;
	_ =	sdelay $0x1  }
0xf0: {  	v6 =	vmul.f32 v6, v53;
	_ =	sdelay $0x1  }
0xf1: {  	[tilespmem:s0+$0xFFFFFF20] =	vst v6  }
0xf2: {  	v6 =	vld [tilespmem:s17+$0x2908];
	_ =	sdelay $0x3  }
0xf3: {  	v7 =	vpop (erf)  }
0xf4: {  	v6 =	vmul.f32 v6, v7;
	_ =	sdelay $0x1  }
0xf5: {  	[tilespmem:s0+$0xFFFFFF30] =	vst v6  }
0xf6: {  	v6 =	vld [tilespmem:s17+$0x2918];
	_ =	sdelay $0x4  }
0xf7: {  	v6 =	vmul.f32 v6, v7;
	_ =	sdelay $0x1  }
0xf8: {  	[tilespmem:s0+$0xFFFFFF40] =	vst v6  }
0xf9: {  	v6 =	vld [tilespmem:s17+$0x2928];
	_ =	sdelay $0x4  }
0xfa: {  	v6 =	vmul.f32 v6, v7;
	_ =	sdelay $0x1  }
0xfb: {  	[tilespmem:s0+$0xFFFFFF50] =	vst v6  }
0xfc: {  	v6 =	vld [tilespmem:s17+$0x2938];
	_ =	sdelay $0x4  }
0xfd: {  	v56 =	vmul.f32 v3, v7;
	v55 =	vperm.xlane v6, v2;
	_ =	sdelay $0x1  }
0xfe: {  	v8 =	vmul.f32 v4, v53;
	v9 =	vmul.f32 v55, v56;
	_ =	sdelay $0x1  }
0xff: {  	v57 =	vmul.f32 v5, v7;
	v8 =	vadd.f32 v9, v8  }
0x100: {  	v6 =	vmul.f32 v6, v7  }
0x101: {  	v7 =	vadd.f32 v8, v57  }
0x102: {  	[tilespmem:s0+$0xFFFFFF60] =	vst v6  }
0x103: {  	[tilespmem:s0+$0xFFFFFF68] =	vst v7  }
0x104: {  	v6 =	vld [tilespmem:s17+$0x148]  }
0x105: {  	v7 =	vld [tilespmem:s17+$0x1548]  }
0x106: {  	v58 =	vld [tilespmem:s17+$0x158]  }
0x107: {  	v59 =	vld [tilespmem:s17+$0x1558]  }
0x108: {  	v60 =	vld [tilespmem:s17+$0x168]  }
0x109: {  	v61 =	vld [tilespmem:s17+$0x1568]  }
0x10a: {  	v62 =	vld [tilespmem:s17+$0x178]  }
0x10b: {  	v63 =	vld [tilespmem:s17+$0x1578]  }
0x10c: {  	v6 =	vmul.f32 v7, v6;
	v7 =	vmul.f32 v59, v58;
	_ =	sdelay $0x1  }
0x10d: {  	v6 =	vadd.f32 v7, v6;
	v7 =	vmul.f32 v61, v60;
	_ =	sdelay $0x1  }
0x10e: {  	v6 =	vadd.f32 v7, v6;
	v7 =	vmul.f32 v63, v62;
	_ =	sdelay $0x1  }
0x10f: {  	v6 =	vadd.f32 v7, v6;
	_ =	sdelay $0x1  }
0x110: {  	(xrf2) =	vadd.scan.msk.f32 $0xffff, v6;
	_ =	sdelay $0x9  }
0x111: {  	v6, _, _ =	vpop (xrf2)  }
0x112: {  	v6 =	vmul.f32 $1.442695020e+00, v6;
	_ =	sdelay $0x1  }
0x113: {  	v6 =	vbroadcast v6, $0xF;
	_ =	sdelay $0x1  }
0x114: {  	v16 =	vld [tilespmem:s17+$0x198];
	(erf) = vpow2.f32 v6  }
0x115: {  	v17 =	vld [tilespmem:s17+$0x1598]  }
0x116: {  	v18 =	vld [tilespmem:s17+$0x1A8]  }
0x117: {  	v7 =	vld [tilespmem:s17+$0x188]  }
0x118: {  	v6 =	vld [tilespmem:s17+$0x1588]  }
0x119: {  	v19 =	vld [tilespmem:s17+$0x2948]  }
0x11a: {  	v20 =	vld [tilespmem:s17+$0x15A8]  }
0x11b: {  	v21 =	vld [tilespmem:s17+$0x1B8]  }
0x11c: {  	v22 =	vld [tilespmem:s17+$0x15B8]  }
0x11d: {  	v6 =	vmul.f32 v6, v7;
	v7 =	vmul.f32 v17, v16;
	v23 =	vpop (erf)  }
0x11e: {  	v24 =	vmul.f32 v19, v23  }
0x11f: {  	v6 =	vadd.f32 v7, v6;
	v7 =	vmul.f32 v20, v18  }
0x120: {  	[tilespmem:s0+$0xFFFFFF78] =	vst v24  }
0x121: {  	v6 =	vadd.f32 v7, v6;
	v7 =	vmul.f32 v22, v21;
	v9 =	vld [tilespmem:s17+$0x2958];
	_ =	sdelay $0x1  }
0x122: {  	v6 =	vadd.f32 v7, v6;
	_ =	sdelay $0x1  }
0x123: {  	(xrf2) =	vadd.scan.msk.f32 $0xffff, v6  }
0x124: {  	v6 =	vmul.f32 v9, v23;
	_ =	sdelay $0x1  }
0x125: {  	[tilespmem:s0+$0xFFFFFF88] =	vst v6  }
0x126: {  	v6 =	vld [tilespmem:s17+$0x2968];
	_ =	sdelay $0x4  }
0x127: {  	v6 =	vmul.f32 v6, v23  }
0x128: {  	v7, _, _ =	vpop (xrf2)  }
0x129: {  	v7 =	vmul.f32 $1.442695020e+00, v7;
	[tilespmem:s0+$0xFFFFFF98] =	vst v6  }
0x12a: {  	v6 =	vld [tilespmem:s17+$0x2978]  }
0x12b: {  	v7 =	vbroadcast v7, $0xF;
	_ =	sdelay $0x1  }
0x12c: {  	(erf) = vpow2.f32 v7;
	_ =	sdelay $0x1  }
0x12d: {  	v6 =	vmul.f32 v6, v23;
	_ =	sdelay $0x1  }
0x12e: {  	[tilespmem:s0+$0xFFFFFFA8] =	vst v6  }
0x12f: {  	v6 =	vld [tilespmem:s17+$0x2988];
	_ =	sdelay $0x3  }
0x130: {  	v7 =	vpop (erf)  }
0x131: {  	v6 =	vmul.f32 v6, v7;
	_ =	sdelay $0x1  }
0x132: {  	[tilespmem:s0+$0xFFFFFFB8] =	vst v6  }
0x133: {  	v6 =	vld [tilespmem:s17+$0x2998];
	_ =	sdelay $0x4  }
0x134: {  	v6 =	vmul.f32 v6, v7;
	_ =	sdelay $0x1  }
0x135: {  	[tilespmem:s0+$0xFFFFFFC8] =	vst v6  }
0x136: {  	v6 =	vld [tilespmem:s17+$0x29A8];
	_ =	sdelay $0x4  }
0x137: {  	v6 =	vmul.f32 v6, v7;
	_ =	sdelay $0x1  }
0x138: {  	[tilespmem:s0+$0xFFFFFFD8] =	vst v6  }
0x139: {  	v6 =	vld [tilespmem:s17+$0x29B8];
	_ =	sdelay $0x4  }
0x13a: {  	v26 =	vmul.f32 v3, v7;
	v25 =	vperm.xlane v6, v2;
	_ =	sdelay $0x1  }
0x13b: {  	v8 =	vmul.f32 v4, v23;
	v9 =	vmul.f32 v25, v26;
	_ =	sdelay $0x1  }
0x13c: {  	v27 =	vmul.f32 v5, v7;
	v8 =	vadd.f32 v9, v8  }
0x13d: {  	v6 =	vmul.f32 v6, v7  }
0x13e: {  	v7 =	vadd.f32 v8, v27  }
0x13f: {  	[tilespmem:s0+$0xFFFFFFE8] =	vst v6  }
0x140: {  	[tilespmem:s0+$0xFFFFFFF0] =	vst v7  }
0x141: {  	v6 =	vld [tilespmem:s17+$0x1C8]  }
0x142: {  	v7 =	vld [tilespmem:s17+$0x15C8]  }
0x143: {  	v28 =	vld [tilespmem:s17+$0x1D8]  }
0x144: {  	v29 =	vld [tilespmem:s17+$0x15D8]  }
0x145: {  	v30 =	vld [tilespmem:s17+$0x1E8]  }
0x146: {  	v31 =	vld [tilespmem:s17+$0x15E8]  }
0x147: {  	v32 =	vld [tilespmem:s17+$0x1F8]  }
0x148: {  	v33 =	vld [tilespmem:s17+$0x15F8]  }
0x149: {  	v6 =	vmul.f32 v7, v6;
	v7 =	vmul.f32 v29, v28;
	_ =	sdelay $0x1  }
0x14a: {  	v6 =	vadd.f32 v7, v6;
	v7 =	vmul.f32 v31, v30;
	_ =	sdelay $0x1  }
0x14b: {  	v6 =	vadd.f32 v7, v6;
	v7 =	vmul.f32 v33, v32;
	_ =	sdelay $0x1  }
0x14c: {  	v6 =	vadd.f32 v7, v6;
	_ =	sdelay $0x1  }
0x14d: {  	(xrf2) =	vadd.scan.msk.f32 $0xffff, v6;
	_ =	sdelay $0x9  }
0x14e: {  	v6, _, _ =	vpop (xrf2)  }
0x14f: {  	v6 =	vmul.f32 $1.442695020e+00, v6;
	_ =	sdelay $0x1  }
0x150: {  	v6 =	vbroadcast v6, $0xF;
	_ =	sdelay $0x1  }
0x151: {  	v34 =	vld [tilespmem:s17+$0x218];
	(erf) = vpow2.f32 v6  }
0x152: {  	v35 =	vld [tilespmem:s17+$0x1618]  }
0x153: {  	v36 =	vld [tilespmem:s17+$0x228]  }
0x154: {  	v7 =	vld [tilespmem:s17+$0x208]  }
0x155: {  	v6 =	vld [tilespmem:s17+$0x1608]  }
0x156: {  	v37 =	vld [tilespmem:s17+$0x29C8]  }
0x157: {  	v38 =	vld [tilespmem:s17+$0x1628]  }
0x158: {  	v39 =	vld [tilespmem:s17+$0x238]  }
0x159: {  	v40 =	vld [tilespmem:s17+$0x1638]  }
0x15a: {  	v6 =	vmul.f32 v6, v7;
	v7 =	vmul.f32 v35, v34;
	v41 =	vpop (erf)  }
0x15b: {  	v42 =	vmul.f32 v37, v41  }
0x15c: {  	v6 =	vadd.f32 v7, v6;
	v7 =	vmul.f32 v38, v36  }
0x15d: {  	[tilespmem:s0+$0x0] =	vst v42  }
0x15e: {  	v6 =	vadd.f32 v7, v6;
	v7 =	vmul.f32 v40, v39;
	v9 =	vld [tilespmem:s17+$0x29D8];
	_ =	sdelay $0x1  }
0x15f: {  	v6 =	vadd.f32 v7, v6;
	_ =	sdelay $0x1  }
0x160: {  	(xrf2) =	vadd.scan.msk.f32 $0xffff, v6  }
0x161: {  	v6 =	vmul.f32 v9, v41;
	_ =	sdelay $0x1  }
0x162: {  	[tilespmem:s0+$0x10] =	vst v6  }
0x163: {  	v6 =	vld [tilespmem:s17+$0x29E8];
	_ =	sdelay $0x4  }
0x164: {  	v6 =	vmul.f32 v6, v41  }
0x165: {  	v7, _, _ =	vpop (xrf2)  }
0x166: {  	v7 =	vmul.f32 $1.442695020e+00, v7;
	[tilespmem:s0+$0x20] =	vst v6  }
0x167: {  	v6 =	vld [tilespmem:s17+$0x29F8]  }
0x168: {  	v7 =	vbroadcast v7, $0xF;
	_ =	sdelay $0x1  }
0x169: {  	(erf) = vpow2.f32 v7;
	_ =	sdelay $0x1  }
0x16a: {  	v6 =	vmul.f32 v6, v41;
	_ =	sdelay $0x1  }
0x16b: {  	[tilespmem:s0+$0x30] =	vst v6  }
0x16c: {  	v6 =	vld [tilespmem:s17+$0x2A08];
	_ =	sdelay $0x3  }
0x16d: {  	v7 =	vpop (erf)  }
0x16e: {  	v6 =	vmul.f32 v6, v7;
	_ =	sdelay $0x1  }
0x16f: {  	[tilespmem:s0+$0x40] =	vst v6  }
0x170: {  	v6 =	vld [tilespmem:s17+$0x2A18];
	_ =	sdelay $0x4  }
0x171: {  	v6 =	vmul.f32 v6, v7;
	_ =	sdelay $0x1  }
0x172: {  	[tilespmem:s0+$0x50] =	vst v6  }
0x173: {  	v6 =	vld [tilespmem:s17+$0x2A28];
	_ =	sdelay $0x4  }
0x174: {  	v6 =	vmul.f32 v6, v7;
	_ =	sdelay $0x1  }
0x175: {  	[tilespmem:s0+$0x60] =	vst v6  }
0x176: {  	v6 =	vld [tilespmem:s17+$0x2A38];
	_ =	sdelay $0x4  }
0x177: {  	v44 =	vmul.f32 v3, v7;
	v43 =	vperm.xlane v6, v2;
	_ =	sdelay $0x1  }
0x178: {  	v8 =	vmul.f32 v4, v41;
	v9 =	vmul.f32 v43, v44;
	_ =	sdelay $0x1  }
0x179: {  	v45 =	vmul.f32 v5, v7;
	v8 =	vadd.f32 v9, v8  }
0x17a: {  	v6 =	vmul.f32 v6, v7  }
0x17b: {  	v7 =	vadd.f32 v8, v45  }
0x17c: {  	[tilespmem:s0+$0x70] =	vst v6  }
0x17d: {  	[tilespmem:s0+$0x78] =	vst v7  }
0x17e: {  	v6 =	vld [tilespmem:s17+$0x248]  }
0x17f: {  	v7 =	vld [tilespmem:s17+$0x1648]  }
0x180: {  	v46 =	vld [tilespmem:s17+$0x258]  }
0x181: {  	v47 =	vld [tilespmem:s17+$0x1658]  }
0x182: {  	v48 =	vld [tilespmem:s17+$0x268]  }
0x183: {  	v49 =	vld [tilespmem:s17+$0x1668]  }
0x184: {  	v50 =	vld [tilespmem:s17+$0x278]  }
0x185: {  	v51 =	vld [tilespmem:s17+$0x1678]  }
0x186: {  	v6 =	vmul.f32 v7, v6;
	v7 =	vmul.f32 v47, v46;
	_ =	sdelay $0x1  }
0x187: {  	v6 =	vadd.f32 v7, v6;
	v7 =	vmul.f32 v49, v48;
	_ =	sdelay $0x1  }
0x188: {  	v6 =	vadd.f32 v7, v6;
	v7 =	vmul.f32 v51, v50;
	_ =	sdelay $0x1  }
0x189: {  	v6 =	vadd.f32 v7, v6;
	_ =	sdelay $0x1  }
0x18a: {  	(xrf2) =	vadd.scan.msk.f32 $0xffff, v6;
	_ =	sdelay $0x9  }
0x18b: {  	v6, _, _ =	vpop (xrf2)  }
0x18c: {  	v6 =	vmul.f32 $1.442695020e+00, v6;
	_ =	sdelay $0x1  }
0x18d: {  	v6 =	vbroadcast v6, $0xF;
	_ =	sdelay $0x1  }
0x18e: {  	v52 =	vld [tilespmem:s17+$0x298];
	(erf) = vpow2.f32 v6  }
0x18f: {  	v53 =	vld [tilespmem:s17+$0x1698]  }
0x190: {  	v54 =	vld [tilespmem:s17+$0x2A8]  }
0x191: {  	v7 =	vld [tilespmem:s17+$0x288]  }
0x192: {  	v6 =	vld [tilespmem:s17+$0x1688]  }
0x193: {  	v55 =	vld [tilespmem:s17+$0x2A48]  }
0x194: {  	v56 =	vld [tilespmem:s17+$0x16A8]  }
0x195: {  	v57 =	vld [tilespmem:s17+$0x2B8]  }
0x196: {  	v58 =	vld [tilespmem:s17+$0x16B8]  }
0x197: {  	v6 =	vmul.f32 v6, v7;
	v7 =	vmul.f32 v53, v52;
	v59 =	vpop (erf)  }
0x198: {  	v60 =	vmul.f32 v55, v59  }
0x199: {  	v6 =	vadd.f32 v7, v6;
	v7 =	vmul.f32 v56, v54  }
0x19a: {  	[tilespmem:s0+$0x88] =	vst v60  }
0x19b: {  	v6 =	vadd.f32 v7, v6;
	v7 =	vmul.f32 v58, v57;
	v9 =	vld [tilespmem:s17+$0x2A58];
	_ =	sdelay $0x1  }
0x19c: {  	v6 =	vadd.f32 v7, v6;
	_ =	sdelay $0x1  }
0x19d: {  	(xrf2) =	vadd.scan.msk.f32 $0xffff, v6  }
0x19e: {  	v6 =	vmul.f32 v9, v59;
	_ =	sdelay $0x1  }
0x19f: {  	[tilespmem:s0+$0x98] =	vst v6  }
0x1a0: {  	v6 =	vld [tilespmem:s17+$0x2A68];
	_ =	sdelay $0x4  }
0x1a1: {  	v6 =	vmul.f32 v6, v59  }
0x1a2: {  	v7, _, _ =	vpop (xrf2)  }
0x1a3: {  	v7 =	vmul.f32 $1.442695020e+00, v7;
	[tilespmem:s0+$0xA8] =	vst v6  }
0x1a4: {  	v6 =	vld [tilespmem:s17+$0x2A78]  }
0x1a5: {  	v7 =	vbroadcast v7, $0xF;
	_ =	sdelay $0x1  }
0x1a6: {  	(erf) = vpow2.f32 v7;
	_ =	sdelay $0x1  }
0x1a7: {  	v6 =	vmul.f32 v6, v59;
	_ =	sdelay $0x1  }
0x1a8: {  	[tilespmem:s0+$0xB8] =	vst v6  }
0x1a9: {  	v6 =	vld [tilespmem:s17+$0x2A88];
	_ =	sdelay $0x3  }
0x1aa: {  	v7 =	vpop (erf)  }
0x1ab: {  	v6 =	vmul.f32 v6, v7;
	_ =	sdelay $0x1  }
0x1ac: {  	[tilespmem:s0+$0xC8] =	vst v6  }
0x1ad: {  	v6 =	vld [tilespmem:s17+$0x2A98];
	_ =	sdelay $0x4  }
0x1ae: {  	v6 =	vmul.f32 v6, v7;
	_ =	sdelay $0x1  }
0x1af: {  	[tilespmem:s0+$0xD8] =	vst v6  }
0x1b0: {  	v6 =	vld [tilespmem:s17+$0x2AA8];
	_ =	sdelay $0x4  }
0x1b1: {  	v6 =	vmul.f32 v6, v7;
	_ =	sdelay $0x1  }
0x1b2: {  	[tilespmem:s0+$0xE8] =	vst v6  }
0x1b3: {  	v6 =	vld [tilespmem:s17+$0x2AB8];
	_ =	sdelay $0x4  }
0x1b4: {  	v62 =	vmul.f32 v3, v7;
	v61 =	vperm.xlane v6, v2;
	_ =	sdelay $0x1  }
0x1b5: {  	v8 =	vmul.f32 v4, v59;
	v9 =	vmul.f32 v61, v62  }
0x1b6: {  	p0 =	sne.s32 s15, $0x4800  }
.Ltmp1:
0x1b7: {  	v63 =	vmul.f32 v5, v7;
	v8 =	vadd.f32 v9, v8;
	(pc) =	sbr.rel @p0 .LBB2_5-.Ltmp1, $4  }
0x1b8: {  	v6 =	vmul.f32 v6, v7  }
0x1b9: {  	v7 =	vadd.f32 v8, v63  }
0x1ba: {  	[tilespmem:s0+$0xF8] =	vst v6  }
0x1bb: {  	s15 =	sadd.s32 $0x800, s15;
	[tilespmem:s0+$0x100] =	vst v7;
	s0 =	sadd.s32 $0x220, s0  }
0x1bc: {  	s0 =	simm.s32 $0xA0  }
0x1bd: {  	[spmem:s2] =	stream.indirect.scatter.add.f32 [tilespmem:s10], [sflag:$0x7], $0x88, s0, s12, $0xb8;
	[tilespmem:$0x1F018] =	vst v63  }
0x1be: {  	_ =	swait.ge [sflag:s11], $0x1540  }
0x1bf: {  	[sflag:s11] =	ssyncset.done $0x0  }
0x1c0: {  	[sflag:s11] =	ssyncadd.s32 $0xFFFFEAC0  }
0x1c1: {  	v6 =	vld [tilespmem:$0x0]  }
0x1c2: {  	v7 =	vld [tilespmem:$0x28]  }
0x1c3: {  	v8 =	vld [tilespmem:$0x10]  }
0x1c4: {  	v9 =	vld [tilespmem:$0x38]  }
0x1c5: {  	v10 =	vld [tilespmem:$0x18]  }
0x1c6: {  	v11 =	vld [tilespmem:$0x40];
	v6 =	vadd.s32 v0, v6  }
0x1c7: {  	[tilespmem:$0x50] =	vst v6;
	v6 =	vadd.s32 v0, v7  }
0x1c8: {  	[tilespmem:$0x78] =	vst v6;
	v6 =	vadd.s32 v0, v8  }
0x1c9: {  	[tilespmem:$0x60] =	vst v6;
	v6 =	vadd.s32 v0, v9  }
0x1ca: {  	[tilespmem:$0x88] =	vst v6;
	v6 =	vadd.s32 v0, v10  }
0x1cb: {  	[tilespmem:$0x68] =	vst v6;
	v6 =	vadd.s32 v0, v11  }
0x1cc: {  	s17 =	simm.s32 $0x78;
	s15 =	simm.s32 $0xC8;
	[tilespmem:$0x90] =	vst v6  }
0x1cd: {  	[tilespmem:s15], [sflag:$0x1] =	stream.indirect.gather [hbm4b:s5+s12], $0x80, s17, s12, $0xb8;
	[tilespmem:$0x1F018] =	vst v63  }
0x1ce: {  	_ = 	snop  }
0x1cf: {  	[tilespmem:s19], [sflag:$0x2] =	stream.indirect.gather [hbm4b:s6+s12], $0x80, s18, s12, $0xb8;
	[tilespmem:$0x1F018] =	vst v63  }
0x1d0: {  	_ = 	snop  }
0x1d1: {  	[tilespmem:s20], [sflag:$0x3] =	stream.indirect.gather [hbm4b:s1+s12], $0x80, s18, s12, $0xb8;
	[tilespmem:$0x1F018] =	vst v63  }
0x1d2: {  	_ =	swait.ge [sflag:s3], $0x1400  }
0x1d3: {  	[sflag:s3] =	ssyncset.done $0x0  }
0x1d4: {  	[sflag:s3] =	ssyncadd.s32 $0xFFFFEC00  }
0x1d5: {  	_ =	swait.ge [sflag:s9], $0x1400  }
0x1d6: {  	[sflag:s9] =	ssyncset.done $0x0  }
0x1d7: {  	[sflag:s9] =	ssyncadd.s32 $0xFFFFEC00  }
0x1d8: {  	_ =	swait.ge [sflag:s16], $0x1400  }
0x1d9: {  	[sflag:s16] =	ssyncset.done $0x0  }
0x1da: {  	[sflag:s16] =	ssyncadd.s32 $0xFFFFEC00  }
0x1db: {  	v6 =	vld [tilespmem:$0x5230]  }
0x1dc: {  	v7 =	vld [tilespmem:$0x5240]  }
0x1dd: {  	v63 =	vld [tilespmem:$0x5248];
	_ =	sdelay $0x2  }
0x1de: {  	s15 =	sadd.s32 s28, s14;
	[tilespmem:$0x52A8] =	vst v6  }
0x1df: {  	s0 =	sshrl.u32 s15, $0x3;
	[tilespmem:$0x52B8] =	vst v7  }
0x1e0: {  	s28 =	simm.s32 $0x0;
	s17 =	sadd.s32 s7, s0;
	[tilespmem:$0x52C0] =	vst v63  }
0x1e1: {  	[tilespmem:s21], [sflag:$0x7] =	stream.linear.gather [hbm4b:s17+s28], $0x28, $0x38;
	[tilespmem:$0x1F018] =	vst v63  }
0x1e2: {  	_ =	swait.ge [sflag:s11], $0x28  }
0x1e3: {  	[sflag:s11] =	ssyncset.done $0x0  }
0x1e4: {  	s0 =	sadd.s32 s8, s0;
	[sflag:s11] =	ssyncadd.s32 $0xFFFFFFD8  }
0x1e5: {  	[tilespmem:s22], [sflag:$0x7] =	stream.linear.gather [hbm4b:s0+s28], $0x28, $0x38;
	[tilespmem:$0x1F018] =	vst v63  }
0x1e6: {  	_ =	swait.ge [sflag:s11], $0x28  }
0x1e7: {  	[sflag:s11] =	ssyncset.done $0x0  }
0x1e8: {  	s0 =	simm.s32 $0x8FE0;
	[sflag:s11] =	ssyncadd.s32 $0xFFFFFFD8  }
.LBB2_7:
0x1e9: {  	s15 =	sshra.s32 s28, $0x2  }
0x1ea: {  	v6 =	vld [tilespmem:s15+$0x52D0]  }
0x1eb: {  	v7 =	vld [tilespmem:s15+$0x66D0]  }
0x1ec: {  	v8 =	vld [tilespmem:s15+$0x52E0]  }
0x1ed: {  	v9 =	vld [tilespmem:s15+$0x66E0]  }
0x1ee: {  	v10 =	vld [tilespmem:s15+$0x52F0]  }
0x1ef: {  	v11 =	vld [tilespmem:s15+$0x66F0]  }
0x1f0: {  	v12 =	vld [tilespmem:s15+$0x5300]  }
0x1f1: {  	v13 =	vld [tilespmem:s15+$0x6700]  }
0x1f2: {  	v6 =	vmul.f32 v7, v6;
	v7 =	vmul.f32 v9, v8;
	_ =	sdelay $0x1  }
0x1f3: {  	v6 =	vadd.f32 v7, v6;
	v7 =	vmul.f32 v11, v10;
	_ =	sdelay $0x1  }
0x1f4: {  	v6 =	vadd.f32 v7, v6;
	v7 =	vmul.f32 v13, v12;
	_ =	sdelay $0x1  }
0x1f5: {  	v6 =	vadd.f32 v7, v6;
	_ =	sdelay $0x1  }
0x1f6: {  	(xrf2) =	vadd.scan.msk.f32 $0xffff, v6;
	_ =	sdelay $0x9  }
0x1f7: {  	v6, _, _ =	vpop (xrf2)  }
0x1f8: {  	v6 =	vmul.f32 $1.442695020e+00, v6;
	_ =	sdelay $0x1  }
0x1f9: {  	v6 =	vbroadcast v6, $0xF;
	_ =	sdelay $0x1  }
0x1fa: {  	v47 =	vld [tilespmem:s15+$0x5320];
	(erf) = vpow2.f32 v6  }
0x1fb: {  	v48 =	vld [tilespmem:s15+$0x6720]  }
0x1fc: {  	v49 =	vld [tilespmem:s15+$0x5330]  }
0x1fd: {  	v7 =	vld [tilespmem:s15+$0x5310]  }
0x1fe: {  	v6 =	vld [tilespmem:s15+$0x6710]  }
0x1ff: {  	v50 =	vld [tilespmem:s15+$0x7AD0]  }
0x200: {  	v51 =	vld [tilespmem:s15+$0x6730]  }
0x201: {  	v52 =	vld [tilespmem:s15+$0x5340]  }
0x202: {  	v14 =	vld [tilespmem:s15+$0x6740]  }
0x203: {  	v6 =	vmul.f32 v6, v7;
	v7 =	vmul.f32 v48, v47;
	v53 =	vpop (erf)  }
0x204: {  	v54 =	vmul.f32 v50, v53  }
0x205: {  	v6 =	vadd.f32 v7, v6;
	v7 =	vmul.f32 v51, v49  }
0x206: {  	[tilespmem:s0+$0xFFFFFEF0] =	vst v54  }
0x207: {  	v6 =	vadd.f32 v7, v6;
	v7 =	vmul.f32 v14, v52;
	v9 =	vld [tilespmem:s15+$0x7AE0];
	_ =	sdelay $0x1  }
0x208: {  	v6 =	vadd.f32 v7, v6;
	_ =	sdelay $0x1  }
0x209: {  	(xrf2) =	vadd.scan.msk.f32 $0xffff, v6  }
0x20a: {  	v6 =	vmul.f32 v9, v53;
	_ =	sdelay $0x1  }
0x20b: {  	[tilespmem:s0+$0xFFFFFF00] =	vst v6  }
0x20c: {  	v6 =	vld [tilespmem:s15+$0x7AF0];
	_ =	sdelay $0x4  }
0x20d: {  	v6 =	vmul.f32 v6, v53  }
0x20e: {  	v7, _, _ =	vpop (xrf2)  }
0x20f: {  	v7 =	vmul.f32 $1.442695020e+00, v7;
	[tilespmem:s0+$0xFFFFFF10] =	vst v6  }
0x210: {  	v6 =	vld [tilespmem:s15+$0x7B00]  }
0x211: {  	v7 =	vbroadcast v7, $0xF;
	_ =	sdelay $0x1  }
0x212: {  	(erf) = vpow2.f32 v7;
	_ =	sdelay $0x1  }
0x213: {  	v6 =	vmul.f32 v6, v53;
	_ =	sdelay $0x1  }
0x214: {  	[tilespmem:s0+$0xFFFFFF20] =	vst v6  }
0x215: {  	v6 =	vld [tilespmem:s15+$0x7B10];
	_ =	sdelay $0x3  }
0x216: {  	v7 =	vpop (erf)  }
0x217: {  	v6 =	vmul.f32 v6, v7;
	_ =	sdelay $0x1  }
0x218: {  	[tilespmem:s0+$0xFFFFFF30] =	vst v6  }
0x219: {  	v6 =	vld [tilespmem:s15+$0x7B20];
	_ =	sdelay $0x4  }
0x21a: {  	v6 =	vmul.f32 v6, v7;
	_ =	sdelay $0x1  }
0x21b: {  	[tilespmem:s0+$0xFFFFFF40] =	vst v6  }
0x21c: {  	v6 =	vld [tilespmem:s15+$0x7B30];
	_ =	sdelay $0x4  }
0x21d: {  	v6 =	vmul.f32 v6, v7;
	_ =	sdelay $0x1  }
0x21e: {  	[tilespmem:s0+$0xFFFFFF50] =	vst v6  }
0x21f: {  	v6 =	vld [tilespmem:s15+$0x7B40];
	_ =	sdelay $0x4  }
0x220: {  	v56 =	vmul.f32 v3, v7;
	v55 =	vperm.xlane v6, v2;
	_ =	sdelay $0x1  }
0x221: {  	v8 =	vmul.f32 v4, v53;
	v9 =	vmul.f32 v55, v56;
	_ =	sdelay $0x1  }
0x222: {  	v57 =	vmul.f32 v5, v7;
	v8 =	vadd.f32 v9, v8  }
0x223: {  	v6 =	vmul.f32 v6, v7  }
0x224: {  	v7 =	vadd.f32 v8, v57  }
0x225: {  	[tilespmem:s0+$0xFFFFFF60] =	vst v6  }
0x226: {  	[tilespmem:s0+$0xFFFFFF68] =	vst v7  }
0x227: {  	v6 =	vld [tilespmem:s15+$0x5350]  }
0x228: {  	v7 =	vld [tilespmem:s15+$0x6750]  }
0x229: {  	v58 =	vld [tilespmem:s15+$0x5360]  }
0x22a: {  	v59 =	vld [tilespmem:s15+$0x6760]  }
0x22b: {  	v60 =	vld [tilespmem:s15+$0x5370]  }
0x22c: {  	v61 =	vld [tilespmem:s15+$0x6770]  }
0x22d: {  	v62 =	vld [tilespmem:s15+$0x5380]  }
0x22e: {  	v63 =	vld [tilespmem:s15+$0x6780]  }
0x22f: {  	v6 =	vmul.f32 v7, v6;
	v7 =	vmul.f32 v59, v58;
	_ =	sdelay $0x1  }
0x230: {  	v6 =	vadd.f32 v7, v6;
	v7 =	vmul.f32 v61, v60;
	_ =	sdelay $0x1  }
0x231: {  	v6 =	vadd.f32 v7, v6;
	v7 =	vmul.f32 v63, v62;
	_ =	sdelay $0x1  }
0x232: {  	v6 =	vadd.f32 v7, v6;
	_ =	sdelay $0x1  }
0x233: {  	(xrf2) =	vadd.scan.msk.f32 $0xffff, v6;
	_ =	sdelay $0x9  }
0x234: {  	v6, _, _ =	vpop (xrf2)  }
0x235: {  	v6 =	vmul.f32 $1.442695020e+00, v6;
	_ =	sdelay $0x1  }
0x236: {  	v6 =	vbroadcast v6, $0xF;
	_ =	sdelay $0x1  }
0x237: {  	v16 =	vld [tilespmem:s15+$0x53A0];
	(erf) = vpow2.f32 v6  }
0x238: {  	v17 =	vld [tilespmem:s15+$0x67A0]  }
0x239: {  	v18 =	vld [tilespmem:s15+$0x53B0]  }
0x23a: {  	v7 =	vld [tilespmem:s15+$0x5390]  }
0x23b: {  	v6 =	vld [tilespmem:s15+$0x6790]  }
0x23c: {  	v19 =	vld [tilespmem:s15+$0x7B50]  }
0x23d: {  	v20 =	vld [tilespmem:s15+$0x67B0]  }
0x23e: {  	v21 =	vld [tilespmem:s15+$0x53C0]  }
0x23f: {  	v22 =	vld [tilespmem:s15+$0x67C0]  }
0x240: {  	v6 =	vmul.f32 v6, v7;
	v7 =	vmul.f32 v17, v16;
	v23 =	vpop (erf)  }
0x241: {  	v24 =	vmul.f32 v19, v23  }
0x242: {  	v6 =	vadd.f32 v7, v6;
	v7 =	vmul.f32 v20, v18  }
0x243: {  	[tilespmem:s0+$0xFFFFFF78] =	vst v24  }
0x244: {  	v6 =	vadd.f32 v7, v6;
	v7 =	vmul.f32 v22, v21;
	v9 =	vld [tilespmem:s15+$0x7B60];
	_ =	sdelay $0x1  }
0x245: {  	v6 =	vadd.f32 v7, v6;
	_ =	sdelay $0x1  }
0x246: {  	(xrf2) =	vadd.scan.msk.f32 $0xffff, v6  }
0x247: {  	v6 =	vmul.f32 v9, v23;
	_ =	sdelay $0x1  }
0x248: {  	[tilespmem:s0+$0xFFFFFF88] =	vst v6  }
0x249: {  	v6 =	vld [tilespmem:s15+$0x7B70];
	_ =	sdelay $0x4  }
0x24a: {  	v6 =	vmul.f32 v6, v23  }
0x24b: {  	v7, _, _ =	vpop (xrf2)  }
0x24c: {  	v7 =	vmul.f32 $1.442695020e+00, v7;
	[tilespmem:s0+$0xFFFFFF98] =	vst v6  }
0x24d: {  	v6 =	vld [tilespmem:s15+$0x7B80]  }
0x24e: {  	v7 =	vbroadcast v7, $0xF;
	_ =	sdelay $0x1  }
0x24f: {  	(erf) = vpow2.f32 v7;
	_ =	sdelay $0x1  }
0x250: {  	v6 =	vmul.f32 v6, v23;
	_ =	sdelay $0x1  }
0x251: {  	[tilespmem:s0+$0xFFFFFFA8] =	vst v6  }
0x252: {  	v6 =	vld [tilespmem:s15+$0x7B90];
	_ =	sdelay $0x3  }
0x253: {  	v7 =	vpop (erf)  }
0x254: {  	v6 =	vmul.f32 v6, v7;
	_ =	sdelay $0x1  }
0x255: {  	[tilespmem:s0+$0xFFFFFFB8] =	vst v6  }
0x256: {  	v6 =	vld [tilespmem:s15+$0x7BA0];
	_ =	sdelay $0x4  }
0x257: {  	v6 =	vmul.f32 v6, v7;
	_ =	sdelay $0x1  }
0x258: {  	[tilespmem:s0+$0xFFFFFFC8] =	vst v6  }
0x259: {  	v6 =	vld [tilespmem:s15+$0x7BB0];
	_ =	sdelay $0x4  }
0x25a: {  	v6 =	vmul.f32 v6, v7;
	_ =	sdelay $0x1  }
0x25b: {  	[tilespmem:s0+$0xFFFFFFD8] =	vst v6  }
0x25c: {  	v6 =	vld [tilespmem:s15+$0x7BC0];
	_ =	sdelay $0x4  }
0x25d: {  	v26 =	vmul.f32 v3, v7;
	v25 =	vperm.xlane v6, v2;
	_ =	sdelay $0x1  }
0x25e: {  	v8 =	vmul.f32 v4, v23;
	v9 =	vmul.f32 v25, v26;
	_ =	sdelay $0x1  }
0x25f: {  	v27 =	vmul.f32 v5, v7;
	v8 =	vadd.f32 v9, v8  }
0x260: {  	v6 =	vmul.f32 v6, v7  }
0x261: {  	v7 =	vadd.f32 v8, v27  }
0x262: {  	[tilespmem:s0+$0xFFFFFFE8] =	vst v6  }
0x263: {  	[tilespmem:s0+$0xFFFFFFF0] =	vst v7  }
0x264: {  	v6 =	vld [tilespmem:s15+$0x53D0]  }
0x265: {  	v7 =	vld [tilespmem:s15+$0x67D0]  }
0x266: {  	v28 =	vld [tilespmem:s15+$0x53E0]  }
0x267: {  	v29 =	vld [tilespmem:s15+$0x67E0]  }
0x268: {  	v30 =	vld [tilespmem:s15+$0x53F0]  }
0x269: {  	v31 =	vld [tilespmem:s15+$0x67F0]  }
0x26a: {  	v32 =	vld [tilespmem:s15+$0x5400]  }
0x26b: {  	v33 =	vld [tilespmem:s15+$0x6800]  }
0x26c: {  	v6 =	vmul.f32 v7, v6;
	v7 =	vmul.f32 v29, v28;
	_ =	sdelay $0x1  }
0x26d: {  	v6 =	vadd.f32 v7, v6;
	v7 =	vmul.f32 v31, v30;
	_ =	sdelay $0x1  }
0x26e: {  	v6 =	vadd.f32 v7, v6;
	v7 =	vmul.f32 v33, v32;
	_ =	sdelay $0x1  }
0x26f: {  	v6 =	vadd.f32 v7, v6;
	_ =	sdelay $0x1  }
0x270: {  	(xrf2) =	vadd.scan.msk.f32 $0xffff, v6;
	_ =	sdelay $0x9  }
0x271: {  	v6, _, _ =	vpop (xrf2)  }
0x272: {  	v6 =	vmul.f32 $1.442695020e+00, v6;
	_ =	sdelay $0x1  }
0x273: {  	v6 =	vbroadcast v6, $0xF;
	_ =	sdelay $0x1  }
0x274: {  	v34 =	vld [tilespmem:s15+$0x5420];
	(erf) = vpow2.f32 v6  }
0x275: {  	v35 =	vld [tilespmem:s15+$0x6820]  }
0x276: {  	v36 =	vld [tilespmem:s15+$0x5430]  }
0x277: {  	v7 =	vld [tilespmem:s15+$0x5410]  }
0x278: {  	v6 =	vld [tilespmem:s15+$0x6810]  }
0x279: {  	v37 =	vld [tilespmem:s15+$0x7BD0]  }
0x27a: {  	v38 =	vld [tilespmem:s15+$0x6830]  }
0x27b: {  	v39 =	vld [tilespmem:s15+$0x5440]  }
0x27c: {  	v40 =	vld [tilespmem:s15+$0x6840]  }
0x27d: {  	v6 =	vmul.f32 v6, v7;
	v7 =	vmul.f32 v35, v34;
	v41 =	vpop (erf)  }
0x27e: {  	v42 =	vmul.f32 v37, v41  }
0x27f: {  	v6 =	vadd.f32 v7, v6;
	v7 =	vmul.f32 v38, v36  }
0x280: {  	[tilespmem:s0+$0x0] =	vst v42  }
0x281: {  	v6 =	vadd.f32 v7, v6;
	v7 =	vmul.f32 v40, v39;
	v9 =	vld [tilespmem:s15+$0x7BE0];
	_ =	sdelay $0x1  }
0x282: {  	v6 =	vadd.f32 v7, v6;
	_ =	sdelay $0x1  }
0x283: {  	(xrf2) =	vadd.scan.msk.f32 $0xffff, v6  }
0x284: {  	v6 =	vmul.f32 v9, v41;
	_ =	sdelay $0x1  }
0x285: {  	[tilespmem:s0+$0x10] =	vst v6  }
0x286: {  	v6 =	vld [tilespmem:s15+$0x7BF0];
	_ =	sdelay $0x4  }
0x287: {  	v6 =	vmul.f32 v6, v41  }
0x288: {  	v7, _, _ =	vpop (xrf2)  }
0x289: {  	v7 =	vmul.f32 $1.442695020e+00, v7;
	[tilespmem:s0+$0x20] =	vst v6  }
0x28a: {  	v6 =	vld [tilespmem:s15+$0x7C00]  }
0x28b: {  	v7 =	vbroadcast v7, $0xF;
	_ =	sdelay $0x1  }
0x28c: {  	(erf) = vpow2.f32 v7;
	_ =	sdelay $0x1  }
0x28d: {  	v6 =	vmul.f32 v6, v41;
	_ =	sdelay $0x1  }
0x28e: {  	[tilespmem:s0+$0x30] =	vst v6  }
0x28f: {  	v6 =	vld [tilespmem:s15+$0x7C10];
	_ =	sdelay $0x3  }
0x290: {  	v7 =	vpop (erf)  }
0x291: {  	v6 =	vmul.f32 v6, v7;
	_ =	sdelay $0x1  }
0x292: {  	[tilespmem:s0+$0x40] =	vst v6  }
0x293: {  	v6 =	vld [tilespmem:s15+$0x7C20];
	_ =	sdelay $0x4  }
0x294: {  	v6 =	vmul.f32 v6, v7;
	_ =	sdelay $0x1  }
0x295: {  	[tilespmem:s0+$0x50] =	vst v6  }
0x296: {  	v6 =	vld [tilespmem:s15+$0x7C30];
	_ =	sdelay $0x4  }
0x297: {  	v6 =	vmul.f32 v6, v7;
	_ =	sdelay $0x1  }
0x298: {  	[tilespmem:s0+$0x60] =	vst v6  }
0x299: {  	v6 =	vld [tilespmem:s15+$0x7C40];
	_ =	sdelay $0x4  }
0x29a: {  	v44 =	vmul.f32 v3, v7;
	v43 =	vperm.xlane v6, v2;
	_ =	sdelay $0x1  }
0x29b: {  	v8 =	vmul.f32 v4, v41;
	v9 =	vmul.f32 v43, v44;
	_ =	sdelay $0x1  }
0x29c: {  	v45 =	vmul.f32 v5, v7;
	v8 =	vadd.f32 v9, v8  }
0x29d: {  	v6 =	vmul.f32 v6, v7  }
0x29e: {  	v7 =	vadd.f32 v8, v45  }
0x29f: {  	[tilespmem:s0+$0x70] =	vst v6  }
0x2a0: {  	[tilespmem:s0+$0x78] =	vst v7  }
0x2a1: {  	v6 =	vld [tilespmem:s15+$0x5450]  }
0x2a2: {  	v7 =	vld [tilespmem:s15+$0x6850]  }
0x2a3: {  	v46 =	vld [tilespmem:s15+$0x5460]  }
0x2a4: {  	v47 =	vld [tilespmem:s15+$0x6860]  }
0x2a5: {  	v48 =	vld [tilespmem:s15+$0x5470]  }
0x2a6: {  	v49 =	vld [tilespmem:s15+$0x6870]  }
0x2a7: {  	v50 =	vld [tilespmem:s15+$0x5480]  }
0x2a8: {  	v51 =	vld [tilespmem:s15+$0x6880]  }
0x2a9: {  	v6 =	vmul.f32 v7, v6;
	v7 =	vmul.f32 v47, v46;
	_ =	sdelay $0x1  }
0x2aa: {  	v6 =	vadd.f32 v7, v6;
	v7 =	vmul.f32 v49, v48;
	_ =	sdelay $0x1  }
0x2ab: {  	v6 =	vadd.f32 v7, v6;
	v7 =	vmul.f32 v51, v50;
	_ =	sdelay $0x1  }
0x2ac: {  	v6 =	vadd.f32 v7, v6;
	_ =	sdelay $0x1  }
0x2ad: {  	(xrf2) =	vadd.scan.msk.f32 $0xffff, v6;
	_ =	sdelay $0x9  }
0x2ae: {  	v6, _, _ =	vpop (xrf2)  }
0x2af: {  	v6 =	vmul.f32 $1.442695020e+00, v6;
	_ =	sdelay $0x1  }
0x2b0: {  	v6 =	vbroadcast v6, $0xF;
	_ =	sdelay $0x1  }
0x2b1: {  	v52 =	vld [tilespmem:s15+$0x54A0];
	(erf) = vpow2.f32 v6  }
0x2b2: {  	v53 =	vld [tilespmem:s15+$0x68A0]  }
0x2b3: {  	v54 =	vld [tilespmem:s15+$0x54B0]  }
0x2b4: {  	v7 =	vld [tilespmem:s15+$0x5490]  }
0x2b5: {  	v6 =	vld [tilespmem:s15+$0x6890]  }
0x2b6: {  	v55 =	vld [tilespmem:s15+$0x7C50]  }
0x2b7: {  	v56 =	vld [tilespmem:s15+$0x68B0]  }
0x2b8: {  	v57 =	vld [tilespmem:s15+$0x54C0]  }
0x2b9: {  	v58 =	vld [tilespmem:s15+$0x68C0]  }
0x2ba: {  	v6 =	vmul.f32 v6, v7;
	v7 =	vmul.f32 v53, v52;
	v59 =	vpop (erf)  }
0x2bb: {  	v60 =	vmul.f32 v55, v59  }
0x2bc: {  	v6 =	vadd.f32 v7, v6;
	v7 =	vmul.f32 v56, v54  }
0x2bd: {  	[tilespmem:s0+$0x88] =	vst v60  }
0x2be: {  	v6 =	vadd.f32 v7, v6;
	v7 =	vmul.f32 v58, v57;
	v9 =	vld [tilespmem:s15+$0x7C60];
	_ =	sdelay $0x1  }
0x2bf: {  	v6 =	vadd.f32 v7, v6;
	_ =	sdelay $0x1  }
0x2c0: {  	(xrf2) =	vadd.scan.msk.f32 $0xffff, v6  }
0x2c1: {  	v6 =	vmul.f32 v9, v59;
	_ =	sdelay $0x1  }
0x2c2: {  	[tilespmem:s0+$0x98] =	vst v6  }
0x2c3: {  	v6 =	vld [tilespmem:s15+$0x7C70];
	_ =	sdelay $0x4  }
0x2c4: {  	v6 =	vmul.f32 v6, v59  }
0x2c5: {  	v7, _, _ =	vpop (xrf2)  }
0x2c6: {  	v7 =	vmul.f32 $1.442695020e+00, v7;
	[tilespmem:s0+$0xA8] =	vst v6  }
0x2c7: {  	v6 =	vld [tilespmem:s15+$0x7C80]  }
0x2c8: {  	v7 =	vbroadcast v7, $0xF;
	_ =	sdelay $0x1  }
0x2c9: {  	(erf) = vpow2.f32 v7;
	_ =	sdelay $0x1  }
0x2ca: {  	v6 =	vmul.f32 v6, v59;
	_ =	sdelay $0x1  }
0x2cb: {  	[tilespmem:s0+$0xB8] =	vst v6  }
0x2cc: {  	v6 =	vld [tilespmem:s15+$0x7C90];
	_ =	sdelay $0x3  }
0x2cd: {  	v7 =	vpop (erf)  }
0x2ce: {  	v6 =	vmul.f32 v6, v7;
	_ =	sdelay $0x1  }
0x2cf: {  	[tilespmem:s0+$0xC8] =	vst v6  }
0x2d0: {  	v6 =	vld [tilespmem:s15+$0x7CA0];
	_ =	sdelay $0x4  }
0x2d1: {  	v6 =	vmul.f32 v6, v7;
	_ =	sdelay $0x1  }
0x2d2: {  	[tilespmem:s0+$0xD8] =	vst v6  }
0x2d3: {  	v6 =	vld [tilespmem:s15+$0x7CB0];
	_ =	sdelay $0x4  }
0x2d4: {  	v6 =	vmul.f32 v6, v7;
	_ =	sdelay $0x1  }
0x2d5: {  	[tilespmem:s0+$0xE8] =	vst v6  }
0x2d6: {  	v6 =	vld [tilespmem:s15+$0x7CC0];
	_ =	sdelay $0x4  }
0x2d7: {  	v62 =	vmul.f32 v3, v7;
	v61 =	vperm.xlane v6, v2;
	_ =	sdelay $0x1  }
0x2d8: {  	v8 =	vmul.f32 v4, v59;
	v9 =	vmul.f32 v61, v62  }
0x2d9: {  	p0 =	sne.s32 s28, $0x4800  }
.Ltmp2:
0x2da: {  	v63 =	vmul.f32 v5, v7;
	v8 =	vadd.f32 v9, v8;
	(pc) =	sbr.rel @p0 .LBB2_7-.Ltmp2, $4  }
0x2db: {  	v6 =	vmul.f32 v6, v7  }
0x2dc: {  	v7 =	vadd.f32 v8, v63  }
0x2dd: {  	[tilespmem:s0+$0xF8] =	vst v6  }
0x2de: {  	s28 =	sadd.s32 $0x800, s28;
	[tilespmem:s0+$0x100] =	vst v7;
	s0 =	sadd.s32 $0x220, s0  }
0x2df: {  	s26 =	sadd.s32 $0x1, s26  }
0x2e0: {  	p0 =	sne.s32 s26, $0x7D  }
.Ltmp3:
0x2e1: {  	_ = 	snop;
	(pc) =	sbr.rel @p0 .LBB2_4-.Ltmp3, $4  }
0x2e2: {  	[spmem:s2] =	stream.indirect.scatter.add.f32 [tilespmem:s23], [sflag:$0x7], $0x88, s4, s12, $0xb8;
	[tilespmem:$0x1F018] =	vst v63  }
0x2e3: {  	_ =	swait.ge [sflag:s11], $0x1540  }
0x2e4: {  	[sflag:s11] =	ssyncset.done $0x0  }
0x2e5: {  	[sflag:s11] =	ssyncadd.s32 $0xFFFFEAC0  }
0x2e6: {  	_ =	swait.ge [sflag:s29], $0x1400  }
0x2e7: {  	[sflag:s29] =	ssyncset.done $0x0  }
0x2e8: {  	[sflag:s29] =	ssyncadd.s32 $0xFFFFEC00  }
0x2e9: {  	_ =	swait.ge [sflag:s30], $0x1400  }
0x2ea: {  	[sflag:s30] =	ssyncset.done $0x0  }
0x2eb: {  	[sflag:s30] =	ssyncadd.s32 $0xFFFFEC00  }
0x2ec: {  	_ =	swait.ge [sflag:s31], $0x1400  }
0x2ed: {  	[sflag:s31] =	ssyncset.done $0x0  }
0x2ee: {  	[sflag:s31] =	ssyncadd.s32 $0xFFFFEC00  }
0x2ef: {  	s0 =	stileid.u32;
	[bflag:$0x0] =	sbarrier.arrive $0xFFFF  }
0x2f0: {  	s0 =	sshll.u32 s0, $0x6;
	s15 =	rddreg [dreg:$0x9]  }
0x2f1: {  	s0 =	sor.u32 $0x1C07, s0;
	s17 =	rddreg [dreg:$0x12]  }
0x2f2: {  	[hbm:s15], [sflag:s0] =	dma.local [spmem:s17], $0x2A80  }
0x2f3: {  	_ =	swait.ge [sflag:s11], $0x2A80  }
0x2f4: {  	s26 =	rddreg [dreg:$0x4]  }
0x2f5: {  	s28 =	rddreg [dreg:$0xb];
	s15 =	sadd.s32 $0x1, s26  }
0x2f6: {  	p0 =	sne.s32 s15, s28  }
.Ltmp4:
0x2f7: {  	_ = 	snop;
	(pc) =	sbr.rel @p0 .LBB2_1-.Ltmp4, $3  }
0x2f8: {  	_ =	sdelay $0x1  }
0x2f9: {  	[sflag:s11] =	ssyncset.done $0x0  }
0x2fa: {  	[sflag:s11] =	ssyncadd.s32 $0xFFFFD580  }
0x2fb: {  	_ =	sfence.sel $0x180000  }
0x2fc: {  	[bflag:$0x0] =	sbarrier.arrive $0xFFFF  }
0x2fd: {  	_ =	strace $0x90000047  }
0x2fe: {  	s0 =	stileid.u32;
	[bflag:$0x2] =	sbarrier.arrive $0xFFFF  }
0x2ff: {  	p0 =	sne.s32 s0, $0x0;
	s0 =	rddreg [dreg:$0x3]  }
0x300: {  	s0 =	sadd.s32 @!p0 $0x100000, s0  }
0x301: {  	[sflag:s0] =	ssyncadd.tile.s32 @!p0 $0x1;
	_ =	shalt  }
.Lfunc_end2:
_tile_overlayer_lowered:
.L_overlay_start_2:
0x302: {  	(tag) =	ssettag $0x2  }
0x303: {  	s0 =	rddreg [dreg:$0x0];
	s2 =	stileid.u32  }
0x304: {  	s1 =	rddreg [dreg:$0x1];
	p0 =	sne.s32 s2, $0x0  }
0x305: {  	s3 =	rddreg [dreg:$0x2];
	[bflag:$0x3] =	sbarrier.arrive $0xFFFF;
	s2 =	simm.s32 @!p0 $0x1C07  }
0x306: {  	[timem:s3], [sflag:s2] =	dma.local @!p0 [hbm:s0], s1  }
0x307: {  	s0 =	simm.s32 @!p0 $0x7  }
0x308: {  	_ =	swait.ge @!p0 [sflag:s0], s1  }
0x309: {  	s1 =	ssub.s32 @!p0 $0x0, s1;
	[sflag:s0] =	ssyncset.done @!p0 $0x0  }
0x30a: {  	[sflag:s0] =	ssyncadd.s32 @!p0 s1  }
0x30b: {  	[bflag:$0x3] =	sbarrier.arrive $0xFFFF  }
0x30c: {  	_ =	shalt  }

</sc_bundles>
